<compile_context>
chip_gen: v7x
topology: tpu7x:2x2x1
jax: 0.10.2.dev20260603
libtpu: 0.0.44.dev20260713+nightly
codegen_flags: <defaults>
</compile_context>

<pallas_src>
import jax
import jax.numpy as jnp
from jax import lax
from jax.experimental import pallas as pl
from jax.experimental.pallas import tpu as pltpu
from jax.experimental.pallas import tpu_sc as plsc

_VOCAB = 1000000
_EMBED = 32
_HIDDEN = 128
_OUT = 50
_WINDOW = 5
_BATCH = 16384

_PACKR = 16384
_PACKB = 4 * _PACKR
_PSTEPS = -(-_VOCAB // _PACKB)
_TABR = _PSTEPS * _PACKR

_NC = 2
_NS = 16
_NW = _NC * _NS
_TOTAL = _BATCH * _WINDOW
_PER_W = _TOTAL // _NW
_CHUNK = 128
_NCHUNK = _PER_W // _CHUNK
_STG = 256
_NSTG = _PER_W // _STG
_CPS = _STG // _CHUNK

_BB = 1024


def _pack_body(t_ref, o_ref):
    t = t_ref[...]
    stacked = jnp.concatenate(
        [t[:, m * _PACKR:(m + 1) * _PACKR] for m in range(4)], axis=0
    )
    o_ref[...] = jnp.swapaxes(stacked, 0, 1)


def _pack(embT):
    return pl.pallas_call(
        _pack_body,
        grid=(_PSTEPS,),
        in_specs=[pl.BlockSpec((_EMBED, _PACKB), lambda i: (0, i))],
        out_specs=pl.BlockSpec((_PACKR, 4 * _EMBED), lambda i: (i, 0)),
        out_shape=jax.ShapeDtypeStruct((_TABR, 4 * _EMBED), jnp.float32),
    )(embT)


def _gather1_body(tab_hbm, idx_hbm, out_hbm, idx_v, buf_v, sem, osem):
    wid = lax.axis_index("s") * _NC + lax.axis_index("c")
    pltpu.sync_copy(idx_hbm.at[wid], idx_v)
    ocopies = [None] * _NSTG
    for s in range(_NSTG):
        if s >= 2:
            ocopies[s - 2].wait()
        gathers = []
        for c in range(_CPS):
            j = s * _CPS + c
            gathers.append(
                pltpu.async_copy(
                    tab_hbm.at[idx_v.at[j]],
                    buf_v.at[s % 2].at[pl.ds(c * _CHUNK, _CHUNK)],
                    sem,
                )
            )
        for g in gathers:
            g.wait()
        ocopies[s] = pltpu.async_copy(
            buf_v.at[s % 2],
            out_hbm.at[pl.ds(wid * _PER_W + s * _STG, _STG)],
            osem,
        )
    ocopies[_NSTG - 2].wait()
    ocopies[_NSTG - 1].wait()


def _gather1(tab, idx3):
    mesh = plsc.VectorSubcoreMesh(core_axis_name="c", subcore_axis_name="s")
    f = pl.kernel(
        _gather1_body,
        out_type=jax.ShapeDtypeStruct((_TOTAL, 4 * _EMBED), jnp.float32),
        mesh=mesh,
        scratch_types=[
            pltpu.VMEM((_NCHUNK, _CHUNK), jnp.int32),
            pltpu.VMEM((2, _STG, 4 * _EMBED), jnp.float32),
            pltpu.SemaphoreType.DMA,
            pltpu.SemaphoreType.DMA,
        ],
        compiler_params=pltpu.CompilerParams(use_tc_tiling_on_sc=False),
    )
    return f(tab, idx3)


def _gather2_body(tab_hbm, idx_hbm, out_hbm, idx_v, rows_v, sem):
    wid = lax.axis_index("s") * _NC + lax.axis_index("c")
    pltpu.sync_copy(idx_hbm.at[wid], idx_v)
    copies = []
    for j in range(_NCHUNK):
        copies.append(
            pltpu.async_copy(
                tab_hbm.at[idx_v.at[j]],
                rows_v.at[pl.ds(j * _CHUNK, _CHUNK)],
                sem,
            )
        )
    for c in copies:
        c.wait()
    pltpu.sync_copy(rows_v, out_hbm.at[pl.ds(wid * _PER_W, _PER_W)])


def _gather2(rows4, idx3):
    mesh = plsc.VectorSubcoreMesh(core_axis_name="c", subcore_axis_name="s")
    f = pl.kernel(
        _gather2_body,
        out_type=jax.ShapeDtypeStruct((_TOTAL, _EMBED), jnp.float32),
        mesh=mesh,
        scratch_types=[
            pltpu.VMEM((_NCHUNK, _CHUNK), jnp.int32),
            pltpu.VMEM((_PER_W, _EMBED), jnp.float32),
            pltpu.SemaphoreType.DMA,
        ],
        compiler_params=pltpu.CompilerParams(use_tc_tiling_on_sc=False),
    )
    return f(rows4.reshape(4 * _TOTAL, _EMBED), idx3)


_RPB = _BB * _EMBED // 128


def _mlp_body(x0, x1, x2, x3, x4, w1_ref, b1_ref, w2_ref, b2_ref, o_ref):
    for s in range(4):
        acc = None
        for k, xk in enumerate((x0, x1, x2, x3, x4)):
            d = jnp.dot(
                xk[:, s * _EMBED:(s + 1) * _EMBED],
                w1_ref[k],
                preferred_element_type=jnp.float32,
            )
            acc = d if acc is None else acc + d
        h = jnp.tanh(acc + b1_ref[...])
        o_ref[s] = (
            jnp.dot(h, w2_ref[...], preferred_element_type=jnp.float32)
            + b2_ref[...]
        )


def _mlp(xg, W1r, b1, W2, b2):
    xspec = lambda k: pl.BlockSpec(
        (_RPB, 128), lambda i, k=k: (k * (_BATCH // _BB) + i, 0)
    )
    out4 = pl.pallas_call(
        _mlp_body,
        grid=(_BATCH // _BB,),
        in_specs=[xspec(k) for k in range(_WINDOW)] + [
            pl.BlockSpec((_WINDOW, _EMBED, _HIDDEN), lambda i: (0, 0, 0)),
            pl.BlockSpec((1, _HIDDEN), lambda i: (0, 0)),
            pl.BlockSpec((_HIDDEN, _OUT), lambda i: (0, 0)),
            pl.BlockSpec((1, _OUT), lambda i: (0, 0)),
        ],
        out_specs=pl.BlockSpec((4, _RPB, _OUT), lambda i: (0, i, 0)),
        out_shape=jax.ShapeDtypeStruct((4, _BATCH // 4, _OUT), jnp.float32),
    )(xg, xg, xg, xg, xg, W1r, b1.reshape(1, _HIDDEN), W2, b2.reshape(1, _OUT))
    return jnp.transpose(out4, (1, 0, 2)).reshape(_BATCH, _OUT)


def kernel(x, emb, W1, b1, W2, b2):
    tab = _pack(emb.T)
    xt = x.T
    flat = xt.reshape(_TOTAL)
    row = (flat // _PACKB) * _PACKR + (flat % _PACKR)
    sub = 4 * jnp.arange(_TOTAL, dtype=jnp.int32) + (flat // _PACKR) % 4
    idx1 = row.reshape(_NW, _NCHUNK, _CHUNK)
    idx2 = sub.reshape(_NW, _NCHUNK, _CHUNK)
    rows4 = _gather1(tab, idx1)
    gathered = _gather2(rows4, idx2)
    graw = gathered.reshape(_TOTAL * _EMBED // 128, 128)
    W1r = W1.reshape(_WINDOW, _EMBED, _HIDDEN)
    return _mlp(graw, W1r, b1, W2, b2)

# --- scband reference (transcript-rebuilt; emitter-appended) ---
"""Pipeline reference for scband-window-tagger-33732673143483 (READ-ONLY COPY).

The authoritative reference and input builder live on the scoring server;
editing this copy changes nothing except your own understanding.
"""

import jax, jax.numpy as jnp
import numpy as np

VOCAB = 1000000
EMBED = 32
HIDDEN = 128
OUT = 50
WINDOW = 5
BATCH = 16384

def setup_inputs(seed: int = 0) -> dict:
    key = jax.random.key(seed)
    k1, k2, k3, k4, k5, k6 = jax.random.split(key, 6)
    x = jax.random.randint(k1, (BATCH, WINDOW), 0, VOCAB, dtype=jnp.int64 if jax.config.jax_enable_x64 else jnp.int32).astype(jnp.int32)
    emb = jax.random.normal(k2, (VOCAB, EMBED), dtype=jnp.float32) * 0.02
    emb = emb.at[0].set(0.0)  # padding_idx=0
    W1 = jax.random.normal(k3, (EMBED * WINDOW, HIDDEN), dtype=jnp.float32) * (1.0 / np.sqrt(EMBED * WINDOW))
    b1 = jax.random.normal(k4, (HIDDEN,), dtype=jnp.float32) * 0.01
    W2 = jax.random.normal(k5, (HIDDEN, OUT), dtype=jnp.float32) * (1.0 / np.sqrt(HIDDEN))
    b2 = jax.random.normal(k6, (OUT,), dtype=jnp.float32) * 0.01
    return {"x": x, "emb": emb, "W1": W1, "b1": b1, "W2": W2, "b2": b2}

def reference(x, emb, W1, b1, W2, b2):
    embedded = jnp.take(emb, x, axis=0)               # [B, 5, E] gather
    embedded = embedded.reshape(embedded.shape[0], -1)  # [B, 5*E]
    hidden = jnp.tanh(embedded @ W1 + b1)
    output = hidden @ W2 + b2
    return output

if __name__ == "__main__":
    import jax
    _d = setup_inputs()
    print(jax.jit(kernel)(*tuple(_d.values())))

</pallas_src>

<mosaic_0001>
#map = affine_map<(d0, d1) -> (0, 0)>
#map1 = affine_map<(d0, d1) -> (0, 0, 0)>
module attributes {stable_mosaic.version = 14 : i64} {
  func.func @_gather1_body(%arg0: i32, %arg1: i32, %arg2: memref<262144x128xf32, #tpu.memory_space<hbm>>, %arg3: memref<32x20x128xi32, #tpu.memory_space<hbm>>, %arg4: memref<81920x128xf32, #tpu.memory_space<hbm>>, %arg5: memref<20x128xi32, #tpu.memory_space<vmem>>, %arg6: memref<2x256x128xf32, #tpu.memory_space<vmem>>, %arg7: memref<!tpu.dma_semaphore, #tpu.memory_space<semaphore_mem>>, %arg8: memref<!tpu.dma_semaphore, #tpu.memory_space<semaphore_mem>>) attributes {dimension_semantics = [#tpu.dimension_semantics<core_parallel>, #tpu.dimension_semantics<subcore_parallel>], iteration_bounds = array<i64: 2, 16>, scalar_prefetch = 0 : i64, scratch_operands = 4 : i64, tpu.core_type = #tpu.core_type<sc_vector_subcore>, window_params = [{transform_indices = #map}, {transform_indices = #map1}, {transform_indices = #map}]} {
    %mul3A = arith.constant 2 : i32
    %mul3A_0 = arith.muli %arg1, %mul3A : i32
    %add3A = arith.addi %mul3A_0, %arg0 : i32
    "tpu.region"() ({
      %run_scoped3A = tpu.sem_alloc : memref<!tpu.dma_semaphore, #tpu.memory_space<semaphore_mem>>
      %dma_start3A_899 = arith.constant 0 : i32
      %dma_start3A_900 = arith.constant 0 : i32
      %dma_start3A_901 = tpu.memref_slice %arg3[%add3A, %dma_start3A_899, %dma_start3A_900] : memref<32x20x128xi32, #tpu.memory_space<hbm>> -> memref<1x20x128xi32, #tpu.memory_space<hbm>>
      %dma_start3A_902 = tpu.memref_squeeze %dma_start3A_901 : memref<1x20x128xi32, #tpu.memory_space<hbm>> -> memref<20x128xi32, #tpu.memory_space<hbm>>
      %dma_start3A_903 = arith.constant 0 : i32
      %dma_start3A_904 = arith.constant 0 : i32
      %dma_start3A_905 = tpu.memref_slice %arg3[%add3A, %dma_start3A_903, %dma_start3A_904] : memref<32x20x128xi32, #tpu.memory_space<hbm>> -> memref<1x20x128xi32, #tpu.memory_space<hbm>>
      %dma_start3A_906 = tpu.memref_squeeze %dma_start3A_905 : memref<1x20x128xi32, #tpu.memory_space<hbm>> -> memref<20x128xi32, #tpu.memory_space<hbm>>
      tpu.enqueue_dma source(%dma_start3A_906 : memref<20x128xi32, #tpu.memory_space<hbm>>) target(%arg5 : memref<20x128xi32, #tpu.memory_space<vmem>>) target_semaphore(%run_scoped3A : memref<!tpu.dma_semaphore, #tpu.memory_space<semaphore_mem>>)
      %dma_wait3A_907 = arith.constant 0 : i32
      %dma_wait3A_908 = arith.constant 0 : i32
      %dma_wait3A_909 = tpu.memref_slice %arg3[%add3A, %dma_wait3A_907, %dma_wait3A_908] : memref<32x20x128xi32, #tpu.memory_space<hbm>> -> memref<1x20x128xi32, #tpu.memory_space<hbm>>
      %dma_wait3A_910 = tpu.memref_squeeze %dma_wait3A_909 : memref<1x20x128xi32, #tpu.memory_space<hbm>> -> memref<20x128xi32, #tpu.memory_space<hbm>>
      %dma_wait3A_911 = arith.constant 0 : i32
      %dma_wait3A_912 = arith.constant 0 : i32
      %dma_wait3A_913 = tpu.memref_slice %arg3[%add3A, %dma_wait3A_911, %dma_wait3A_912] : memref<32x20x128xi32, #tpu.memory_space<hbm>> -> memref<1x20x128xi32, #tpu.memory_space<hbm>>
      %dma_wait3A_914 = tpu.memref_squeeze %dma_wait3A_913 : memref<1x20x128xi32, #tpu.memory_space<hbm>> -> memref<20x128xi32, #tpu.memory_space<hbm>>
      tpu.wait_dma2 semaphore(%run_scoped3A : memref<!tpu.dma_semaphore, #tpu.memory_space<semaphore_mem>>) src(%dma_wait3A_914 : memref<20x128xi32, #tpu.memory_space<hbm>>) dst(%arg5 : memref<20x128xi32, #tpu.memory_space<vmem>>)
      tpu.yield
    }) : () -> ()
    %dma_start3A = arith.constant 0 : i32
    %dma_start3A_1 = arith.constant 0 : i32
    %dma_start3A_2 = arith.constant 0 : i32
    %dma_start3A_3 = arith.constant 0 : i32
    %dma_start3A_4 = tpu.memref_slice %arg6[%dma_start3A_1, %dma_start3A_2, %dma_start3A_3] : memref<2x256x128xf32, #tpu.memory_space<vmem>> -> memref<1x256x128xf32, #tpu.memory_space<vmem>>
    %dma_start3A_5 = tpu.memref_squeeze %dma_start3A_4 : memref<1x256x128xf32, #tpu.memory_space<vmem>> -> memref<256x128xf32, #tpu.memory_space<vmem>>
    %dma_start3A_6 = arith.constant 0 : i32
    %dma_start3A_7 = arith.constant 0 : i32
    %dma_start3A_8 = tpu.memref_slice %dma_start3A_5[%dma_start3A_6, %dma_start3A_7] : memref<256x128xf32, #tpu.memory_space<vmem>> -> memref<128x128xf32, #tpu.memory_space<vmem>>
    %dma_start3A_9 = arith.constant 0 : i32
    %dma_start3A_10 = tpu.memref_slice %arg5[%dma_start3A, %dma_start3A_9] : memref<20x128xi32, #tpu.memory_space<vmem>> -> memref<1x128xi32, #tpu.memory_space<vmem>>
    %dma_start3A_11 = tpu.memref_squeeze %dma_start3A_10 : memref<1x128xi32, #tpu.memory_space<vmem>> -> memref<128xi32, #tpu.memory_space<vmem>>
    %dma_start3A_12 = arith.constant 0 : i32
    %dma_start3A_13 = arith.constant 0 : i32
    %dma_start3A_14 = tpu.memref_slice %arg2[%dma_start3A_12, %dma_start3A_13] : memref<262144x128xf32, #tpu.memory_space<hbm>> -> memref<262144x128xf32, #tpu.memory_space<hbm>>
    tpu.enqueue_indirect_dma source(%dma_start3A_14 : memref<262144x128xf32, #tpu.memory_space<hbm>>) target(%dma_start3A_8 : memref<128x128xf32, #tpu.memory_space<vmem>>) offsets(%dma_start3A_11 : memref<128xi32, #tpu.memory_space<vmem>>) semaphore(%arg7 : memref<!tpu.dma_semaphore, #tpu.memory_space<semaphore_mem>>)
    %dma_start3A_15 = arith.constant 1 : i32
    %dma_start3A_16 = arith.constant 0 : i32
    %dma_start3A_17 = arith.constant 0 : i32
    %dma_start3A_18 = arith.constant 0 : i32
    %dma_start3A_19 = tpu.memref_slice %arg6[%dma_start3A_16, %dma_start3A_17, %dma_start3A_18] : memref<2x256x128xf32, #tpu.memory_space<vmem>> -> memref<1x256x128xf32, #tpu.memory_space<vmem>>
    %dma_start3A_20 = tpu.memref_squeeze %dma_start3A_19 : memref<1x256x128xf32, #tpu.memory_space<vmem>> -> memref<256x128xf32, #tpu.memory_space<vmem>>
    %dma_start3A_21 = arith.constant 128 : i32
    %dma_start3A_22 = arith.constant 0 : i32
    %dma_start3A_23 = tpu.memref_slice %dma_start3A_20[%dma_start3A_21, %dma_start3A_22] : memref<256x128xf32, #tpu.memory_space<vmem>> -> memref<128x128xf32, #tpu.memory_space<vmem>>
    %dma_start3A_24 = arith.constant 0 : i32
    %dma_start3A_25 = tpu.memref_slice %arg5[%dma_start3A_15, %dma_start3A_24] : memref<20x128xi32, #tpu.memory_space<vmem>> -> memref<1x128xi32, #tpu.memory_space<vmem>>
    %dma_start3A_26 = tpu.memref_squeeze %dma_start3A_25 : memref<1x128xi32, #tpu.memory_space<vmem>> -> memref<128xi32, #tpu.memory_space<vmem>>
    %dma_start3A_27 = arith.constant 0 : i32
    %dma_start3A_28 = arith.constant 0 : i32
    %dma_start3A_29 = tpu.memref_slice %arg2[%dma_start3A_27, %dma_start3A_28] : memref<262144x128xf32, #tpu.memory_space<hbm>> -> memref<262144x128xf32, #tpu.memory_space<hbm>>
    tpu.enqueue_indirect_dma source(%dma_start3A_29 : memref<262144x128xf32, #tpu.memory_space<hbm>>) target(%dma_start3A_23 : memref<128x128xf32, #tpu.memory_space<vmem>>) offsets(%dma_start3A_26 : memref<128xi32, #tpu.memory_space<vmem>>) semaphore(%arg7 : memref<!tpu.dma_semaphore, #tpu.memory_space<semaphore_mem>>)
    %dma_wait3A = arith.constant 0 : i32
    %dma_wait3A_30 = arith.constant 0 : i32
    %dma_wait3A_31 = arith.constant 0 : i32
    %dma_wait3A_32 = arith.constant 0 : i32
    %dma_wait3A_33 = tpu.memref_slice %arg6[%dma_wait3A_30, %dma_wait3A_31, %dma_wait3A_32] : memref<2x256x128xf32, #tpu.memory_space<vmem>> -> memref<1x256x128xf32, #tpu.memory_space<vmem>>
    %dma_wait3A_34 = tpu.memref_squeeze %dma_wait3A_33 : memref<1x256x128xf32, #tpu.memory_space<vmem>> -> memref<256x128xf32, #tpu.memory_space<vmem>>
    %dma_wait3A_35 = arith.constant 0 : i32
    %dma_wait3A_36 = arith.constant 0 : i32
    %dma_wait3A_37 = tpu.memref_slice %dma_wait3A_34[%dma_wait3A_35, %dma_wait3A_36] : memref<256x128xf32, #tpu.memory_space<vmem>> -> memref<128x128xf32, #tpu.memory_space<vmem>>
    %dma_wait3A_38 = arith.constant 0 : i32
    %dma_wait3A_39 = tpu.memref_slice %arg5[%dma_wait3A, %dma_wait3A_38] : memref<20x128xi32, #tpu.memory_space<vmem>> -> memref<1x128xi32, #tpu.memory_space<vmem>>
    %dma_wait3A_40 = tpu.memref_squeeze %dma_wait3A_39 : memref<1x128xi32, #tpu.memory_space<vmem>> -> memref<128xi32, #tpu.memory_space<vmem>>
    %dma_wait3A_41 = arith.constant 0 : i32
    %dma_wait3A_42 = arith.constant 0 : i32
    %dma_wait3A_43 = tpu.memref_slice %arg2[%dma_wait3A_41, %dma_wait3A_42] : memref<262144x128xf32, #tpu.memory_space<hbm>> -> memref<262144x128xf32, #tpu.memory_space<hbm>>
    tpu.wait_indirect_dma semaphore(%arg7 : memref<!tpu.dma_semaphore, #tpu.memory_space<semaphore_mem>>) src(%dma_wait3A_43 : memref<262144x128xf32, #tpu.memory_space<hbm>>) dst(%dma_wait3A_37 : memref<128x128xf32, #tpu.memory_space<vmem>>)
    %dma_wait3A_44 = arith.constant 1 : i32
    %dma_wait3A_45 = arith.constant 0 : i32
    %dma_wait3A_46 = arith.constant 0 : i32
    %dma_wait3A_47 = arith.constant 0 : i32
    %dma_wait3A_48 = tpu.memref_slice %arg6[%dma_wait3A_45, %dma_wait3A_46, %dma_wait3A_47] : memref<2x256x128xf32, #tpu.memory_space<vmem>> -> memref<1x256x128xf32, #tpu.memory_space<vmem>>
    %dma_wait3A_49 = tpu.memref_squeeze %dma_wait3A_48 : memref<1x256x128xf32, #tpu.memory_space<vmem>> -> memref<256x128xf32, #tpu.memory_space<vmem>>
    %dma_wait3A_50 = arith.constant 128 : i32
    %dma_wait3A_51 = arith.constant 0 : i32
    %dma_wait3A_52 = tpu.memref_slice %dma_wait3A_49[%dma_wait3A_50, %dma_wait3A_51] : memref<256x128xf32, #tpu.memory_space<vmem>> -> memref<128x128xf32, #tpu.memory_space<vmem>>
    %dma_wait3A_53 = arith.constant 0 : i32
    %dma_wait3A_54 = tpu.memref_slice %arg5[%dma_wait3A_44, %dma_wait3A_53] : memref<20x128xi32, #tpu.memory_space<vmem>> -> memref<1x128xi32, #tpu.memory_space<vmem>>
    %dma_wait3A_55 = tpu.memref_squeeze %dma_wait3A_54 : memref<1x128xi32, #tpu.memory_space<vmem>> -> memref<128xi32, #tpu.memory_space<vmem>>
    %dma_wait3A_56 = arith.constant 0 : i32
    %dma_wait3A_57 = arith.constant 0 : i32
    %dma_wait3A_58 = tpu.memref_slice %arg2[%dma_wait3A_56, %dma_wait3A_57] : memref<262144x128xf32, #tpu.memory_space<hbm>> -> memref<262144x128xf32, #tpu.memory_space<hbm>>
    tpu.wait_indirect_dma semaphore(%arg7 : memref<!tpu.dma_semaphore, #tpu.memory_space<semaphore_mem>>) src(%dma_wait3A_58 : memref<262144x128xf32, #tpu.memory_space<hbm>>) dst(%dma_wait3A_52 : memref<128x128xf32, #tpu.memory_space<vmem>>)
    %mul3A_59 = arith.constant 2560 : i32
    %mul3A_60 = arith.muli %add3A, %mul3A_59 : i32
    %add3A_61 = arith.constant 0 : i32
    %add3A_62 = arith.addi %mul3A_60, %add3A_61 : i32
    %dma_start3A_63 = arith.constant 0 : i32
    %dma_start3A_64 = arith.constant 0 : i32
    %dma_start3A_65 = arith.constant 0 : i32
    %dma_start3A_66 = tpu.memref_slice %arg6[%dma_start3A_63, %dma_start3A_64, %dma_start3A_65] : memref<2x256x128xf32, #tpu.memory_space<vmem>> -> memref<1x256x128xf32, #tpu.memory_space<vmem>>
    %dma_start3A_67 = tpu.memref_squeeze %dma_start3A_66 : memref<1x256x128xf32, #tpu.memory_space<vmem>> -> memref<256x128xf32, #tpu.memory_space<vmem>>
    %dma_start3A_68 = arith.constant 0 : i32
    %dma_start3A_69 = tpu.memref_slice %arg4[%add3A_62, %dma_start3A_68] : memref<81920x128xf32, #tpu.memory_space<hbm>> -> memref<256x128xf32, #tpu.memory_space<hbm>>
    %dma_start3A_70 = arith.constant 0 : i32
    %dma_start3A_71 = tpu.memref_slice %arg4[%add3A_62, %dma_start3A_70] : memref<81920x128xf32, #tpu.memory_space<hbm>> -> memref<256x128xf32, #tpu.memory_space<hbm>>
    %dma_start3A_72 = arith.constant 0 : i32
    %dma_start3A_73 = arith.constant 0 : i32
    %dma_start3A_74 = tpu.memref_slice %arg6[%dma_start3A_63, %dma_start3A_72, %dma_start3A_73] : memref<2x256x128xf32, #tpu.memory_space<vmem>> -> memref<1x256x128xf32, #tpu.memory_space<vmem>>
    %dma_start3A_75 = tpu.memref_squeeze %dma_start3A_74 : memref<1x256x128xf32, #tpu.memory_space<vmem>> -> memref<256x128xf32, #tpu.memory_space<vmem>>
    tpu.enqueue_dma source(%dma_start3A_75 : memref<256x128xf32, #tpu.memory_space<vmem>>) target(%dma_start3A_71 : memref<256x128xf32, #tpu.memory_space<hbm>>) target_semaphore(%arg8 : memref<!tpu.dma_semaphore, #tpu.memory_space<semaphore_mem>>)
    %dma_start3A_76 = arith.constant 2 : i32
    %dma_start3A_77 = arith.constant 1 : i32
    %dma_start3A_78 = arith.constant 0 : i32
    %dma_start3A_79 = arith.constant 0 : i32
    %dma_start3A_80 = tpu.memref_slice %arg6[%dma_start3A_77, %dma_start3A_78, %dma_start3A_79] : memref<2x256x128xf32, #tpu.memory_space<vmem>> -> memref<1x256x128xf32, #tpu.memory_space<vmem>>
    %dma_start3A_81 = tpu.memref_squeeze %dma_start3A_80 : memref<1x256x128xf32, #tpu.memory_space<vmem>> -> memref<256x128xf32, #tpu.memory_space<vmem>>
    %dma_start3A_82 = arith.constant 0 : i32
    %dma_start3A_83 = arith.constant 0 : i32
    %dma_start3A_84 = tpu.memref_slice %dma_start3A_81[%dma_start3A_82, %dma_start3A_83] : memref<256x128xf32, #tpu.memory_space<vmem>> -> memref<128x128xf32, #tpu.memory_space<vmem>>
    %dma_start3A_85 = arith.constant 0 : i32
    %dma_start3A_86 = tpu.memref_slice %arg5[%dma_start3A_76, %dma_start3A_85] : memref<20x128xi32, #tpu.memory_space<vmem>> -> memref<1x128xi32, #tpu.memory_space<vmem>>
    %dma_start3A_87 = tpu.memref_squeeze %dma_start3A_86 : memref<1x128xi32, #tpu.memory_space<vmem>> -> memref<128xi32, #tpu.memory_space<vmem>>
    %dma_start3A_88 = arith.constant 0 : i32
    %dma_start3A_89 = arith.constant 0 : i32
    %dma_start3A_90 = tpu.memref_slice %arg2[%dma_start3A_88, %dma_start3A_89] : memref<262144x128xf32, #tpu.memory_space<hbm>> -> memref<262144x128xf32, #tpu.memory_space<hbm>>
    tpu.enqueue_indirect_dma source(%dma_start3A_90 : memref<262144x128xf32, #tpu.memory_space<hbm>>) target(%dma_start3A_84 : memref<128x128xf32, #tpu.memory_space<vmem>>) offsets(%dma_start3A_87 : memref<128xi32, #tpu.memory_space<vmem>>) semaphore(%arg7 : memref<!tpu.dma_semaphore, #tpu.memory_space<semaphore_mem>>)
    %dma_start3A_91 = arith.constant 3 : i32
    %dma_start3A_92 = arith.constant 1 : i32
    %dma_start3A_93 = arith.constant 0 : i32
    %dma_start3A_94 = arith.constant 0 : i32
    %dma_start3A_95 = tpu.memref_slice %arg6[%dma_start3A_92, %dma_start3A_93, %dma_start3A_94] : memref<2x256x128xf32, #tpu.memory_space<vmem>> -> memref<1x256x128xf32, #tpu.memory_space<vmem>>
    %dma_start3A_96 = tpu.memref_squeeze %dma_start3A_95 : memref<1x256x128xf32, #tpu.memory_space<vmem>> -> memref<256x128xf32, #tpu.memory_space<vmem>>
    %dma_start3A_97 = arith.constant 128 : i32
    %dma_start3A_98 = arith.constant 0 : i32
    %dma_start3A_99 = tpu.memref_slice %dma_start3A_96[%dma_start3A_97, %dma_start3A_98] : memref<256x128xf32, #tpu.memory_space<vmem>> -> memref<128x128xf32, #tpu.memory_space<vmem>>
    %dma_start3A_100 = arith.constant 0 : i32
    %dma_start3A_101 = tpu.memref_slice %arg5[%dma_start3A_91, %dma_start3A_100] : memref<20x128xi32, #tpu.memory_space<vmem>> -> memref<1x128xi32, #tpu.memory_space<vmem>>
    %dma_start3A_102 = tpu.memref_squeeze %dma_start3A_101 : memref<1x128xi32, #tpu.memory_space<vmem>> -> memref<128xi32, #tpu.memory_space<vmem>>
    %dma_start3A_103 = arith.constant 0 : i32
    %dma_start3A_104 = arith.constant 0 : i32
    %dma_start3A_105 = tpu.memref_slice %arg2[%dma_start3A_103, %dma_start3A_104] : memref<262144x128xf32, #tpu.memory_space<hbm>> -> memref<262144x128xf32, #tpu.memory_space<hbm>>
    tpu.enqueue_indirect_dma source(%dma_start3A_105 : memref<262144x128xf32, #tpu.memory_space<hbm>>) target(%dma_start3A_99 : memref<128x128xf32, #tpu.memory_space<vmem>>) offsets(%dma_start3A_102 : memref<128xi32, #tpu.memory_space<vmem>>) semaphore(%arg7 : memref<!tpu.dma_semaphore, #tpu.memory_space<semaphore_mem>>)
    %dma_wait3A_106 = arith.constant 2 : i32
    %dma_wait3A_107 = arith.constant 1 : i32
    %dma_wait3A_108 = arith.constant 0 : i32
    %dma_wait3A_109 = arith.constant 0 : i32
    %dma_wait3A_110 = tpu.memref_slice %arg6[%dma_wait3A_107, %dma_wait3A_108, %dma_wait3A_109] : memref<2x256x128xf32, #tpu.memory_space<vmem>> -> memref<1x256x128xf32, #tpu.memory_space<vmem>>
    %dma_wait3A_111 = tpu.memref_squeeze %dma_wait3A_110 : memref<1x256x128xf32, #tpu.memory_space<vmem>> -> memref<256x128xf32, #tpu.memory_space<vmem>>
    %dma_wait3A_112 = arith.constant 0 : i32
    %dma_wait3A_113 = arith.constant 0 : i32
    %dma_wait3A_114 = tpu.memref_slice %dma_wait3A_111[%dma_wait3A_112, %dma_wait3A_113] : memref<256x128xf32, #tpu.memory_space<vmem>> -> memref<128x128xf32, #tpu.memory_space<vmem>>
    %dma_wait3A_115 = arith.constant 0 : i32
    %dma_wait3A_116 = tpu.memref_slice %arg5[%dma_wait3A_106, %dma_wait3A_115] : memref<20x128xi32, #tpu.memory_space<vmem>> -> memref<1x128xi32, #tpu.memory_space<vmem>>
    %dma_wait3A_117 = tpu.memref_squeeze %dma_wait3A_116 : memref<1x128xi32, #tpu.memory_space<vmem>> -> memref<128xi32, #tpu.memory_space<vmem>>
    %dma_wait3A_118 = arith.constant 0 : i32
    %dma_wait3A_119 = arith.constant 0 : i32
    %dma_wait3A_120 = tpu.memref_slice %arg2[%dma_wait3A_118, %dma_wait3A_119] : memref<262144x128xf32, #tpu.memory_space<hbm>> -> memref<262144x128xf32, #tpu.memory_space<hbm>>
    tpu.wait_indirect_dma semaphore(%arg7 : memref<!tpu.dma_semaphore, #tpu.memory_space<semaphore_mem>>) src(%dma_wait3A_120 : memref<262144x128xf32, #tpu.memory_space<hbm>>) dst(%dma_wait3A_114 : memref<128x128xf32, #tpu.memory_space<vmem>>)
    %dma_wait3A_121 = arith.constant 3 : i32
    %dma_wait3A_122 = arith.constant 1 : i32
    %dma_wait3A_123 = arith.constant 0 : i32
    %dma_wait3A_124 = arith.constant 0 : i32
    %dma_wait3A_125 = tpu.memref_slice %arg6[%dma_wait3A_122, %dma_wait3A_123, %dma_wait3A_124] : memref<2x256x128xf32, #tpu.memory_space<vmem>> -> memref<1x256x128xf32, #tpu.memory_space<vmem>>
    %dma_wait3A_126 = tpu.memref_squeeze %dma_wait3A_125 : memref<1x256x128xf32, #tpu.memory_space<vmem>> -> memref<256x128xf32, #tpu.memory_space<vmem>>
    %dma_wait3A_127 = arith.constant 128 : i32
    %dma_wait3A_128 = arith.constant 0 : i32
    %dma_wait3A_129 = tpu.memref_slice %dma_wait3A_126[%dma_wait3A_127, %dma_wait3A_128] : memref<256x128xf32, #tpu.memory_space<vmem>> -> memref<128x128xf32, #tpu.memory_space<vmem>>
    %dma_wait3A_130 = arith.constant 0 : i32
    %dma_wait3A_131 = tpu.memref_slice %arg5[%dma_wait3A_121, %dma_wait3A_130] : memref<20x128xi32, #tpu.memory_space<vmem>> -> memref<1x128xi32, #tpu.memory_space<vmem>>
    %dma_wait3A_132 = tpu.memref_squeeze %dma_wait3A_131 : memref<1x128xi32, #tpu.memory_space<vmem>> -> memref<128xi32, #tpu.memory_space<vmem>>
    %dma_wait3A_133 = arith.constant 0 : i32
    %dma_wait3A_134 = arith.constant 0 : i32
    %dma_wait3A_135 = tpu.memref_slice %arg2[%dma_wait3A_133, %dma_wait3A_134] : memref<262144x128xf32, #tpu.memory_space<hbm>> -> memref<262144x128xf32, #tpu.memory_space<hbm>>
    tpu.wait_indirect_dma semaphore(%arg7 : memref<!tpu.dma_semaphore, #tpu.memory_space<semaphore_mem>>) src(%dma_wait3A_135 : memref<262144x128xf32, #tpu.memory_space<hbm>>) dst(%dma_wait3A_129 : memref<128x128xf32, #tpu.memory_space<vmem>>)
    %mul3A_136 = arith.constant 2560 : i32
    %mul3A_137 = arith.muli %add3A, %mul3A_136 : i32
    %add3A_138 = arith.constant 256 : i32
    %add3A_139 = arith.addi %mul3A_137, %add3A_138 : i32
    %dma_start3A_140 = arith.constant 1 : i32
    %dma_start3A_141 = arith.constant 0 : i32
    %dma_start3A_142 = arith.constant 0 : i32
    %dma_start3A_143 = tpu.memref_slice %arg6[%dma_start3A_140, %dma_start3A_141, %dma_start3A_142] : memref<2x256x128xf32, #tpu.memory_space<vmem>> -> memref<1x256x128xf32, #tpu.memory_space<vmem>>
    %dma_start3A_144 = tpu.memref_squeeze %dma_start3A_143 : memref<1x256x128xf32, #tpu.memory_space<vmem>> -> memref<256x128xf32, #tpu.memory_space<vmem>>
    %dma_start3A_145 = arith.constant 0 : i32
    %dma_start3A_146 = tpu.memref_slice %arg4[%add3A_139, %dma_start3A_145] : memref<81920x128xf32, #tpu.memory_space<hbm>> -> memref<256x128xf32, #tpu.memory_space<hbm>>
    %dma_start3A_147 = arith.constant 0 : i32
    %dma_start3A_148 = tpu.memref_slice %arg4[%add3A_139, %dma_start3A_147] : memref<81920x128xf32, #tpu.memory_space<hbm>> -> memref<256x128xf32, #tpu.memory_space<hbm>>
    %dma_start3A_149 = arith.constant 0 : i32
    %dma_start3A_150 = arith.constant 0 : i32
    %dma_start3A_151 = tpu.memref_slice %arg6[%dma_start3A_140, %dma_start3A_149, %dma_start3A_150] : memref<2x256x128xf32, #tpu.memory_space<vmem>> -> memref<1x256x128xf32, #tpu.memory_space<vmem>>
    %dma_start3A_152 = tpu.memref_squeeze %dma_start3A_151 : memref<1x256x128xf32, #tpu.memory_space<vmem>> -> memref<256x128xf32, #tpu.memory_space<vmem>>
    tpu.enqueue_dma source(%dma_start3A_152 : memref<256x128xf32, #tpu.memory_space<vmem>>) target(%dma_start3A_148 : memref<256x128xf32, #tpu.memory_space<hbm>>) target_semaphore(%arg8 : memref<!tpu.dma_semaphore, #tpu.memory_space<semaphore_mem>>)
    %dma_wait3A_153 = arith.constant 0 : i32
    %dma_wait3A_154 = arith.constant 0 : i32
    %dma_wait3A_155 = arith.constant 0 : i32
    %dma_wait3A_156 = tpu.memref_slice %arg6[%dma_wait3A_153, %dma_wait3A_154, %dma_wait3A_155] : memref<2x256x128xf32, #tpu.memory_space<vmem>> -> memref<1x256x128xf32, #tpu.memory_space<vmem>>
    %dma_wait3A_157 = tpu.memref_squeeze %dma_wait3A_156 : memref<1x256x128xf32, #tpu.memory_space<vmem>> -> memref<256x128xf32, #tpu.memory_space<vmem>>
    %dma_wait3A_158 = arith.constant 0 : i32
    %dma_wait3A_159 = tpu.memref_slice %arg4[%add3A_62, %dma_wait3A_158] : memref<81920x128xf32, #tpu.memory_space<hbm>> -> memref<256x128xf32, #tpu.memory_space<hbm>>
    %dma_wait3A_160 = arith.constant 0 : i32
    %dma_wait3A_161 = tpu.memref_slice %arg4[%add3A_62, %dma_wait3A_160] : memref<81920x128xf32, #tpu.memory_space<hbm>> -> memref<256x128xf32, #tpu.memory_space<hbm>>
    %dma_wait3A_162 = arith.constant 0 : i32
    %dma_wait3A_163 = arith.constant 0 : i32
    %dma_wait3A_164 = tpu.memref_slice %arg6[%dma_wait3A_153, %dma_wait3A_162, %dma_wait3A_163] : memref<2x256x128xf32, #tpu.memory_space<vmem>> -> memref<1x256x128xf32, #tpu.memory_space<vmem>>
    %dma_wait3A_165 = tpu.memref_squeeze %dma_wait3A_164 : memref<1x256x128xf32, #tpu.memory_space<vmem>> -> memref<256x128xf32, #tpu.memory_space<vmem>>
    tpu.wait_dma2 semaphore(%arg8 : memref<!tpu.dma_semaphore, #tpu.memory_space<semaphore_mem>>) src(%dma_wait3A_165 : memref<256x128xf32, #tpu.memory_space<vmem>>) dst(%dma_wait3A_161 : memref<256x128xf32, #tpu.memory_space<hbm>>)
    %dma_start3A_166 = arith.constant 4 : i32
    %dma_start3A_167 = arith.constant 0 : i32
    %dma_start3A_168 = arith.constant 0 : i32
    %dma_start3A_169 = arith.constant 0 : i32
    %dma_start3A_170 = tpu.memref_slice %arg6[%dma_start3A_167, %dma_start3A_168, %dma_start3A_169] : memref<2x256x128xf32, #tpu.memory_space<vmem>> -> memref<1x256x128xf32, #tpu.memory_space<vmem>>
    %dma_start3A_171 = tpu.memref_squeeze %dma_start3A_170 : memref<1x256x128xf32, #tpu.memory_space<vmem>> -> memref<256x128xf32, #tpu.memory_space<vmem>>
    %dma_start3A_172 = arith.constant 0 : i32
    %dma_start3A_173 = arith.constant 0 : i32
    %dma_start3A_174 = tpu.memref_slice %dma_start3A_171[%dma_start3A_172, %dma_start3A_173] : memref<256x128xf32, #tpu.memory_space<vmem>> -> memref<128x128xf32, #tpu.memory_space<vmem>>
    %dma_start3A_175 = arith.constant 0 : i32
    %dma_start3A_176 = tpu.memref_slice %arg5[%dma_start3A_166, %dma_start3A_175] : memref<20x128xi32, #tpu.memory_space<vmem>> -> memref<1x128xi32, #tpu.memory_space<vmem>>
    %dma_start3A_177 = tpu.memref_squeeze %dma_start3A_176 : memref<1x128xi32, #tpu.memory_space<vmem>> -> memref<128xi32, #tpu.memory_space<vmem>>
    %dma_start3A_178 = arith.constant 0 : i32
    %dma_start3A_179 = arith.constant 0 : i32
    %dma_start3A_180 = tpu.memref_slice %arg2[%dma_start3A_178, %dma_start3A_179] : memref<262144x128xf32, #tpu.memory_space<hbm>> -> memref<262144x128xf32, #tpu.memory_space<hbm>>
    tpu.enqueue_indirect_dma source(%dma_start3A_180 : memref<262144x128xf32, #tpu.memory_space<hbm>>) target(%dma_start3A_174 : memref<128x128xf32, #tpu.memory_space<vmem>>) offsets(%dma_start3A_177 : memref<128xi32, #tpu.memory_space<vmem>>) semaphore(%arg7 : memref<!tpu.dma_semaphore, #tpu.memory_space<semaphore_mem>>)
    %dma_start3A_181 = arith.constant 5 : i32
    %dma_start3A_182 = arith.constant 0 : i32
    %dma_start3A_183 = arith.constant 0 : i32
    %dma_start3A_184 = arith.constant 0 : i32
    %dma_start3A_185 = tpu.memref_slice %arg6[%dma_start3A_182, %dma_start3A_183, %dma_start3A_184] : memref<2x256x128xf32, #tpu.memory_space<vmem>> -> memref<1x256x128xf32, #tpu.memory_space<vmem>>
    %dma_start3A_186 = tpu.memref_squeeze %dma_start3A_185 : memref<1x256x128xf32, #tpu.memory_space<vmem>> -> memref<256x128xf32, #tpu.memory_space<vmem>>
    %dma_start3A_187 = arith.constant 128 : i32
    %dma_start3A_188 = arith.constant 0 : i32
    %dma_start3A_189 = tpu.memref_slice %dma_start3A_186[%dma_start3A_187, %dma_start3A_188] : memref<256x128xf32, #tpu.memory_space<vmem>> -> memref<128x128xf32, #tpu.memory_space<vmem>>
    %dma_start3A_190 = arith.constant 0 : i32
    %dma_start3A_191 = tpu.memref_slice %arg5[%dma_start3A_181, %dma_start3A_190] : memref<20x128xi32, #tpu.memory_space<vmem>> -> memref<1x128xi32, #tpu.memory_space<vmem>>
    %dma_start3A_192 = tpu.memref_squeeze %dma_start3A_191 : memref<1x128xi32, #tpu.memory_space<vmem>> -> memref<128xi32, #tpu.memory_space<vmem>>
    %dma_start3A_193 = arith.constant 0 : i32
    %dma_start3A_194 = arith.constant 0 : i32
    %dma_start3A_195 = tpu.memref_slice %arg2[%dma_start3A_193, %dma_start3A_194] : memref<262144x128xf32, #tpu.memory_space<hbm>> -> memref<262144x128xf32, #tpu.memory_space<hbm>>
    tpu.enqueue_indirect_dma source(%dma_start3A_195 : memref<262144x128xf32, #tpu.memory_space<hbm>>) target(%dma_start3A_189 : memref<128x128xf32, #tpu.memory_space<vmem>>) offsets(%dma_start3A_192 : memref<128xi32, #tpu.memory_space<vmem>>) semaphore(%arg7 : memref<!tpu.dma_semaphore, #tpu.memory_space<semaphore_mem>>)
    %dma_wait3A_196 = arith.constant 4 : i32
    %dma_wait3A_197 = arith.constant 0 : i32
    %dma_wait3A_198 = arith.constant 0 : i32
    %dma_wait3A_199 = arith.constant 0 : i32
    %dma_wait3A_200 = tpu.memref_slice %arg6[%dma_wait3A_197, %dma_wait3A_198, %dma_wait3A_199] : memref<2x256x128xf32, #tpu.memory_space<vmem>> -> memref<1x256x128xf32, #tpu.memory_space<vmem>>
    %dma_wait3A_201 = tpu.memref_squeeze %dma_wait3A_200 : memref<1x256x128xf32, #tpu.memory_space<vmem>> -> memref<256x128xf32, #tpu.memory_space<vmem>>
    %dma_wait3A_202 = arith.constant 0 : i32
    %dma_wait3A_203 = arith.constant 0 : i32
    %dma_wait3A_204 = tpu.memref_slice %dma_wait3A_201[%dma_wait3A_202, %dma_wait3A_203] : memref<256x128xf32, #tpu.memory_space<vmem>> -> memref<128x128xf32, #tpu.memory_space<vmem>>
    %dma_wait3A_205 = arith.constant 0 : i32
    %dma_wait3A_206 = tpu.memref_slice %arg5[%dma_wait3A_196, %dma_wait3A_205] : memref<20x128xi32, #tpu.memory_space<vmem>> -> memref<1x128xi32, #tpu.memory_space<vmem>>
    %dma_wait3A_207 = tpu.memref_squeeze %dma_wait3A_206 : memref<1x128xi32, #tpu.memory_space<vmem>> -> memref<128xi32, #tpu.memory_space<vmem>>
    %dma_wait3A_208 = arith.constant 0 : i32
    %dma_wait3A_209 = arith.constant 0 : i32
    %dma_wait3A_210 = tpu.memref_slice %arg2[%dma_wait3A_208, %dma_wait3A_209] : memref<262144x128xf32, #tpu.memory_space<hbm>> -> memref<262144x128xf32, #tpu.memory_space<hbm>>
    tpu.wait_indirect_dma semaphore(%arg7 : memref<!tpu.dma_semaphore, #tpu.memory_space<semaphore_mem>>) src(%dma_wait3A_210 : memref<262144x128xf32, #tpu.memory_space<hbm>>) dst(%dma_wait3A_204 : memref<128x128xf32, #tpu.memory_space<vmem>>)
    %dma_wait3A_211 = arith.constant 5 : i32
    %dma_wait3A_212 = arith.constant 0 : i32
    %dma_wait3A_213 = arith.constant 0 : i32
    %dma_wait3A_214 = arith.constant 0 : i32
    %dma_wait3A_215 = tpu.memref_slice %arg6[%dma_wait3A_212, %dma_wait3A_213, %dma_wait3A_214] : memref<2x256x128xf32, #tpu.memory_space<vmem>> -> memref<1x256x128xf32, #tpu.memory_space<vmem>>
    %dma_wait3A_216 = tpu.memref_squeeze %dma_wait3A_215 : memref<1x256x128xf32, #tpu.memory_space<vmem>> -> memref<256x128xf32, #tpu.memory_space<vmem>>
    %dma_wait3A_217 = arith.constant 128 : i32
    %dma_wait3A_218 = arith.constant 0 : i32
    %dma_wait3A_219 = tpu.memref_slice %dma_wait3A_216[%dma_wait3A_217, %dma_wait3A_218] : memref<256x128xf32, #tpu.memory_space<vmem>> -> memref<128x128xf32, #tpu.memory_space<vmem>>
    %dma_wait3A_220 = arith.constant 0 : i32
    %dma_wait3A_221 = tpu.memref_slice %arg5[%dma_wait3A_211, %dma_wait3A_220] : memref<20x128xi32, #tpu.memory_space<vmem>> -> memref<1x128xi32, #tpu.memory_space<vmem>>
    %dma_wait3A_222 = tpu.memref_squeeze %dma_wait3A_221 : memref<1x128xi32, #tpu.memory_space<vmem>> -> memref<128xi32, #tpu.memory_space<vmem>>
    %dma_wait3A_223 = arith.constant 0 : i32
    %dma_wait3A_224 = arith.constant 0 : i32
    %dma_wait3A_225 = tpu.memref_slice %arg2[%dma_wait3A_223, %dma_wait3A_224] : memref<262144x128xf32, #tpu.memory_space<hbm>> -> memref<262144x128xf32, #tpu.memory_space<hbm>>
    tpu.wait_indirect_dma semaphore(%arg7 : memref<!tpu.dma_semaphore, #tpu.memory_space<semaphore_mem>>) src(%dma_wait3A_225 : memref<262144x128xf32, #tpu.memory_space<hbm>>) dst(%dma_wait3A_219 : memref<128x128xf32, #tpu.memory_space<vmem>>)
    %mul3A_226 = arith.constant 2560 : i32
    %mul3A_227 = arith.muli %add3A, %mul3A_226 : i32
    %add3A_228 = arith.constant 512 : i32
    %add3A_229 = arith.addi %mul3A_227, %add3A_228 : i32
    %dma_start3A_230 = arith.constant 0 : i32
    %dma_start3A_231 = arith.constant 0 : i32
    %dma_start3A_232 = arith.constant 0 : i32
    %dma_start3A_233 = tpu.memref_slice %arg6[%dma_start3A_230, %dma_start3A_231, %dma_start3A_232] : memref<2x256x128xf32, #tpu.memory_space<vmem>> -> memref<1x256x128xf32, #tpu.memory_space<vmem>>
    %dma_start3A_234 = tpu.memref_squeeze %dma_start3A_233 : memref<1x256x128xf32, #tpu.memory_space<vmem>> -> memref<256x128xf32, #tpu.memory_space<vmem>>
    %dma_start3A_235 = arith.constant 0 : i32
    %dma_start3A_236 = tpu.memref_slice %arg4[%add3A_229, %dma_start3A_235] : memref<81920x128xf32, #tpu.memory_space<hbm>> -> memref<256x128xf32, #tpu.memory_space<hbm>>
    %dma_start3A_237 = arith.constant 0 : i32
    %dma_start3A_238 = tpu.memref_slice %arg4[%add3A_229, %dma_start3A_237] : memref<81920x128xf32, #tpu.memory_space<hbm>> -> memref<256x128xf32, #tpu.memory_space<hbm>>
    %dma_start3A_239 = arith.constant 0 : i32
    %dma_start3A_240 = arith.constant 0 : i32
    %dma_start3A_241 = tpu.memref_slice %arg6[%dma_start3A_230, %dma_start3A_239, %dma_start3A_240] : memref<2x256x128xf32, #tpu.memory_space<vmem>> -> memref<1x256x128xf32, #tpu.memory_space<vmem>>
    %dma_start3A_242 = tpu.memref_squeeze %dma_start3A_241 : memref<1x256x128xf32, #tpu.memory_space<vmem>> -> memref<256x128xf32, #tpu.memory_space<vmem>>
    tpu.enqueue_dma source(%dma_start3A_242 : memref<256x128xf32, #tpu.memory_space<vmem>>) target(%dma_start3A_238 : memref<256x128xf32, #tpu.memory_space<hbm>>) target_semaphore(%arg8 : memref<!tpu.dma_semaphore, #tpu.memory_space<semaphore_mem>>)
    %dma_wait3A_243 = arith.constant 1 : i32
    %dma_wait3A_244 = arith.constant 0 : i32
    %dma_wait3A_245 = arith.constant 0 : i32
    %dma_wait3A_246 = tpu.memref_slice %arg6[%dma_wait3A_243, %dma_wait3A_244, %dma_wait3A_245] : memref<2x256x128xf32, #tpu.memory_space<vmem>> -> memref<1x256x128xf32, #tpu.memory_space<vmem>>
    %dma_wait3A_247 = tpu.memref_squeeze %dma_wait3A_246 : memref<1x256x128xf32, #tpu.memory_space<vmem>> -> memref<256x128xf32, #tpu.memory_space<vmem>>
    %dma_wait3A_248 = arith.constant 0 : i32
    %dma_wait3A_249 = tpu.memref_slice %arg4[%add3A_139, %dma_wait3A_248] : memref<81920x128xf32, #tpu.memory_space<hbm>> -> memref<256x128xf32, #tpu.memory_space<hbm>>
    %dma_wait3A_250 = arith.constant 0 : i32
    %dma_wait3A_251 = tpu.memref_slice %arg4[%add3A_139, %dma_wait3A_250] : memref<81920x128xf32, #tpu.memory_space<hbm>> -> memref<256x128xf32, #tpu.memory_space<hbm>>
    %dma_wait3A_252 = arith.constant 0 : i32
    %dma_wait3A_253 = arith.constant 0 : i32
    %dma_wait3A_254 = tpu.memref_slice %arg6[%dma_wait3A_243, %dma_wait3A_252, %dma_wait3A_253] : memref<2x256x128xf32, #tpu.memory_space<vmem>> -> memref<1x256x128xf32, #tpu.memory_space<vmem>>
    %dma_wait3A_255 = tpu.memref_squeeze %dma_wait3A_254 : memref<1x256x128xf32, #tpu.memory_space<vmem>> -> memref<256x128xf32, #tpu.memory_space<vmem>>
    tpu.wait_dma2 semaphore(%arg8 : memref<!tpu.dma_semaphore, #tpu.memory_space<semaphore_mem>>) src(%dma_wait3A_255 : memref<256x128xf32, #tpu.memory_space<vmem>>) dst(%dma_wait3A_251 : memref<256x128xf32, #tpu.memory_space<hbm>>)
    %dma_start3A_256 = arith.constant 6 : i32
    %dma_start3A_257 = arith.constant 1 : i32
    %dma_start3A_258 = arith.constant 0 : i32
    %dma_start3A_259 = arith.constant 0 : i32
    %dma_start3A_260 = tpu.memref_slice %arg6[%dma_start3A_257, %dma_start3A_258, %dma_start3A_259] : memref<2x256x128xf32, #tpu.memory_space<vmem>> -> memref<1x256x128xf32, #tpu.memory_space<vmem>>
    %dma_start3A_261 = tpu.memref_squeeze %dma_start3A_260 : memref<1x256x128xf32, #tpu.memory_space<vmem>> -> memref<256x128xf32, #tpu.memory_space<vmem>>
    %dma_start3A_262 = arith.constant 0 : i32
    %dma_start3A_263 = arith.constant 0 : i32
    %dma_start3A_264 = tpu.memref_slice %dma_start3A_261[%dma_start3A_262, %dma_start3A_263] : memref<256x128xf32, #tpu.memory_space<vmem>> -> memref<128x128xf32, #tpu.memory_space<vmem>>
    %dma_start3A_265 = arith.constant 0 : i32
    %dma_start3A_266 = tpu.memref_slice %arg5[%dma_start3A_256, %dma_start3A_265] : memref<20x128xi32, #tpu.memory_space<vmem>> -> memref<1x128xi32, #tpu.memory_space<vmem>>
    %dma_start3A_267 = tpu.memref_squeeze %dma_start3A_266 : memref<1x128xi32, #tpu.memory_space<vmem>> -> memref<128xi32, #tpu.memory_space<vmem>>
    %dma_start3A_268 = arith.constant 0 : i32
    %dma_start3A_269 = arith.constant 0 : i32
    %dma_start3A_270 = tpu.memref_slice %arg2[%dma_start3A_268, %dma_start3A_269] : memref<262144x128xf32, #tpu.memory_space<hbm>> -> memref<262144x128xf32, #tpu.memory_space<hbm>>
    tpu.enqueue_indirect_dma source(%dma_start3A_270 : memref<262144x128xf32, #tpu.memory_space<hbm>>) target(%dma_start3A_264 : memref<128x128xf32, #tpu.memory_space<vmem>>) offsets(%dma_start3A_267 : memref<128xi32, #tpu.memory_space<vmem>>) semaphore(%arg7 : memref<!tpu.dma_semaphore, #tpu.memory_space<semaphore_mem>>)
    %dma_start3A_271 = arith.constant 7 : i32
    %dma_start3A_272 = arith.constant 1 : i32
    %dma_start3A_273 = arith.constant 0 : i32
    %dma_start3A_274 = arith.constant 0 : i32
    %dma_start3A_275 = tpu.memref_slice %arg6[%dma_start3A_272, %dma_start3A_273, %dma_start3A_274] : memref<2x256x128xf32, #tpu.memory_space<vmem>> -> memref<1x256x128xf32, #tpu.memory_space<vmem>>
    %dma_start3A_276 = tpu.memref_squeeze %dma_start3A_275 : memref<1x256x128xf32, #tpu.memory_space<vmem>> -> memref<256x128xf32, #tpu.memory_space<vmem>>
    %dma_start3A_277 = arith.constant 128 : i32
    %dma_start3A_278 = arith.constant 0 : i32
    %dma_start3A_279 = tpu.memref_slice %dma_start3A_276[%dma_start3A_277, %dma_start3A_278] : memref<256x128xf32, #tpu.memory_space<vmem>> -> memref<128x128xf32, #tpu.memory_space<vmem>>
    %dma_start3A_280 = arith.constant 0 : i32
    %dma_start3A_281 = tpu.memref_slice %arg5[%dma_start3A_271, %dma_start3A_280] : memref<20x128xi32, #tpu.memory_space<vmem>> -> memref<1x128xi32, #tpu.memory_space<vmem>>
    %dma_start3A_282 = tpu.memref_squeeze %dma_start3A_281 : memref<1x128xi32, #tpu.memory_space<vmem>> -> memref<128xi32, #tpu.memory_space<vmem>>
    %dma_start3A_283 = arith.constant 0 : i32
    %dma_start3A_284 = arith.constant 0 : i32
    %dma_start3A_285 = tpu.memref_slice %arg2[%dma_start3A_283, %dma_start3A_284] : memref<262144x128xf32, #tpu.memory_space<hbm>> -> memref<262144x128xf32, #tpu.memory_space<hbm>>
    tpu.enqueue_indirect_dma source(%dma_start3A_285 : memref<262144x128xf32, #tpu.memory_space<hbm>>) target(%dma_start3A_279 : memref<128x128xf32, #tpu.memory_space<vmem>>) offsets(%dma_start3A_282 : memref<128xi32, #tpu.memory_space<vmem>>) semaphore(%arg7 : memref<!tpu.dma_semaphore, #tpu.memory_space<semaphore_mem>>)
    %dma_wait3A_286 = arith.constant 6 : i32
    %dma_wait3A_287 = arith.constant 1 : i32
    %dma_wait3A_288 = arith.constant 0 : i32
    %dma_wait3A_289 = arith.constant 0 : i32
    %dma_wait3A_290 = tpu.memref_slice %arg6[%dma_wait3A_287, %dma_wait3A_288, %dma_wait3A_289] : memref<2x256x128xf32, #tpu.memory_space<vmem>> -> memref<1x256x128xf32, #tpu.memory_space<vmem>>
    %dma_wait3A_291 = tpu.memref_squeeze %dma_wait3A_290 : memref<1x256x128xf32, #tpu.memory_space<vmem>> -> memref<256x128xf32, #tpu.memory_space<vmem>>
    %dma_wait3A_292 = arith.constant 0 : i32
    %dma_wait3A_293 = arith.constant 0 : i32
    %dma_wait3A_294 = tpu.memref_slice %dma_wait3A_291[%dma_wait3A_292, %dma_wait3A_293] : memref<256x128xf32, #tpu.memory_space<vmem>> -> memref<128x128xf32, #tpu.memory_space<vmem>>
    %dma_wait3A_295 = arith.constant 0 : i32
    %dma_wait3A_296 = tpu.memref_slice %arg5[%dma_wait3A_286, %dma_wait3A_295] : memref<20x128xi32, #tpu.memory_space<vmem>> -> memref<1x128xi32, #tpu.memory_space<vmem>>
    %dma_wait3A_297 = tpu.memref_squeeze %dma_wait3A_296 : memref<1x128xi32, #tpu.memory_space<vmem>> -> memref<128xi32, #tpu.memory_space<vmem>>
    %dma_wait3A_298 = arith.constant 0 : i32
    %dma_wait3A_299 = arith.constant 0 : i32
    %dma_wait3A_300 = tpu.memref_slice %arg2[%dma_wait3A_298, %dma_wait3A_299] : memref<262144x128xf32, #tpu.memory_space<hbm>> -> memref<262144x128xf32, #tpu.memory_space<hbm>>
    tpu.wait_indirect_dma semaphore(%arg7 : memref<!tpu.dma_semaphore, #tpu.memory_space<semaphore_mem>>) src(%dma_wait3A_300 : memref<262144x128xf32, #tpu.memory_space<hbm>>) dst(%dma_wait3A_294 : memref<128x128xf32, #tpu.memory_space<vmem>>)
    %dma_wait3A_301 = arith.constant 7 : i32
    %dma_wait3A_302 = arith.constant 1 : i32
    %dma_wait3A_303 = arith.constant 0 : i32
    %dma_wait3A_304 = arith.constant 0 : i32
    %dma_wait3A_305 = tpu.memref_slice %arg6[%dma_wait3A_302, %dma_wait3A_303, %dma_wait3A_304] : memref<2x256x128xf32, #tpu.memory_space<vmem>> -> memref<1x256x128xf32, #tpu.memory_space<vmem>>
    %dma_wait3A_306 = tpu.memref_squeeze %dma_wait3A_305 : memref<1x256x128xf32, #tpu.memory_space<vmem>> -> memref<256x128xf32, #tpu.memory_space<vmem>>
    %dma_wait3A_307 = arith.constant 128 : i32
    %dma_wait3A_308 = arith.constant 0 : i32
    %dma_wait3A_309 = tpu.memref_slice %dma_wait3A_306[%dma_wait3A_307, %dma_wait3A_308] : memref<256x128xf32, #tpu.memory_space<vmem>> -> memref<128x128xf32, #tpu.memory_space<vmem>>
    %dma_wait3A_310 = arith.constant 0 : i32
    %dma_wait3A_311 = tpu.memref_slice %arg5[%dma_wait3A_301, %dma_wait3A_310] : memref<20x128xi32, #tpu.memory_space<vmem>> -> memref<1x128xi32, #tpu.memory_space<vmem>>
    %dma_wait3A_312 = tpu.memref_squeeze %dma_wait3A_311 : memref<1x128xi32, #tpu.memory_space<vmem>> -> memref<128xi32, #tpu.memory_space<vmem>>
    %dma_wait3A_313 = arith.constant 0 : i32
    %dma_wait3A_314 = arith.constant 0 : i32
    %dma_wait3A_315 = tpu.memref_slice %arg2[%dma_wait3A_313, %dma_wait3A_314] : memref<262144x128xf32, #tpu.memory_space<hbm>> -> memref<262144x128xf32, #tpu.memory_space<hbm>>
    tpu.wait_indirect_dma semaphore(%arg7 : memref<!tpu.dma_semaphore, #tpu.memory_space<semaphore_mem>>) src(%dma_wait3A_315 : memref<262144x128xf32, #tpu.memory_space<hbm>>) dst(%dma_wait3A_309 : memref<128x128xf32, #tpu.memory_space<vmem>>)
    %mul3A_316 = arith.constant 2560 : i32
    %mul3A_317 = arith.muli %add3A, %mul3A_316 : i32
    %add3A_318 = arith.constant 768 : i32
    %add3A_319 = arith.addi %mul3A_317, %add3A_318 : i32
    %dma_start3A_320 = arith.constant 1 : i32
    %dma_start3A_321 = arith.constant 0 : i32
    %dma_start3A_322 = arith.constant 0 : i32
    %dma_start3A_323 = tpu.memref_slice %arg6[%dma_start3A_320, %dma_start3A_321, %dma_start3A_322] : memref<2x256x128xf32, #tpu.memory_space<vmem>> -> memref<1x256x128xf32, #tpu.memory_space<vmem>>
    %dma_start3A_324 = tpu.memref_squeeze %dma_start3A_323 : memref<1x256x128xf32, #tpu.memory_space<vmem>> -> memref<256x128xf32, #tpu.memory_space<vmem>>
    %dma_start3A_325 = arith.constant 0 : i32
    %dma_start3A_326 = tpu.memref_slice %arg4[%add3A_319, %dma_start3A_325] : memref<81920x128xf32, #tpu.memory_space<hbm>> -> memref<256x128xf32, #tpu.memory_space<hbm>>
    %dma_start3A_327 = arith.constant 0 : i32
    %dma_start3A_328 = tpu.memref_slice %arg4[%add3A_319, %dma_start3A_327] : memref<81920x128xf32, #tpu.memory_space<hbm>> -> memref<256x128xf32, #tpu.memory_space<hbm>>
    %dma_start3A_329 = arith.constant 0 : i32
    %dma_start3A_330 = arith.constant 0 : i32
    %dma_start3A_331 = tpu.memref_slice %arg6[%dma_start3A_320, %dma_start3A_329, %dma_start3A_330] : memref<2x256x128xf32, #tpu.memory_space<vmem>> -> memref<1x256x128xf32, #tpu.memory_space<vmem>>
    %dma_start3A_332 = tpu.memref_squeeze %dma_start3A_331 : memref<1x256x128xf32, #tpu.memory_space<vmem>> -> memref<256x128xf32, #tpu.memory_space<vmem>>
    tpu.enqueue_dma source(%dma_start3A_332 : memref<256x128xf32, #tpu.memory_space<vmem>>) target(%dma_start3A_328 : memref<256x128xf32, #tpu.memory_space<hbm>>) target_semaphore(%arg8 : memref<!tpu.dma_semaphore, #tpu.memory_space<semaphore_mem>>)
    %dma_wait3A_333 = arith.constant 0 : i32
    %dma_wait3A_334 = arith.constant 0 : i32
    %dma_wait3A_335 = arith.constant 0 : i32
    %dma_wait3A_336 = tpu.memref_slice %arg6[%dma_wait3A_333, %dma_wait3A_334, %dma_wait3A_335] : memref<2x256x128xf32, #tpu.memory_space<vmem>> -> memref<1x256x128xf32, #tpu.memory_space<vmem>>
    %dma_wait3A_337 = tpu.memref_squeeze %dma_wait3A_336 : memref<1x256x128xf32, #tpu.memory_space<vmem>> -> memref<256x128xf32, #tpu.memory_space<vmem>>
    %dma_wait3A_338 = arith.constant 0 : i32
    %dma_wait3A_339 = tpu.memref_slice %arg4[%add3A_229, %dma_wait3A_338] : memref<81920x128xf32, #tpu.memory_space<hbm>> -> memref<256x128xf32, #tpu.memory_space<hbm>>
    %dma_wait3A_340 = arith.constant 0 : i32
    %dma_wait3A_341 = tpu.memref_slice %arg4[%add3A_229, %dma_wait3A_340] : memref<81920x128xf32, #tpu.memory_space<hbm>> -> memref<256x128xf32, #tpu.memory_space<hbm>>
    %dma_wait3A_342 = arith.constant 0 : i32
    %dma_wait3A_343 = arith.constant 0 : i32
    %dma_wait3A_344 = tpu.memref_slice %arg6[%dma_wait3A_333, %dma_wait3A_342, %dma_wait3A_343] : memref<2x256x128xf32, #tpu.memory_space<vmem>> -> memref<1x256x128xf32, #tpu.memory_space<vmem>>
    %dma_wait3A_345 = tpu.memref_squeeze %dma_wait3A_344 : memref<1x256x128xf32, #tpu.memory_space<vmem>> -> memref<256x128xf32, #tpu.memory_space<vmem>>
    tpu.wait_dma2 semaphore(%arg8 : memref<!tpu.dma_semaphore, #tpu.memory_space<semaphore_mem>>) src(%dma_wait3A_345 : memref<256x128xf32, #tpu.memory_space<vmem>>) dst(%dma_wait3A_341 : memref<256x128xf32, #tpu.memory_space<hbm>>)
    %dma_start3A_346 = arith.constant 8 : i32
    %dma_start3A_347 = arith.constant 0 : i32
    %dma_start3A_348 = arith.constant 0 : i32
    %dma_start3A_349 = arith.constant 0 : i32
    %dma_start3A_350 = tpu.memref_slice %arg6[%dma_start3A_347, %dma_start3A_348, %dma_start3A_349] : memref<2x256x128xf32, #tpu.memory_space<vmem>> -> memref<1x256x128xf32, #tpu.memory_space<vmem>>
    %dma_start3A_351 = tpu.memref_squeeze %dma_start3A_350 : memref<1x256x128xf32, #tpu.memory_space<vmem>> -> memref<256x128xf32, #tpu.memory_space<vmem>>
    %dma_start3A_352 = arith.constant 0 : i32
    %dma_start3A_353 = arith.constant 0 : i32
    %dma_start3A_354 = tpu.memref_slice %dma_start3A_351[%dma_start3A_352, %dma_start3A_353] : memref<256x128xf32, #tpu.memory_space<vmem>> -> memref<128x128xf32, #tpu.memory_space<vmem>>
    %dma_start3A_355 = arith.constant 0 : i32
    %dma_start3A_356 = tpu.memref_slice %arg5[%dma_start3A_346, %dma_start3A_355] : memref<20x128xi32, #tpu.memory_space<vmem>> -> memref<1x128xi32, #tpu.memory_space<vmem>>
    %dma_start3A_357 = tpu.memref_squeeze %dma_start3A_356 : memref<1x128xi32, #tpu.memory_space<vmem>> -> memref<128xi32, #tpu.memory_space<vmem>>
    %dma_start3A_358 = arith.constant 0 : i32
    %dma_start3A_359 = arith.constant 0 : i32
    %dma_start3A_360 = tpu.memref_slice %arg2[%dma_start3A_358, %dma_start3A_359] : memref<262144x128xf32, #tpu.memory_space<hbm>> -> memref<262144x128xf32, #tpu.memory_space<hbm>>
    tpu.enqueue_indirect_dma source(%dma_start3A_360 : memref<262144x128xf32, #tpu.memory_space<hbm>>) target(%dma_start3A_354 : memref<128x128xf32, #tpu.memory_space<vmem>>) offsets(%dma_start3A_357 : memref<128xi32, #tpu.memory_space<vmem>>) semaphore(%arg7 : memref<!tpu.dma_semaphore, #tpu.memory_space<semaphore_mem>>)
    %dma_start3A_361 = arith.constant 9 : i32
    %dma_start3A_362 = arith.constant 0 : i32
    %dma_start3A_363 = arith.constant 0 : i32
    %dma_start3A_364 = arith.constant 0 : i32
    %dma_start3A_365 = tpu.memref_slice %arg6[%dma_start3A_362, %dma_start3A_363, %dma_start3A_364] : memref<2x256x128xf32, #tpu.memory_space<vmem>> -> memref<1x256x128xf32, #tpu.memory_space<vmem>>
    %dma_start3A_366 = tpu.memref_squeeze %dma_start3A_365 : memref<1x256x128xf32, #tpu.memory_space<vmem>> -> memref<256x128xf32, #tpu.memory_space<vmem>>
    %dma_start3A_367 = arith.constant 128 : i32
    %dma_start3A_368 = arith.constant 0 : i32
    %dma_start3A_369 = tpu.memref_slice %dma_start3A_366[%dma_start3A_367, %dma_start3A_368] : memref<256x128xf32, #tpu.memory_space<vmem>> -> memref<128x128xf32, #tpu.memory_space<vmem>>
    %dma_start3A_370 = arith.constant 0 : i32
    %dma_start3A_371 = tpu.memref_slice %arg5[%dma_start3A_361, %dma_start3A_370] : memref<20x128xi32, #tpu.memory_space<vmem>> -> memref<1x128xi32, #tpu.memory_space<vmem>>
    %dma_start3A_372 = tpu.memref_squeeze %dma_start3A_371 : memref<1x128xi32, #tpu.memory_space<vmem>> -> memref<128xi32, #tpu.memory_space<vmem>>
    %dma_start3A_373 = arith.constant 0 : i32
    %dma_start3A_374 = arith.constant 0 : i32
    %dma_start3A_375 = tpu.memref_slice %arg2[%dma_start3A_373, %dma_start3A_374] : memref<262144x128xf32, #tpu.memory_space<hbm>> -> memref<262144x128xf32, #tpu.memory_space<hbm>>
    tpu.enqueue_indirect_dma source(%dma_start3A_375 : memref<262144x128xf32, #tpu.memory_space<hbm>>) target(%dma_start3A_369 : memref<128x128xf32, #tpu.memory_space<vmem>>) offsets(%dma_start3A_372 : memref<128xi32, #tpu.memory_space<vmem>>) semaphore(%arg7 : memref<!tpu.dma_semaphore, #tpu.memory_space<semaphore_mem>>)
    %dma_wait3A_376 = arith.constant 8 : i32
    %dma_wait3A_377 = arith.constant 0 : i32
    %dma_wait3A_378 = arith.constant 0 : i32
    %dma_wait3A_379 = arith.constant 0 : i32
    %dma_wait3A_380 = tpu.memref_slice %arg6[%dma_wait3A_377, %dma_wait3A_378, %dma_wait3A_379] : memref<2x256x128xf32, #tpu.memory_space<vmem>> -> memref<1x256x128xf32, #tpu.memory_space<vmem>>
    %dma_wait3A_381 = tpu.memref_squeeze %dma_wait3A_380 : memref<1x256x128xf32, #tpu.memory_space<vmem>> -> memref<256x128xf32, #tpu.memory_space<vmem>>
    %dma_wait3A_382 = arith.constant 0 : i32
    %dma_wait3A_383 = arith.constant 0 : i32
    %dma_wait3A_384 = tpu.memref_slice %dma_wait3A_381[%dma_wait3A_382, %dma_wait3A_383] : memref<256x128xf32, #tpu.memory_space<vmem>> -> memref<128x128xf32, #tpu.memory_space<vmem>>
    %dma_wait3A_385 = arith.constant 0 : i32
    %dma_wait3A_386 = tpu.memref_slice %arg5[%dma_wait3A_376, %dma_wait3A_385] : memref<20x128xi32, #tpu.memory_space<vmem>> -> memref<1x128xi32, #tpu.memory_space<vmem>>
    %dma_wait3A_387 = tpu.memref_squeeze %dma_wait3A_386 : memref<1x128xi32, #tpu.memory_space<vmem>> -> memref<128xi32, #tpu.memory_space<vmem>>
    %dma_wait3A_388 = arith.constant 0 : i32
    %dma_wait3A_389 = arith.constant 0 : i32
    %dma_wait3A_390 = tpu.memref_slice %arg2[%dma_wait3A_388, %dma_wait3A_389] : memref<262144x128xf32, #tpu.memory_space<hbm>> -> memref<262144x128xf32, #tpu.memory_space<hbm>>
    tpu.wait_indirect_dma semaphore(%arg7 : memref<!tpu.dma_semaphore, #tpu.memory_space<semaphore_mem>>) src(%dma_wait3A_390 : memref<262144x128xf32, #tpu.memory_space<hbm>>) dst(%dma_wait3A_384 : memref<128x128xf32, #tpu.memory_space<vmem>>)
    %dma_wait3A_391 = arith.constant 9 : i32
    %dma_wait3A_392 = arith.constant 0 : i32
    %dma_wait3A_393 = arith.constant 0 : i32
    %dma_wait3A_394 = arith.constant 0 : i32
    %dma_wait3A_395 = tpu.memref_slice %arg6[%dma_wait3A_392, %dma_wait3A_393, %dma_wait3A_394] : memref<2x256x128xf32, #tpu.memory_space<vmem>> -> memref<1x256x128xf32, #tpu.memory_space<vmem>>
    %dma_wait3A_396 = tpu.memref_squeeze %dma_wait3A_395 : memref<1x256x128xf32, #tpu.memory_space<vmem>> -> memref<256x128xf32, #tpu.memory_space<vmem>>
    %dma_wait3A_397 = arith.constant 128 : i32
    %dma_wait3A_398 = arith.constant 0 : i32
    %dma_wait3A_399 = tpu.memref_slice %dma_wait3A_396[%dma_wait3A_397, %dma_wait3A_398] : memref<256x128xf32, #tpu.memory_space<vmem>> -> memref<128x128xf32, #tpu.memory_space<vmem>>
    %dma_wait3A_400 = arith.constant 0 : i32
    %dma_wait3A_401 = tpu.memref_slice %arg5[%dma_wait3A_391, %dma_wait3A_400] : memref<20x128xi32, #tpu.memory_space<vmem>> -> memref<1x128xi32, #tpu.memory_space<vmem>>
    %dma_wait3A_402 = tpu.memref_squeeze %dma_wait3A_401 : memref<1x128xi32, #tpu.memory_space<vmem>> -> memref<128xi32, #tpu.memory_space<vmem>>
    %dma_wait3A_403 = arith.constant 0 : i32
    %dma_wait3A_404 = arith.constant 0 : i32
    %dma_wait3A_405 = tpu.memref_slice %arg2[%dma_wait3A_403, %dma_wait3A_404] : memref<262144x128xf32, #tpu.memory_space<hbm>> -> memref<262144x128xf32, #tpu.memory_space<hbm>>
    tpu.wait_indirect_dma semaphore(%arg7 : memref<!tpu.dma_semaphore, #tpu.memory_space<semaphore_mem>>) src(%dma_wait3A_405 : memref<262144x128xf32, #tpu.memory_space<hbm>>) dst(%dma_wait3A_399 : memref<128x128xf32, #tpu.memory_space<vmem>>)
    %mul3A_406 = arith.constant 2560 : i32
    %mul3A_407 = arith.muli %add3A, %mul3A_406 : i32
    %add3A_408 = arith.constant 1024 : i32
    %add3A_409 = arith.addi %mul3A_407, %add3A_408 : i32
    %dma_start3A_410 = arith.constant 0 : i32
    %dma_start3A_411 = arith.constant 0 : i32
    %dma_start3A_412 = arith.constant 0 : i32
    %dma_start3A_413 = tpu.memref_slice %arg6[%dma_start3A_410, %dma_start3A_411, %dma_start3A_412] : memref<2x256x128xf32, #tpu.memory_space<vmem>> -> memref<1x256x128xf32, #tpu.memory_space<vmem>>
    %dma_start3A_414 = tpu.memref_squeeze %dma_start3A_413 : memref<1x256x128xf32, #tpu.memory_space<vmem>> -> memref<256x128xf32, #tpu.memory_space<vmem>>
    %dma_start3A_415 = arith.constant 0 : i32
    %dma_start3A_416 = tpu.memref_slice %arg4[%add3A_409, %dma_start3A_415] : memref<81920x128xf32, #tpu.memory_space<hbm>> -> memref<256x128xf32, #tpu.memory_space<hbm>>
    %dma_start3A_417 = arith.constant 0 : i32
    %dma_start3A_418 = tpu.memref_slice %arg4[%add3A_409, %dma_start3A_417] : memref<81920x128xf32, #tpu.memory_space<hbm>> -> memref<256x128xf32, #tpu.memory_space<hbm>>
    %dma_start3A_419 = arith.constant 0 : i32
    %dma_start3A_420 = arith.constant 0 : i32
    %dma_start3A_421 = tpu.memref_slice %arg6[%dma_start3A_410, %dma_start3A_419, %dma_start3A_420] : memref<2x256x128xf32, #tpu.memory_space<vmem>> -> memref<1x256x128xf32, #tpu.memory_space<vmem>>
    %dma_start3A_422 = tpu.memref_squeeze %dma_start3A_421 : memref<1x256x128xf32, #tpu.memory_space<vmem>> -> memref<256x128xf32, #tpu.memory_space<vmem>>
    tpu.enqueue_dma source(%dma_start3A_422 : memref<256x128xf32, #tpu.memory_space<vmem>>) target(%dma_start3A_418 : memref<256x128xf32, #tpu.memory_space<hbm>>) target_semaphore(%arg8 : memref<!tpu.dma_semaphore, #tpu.memory_space<semaphore_mem>>)
    %dma_wait3A_423 = arith.constant 1 : i32
    %dma_wait3A_424 = arith.constant 0 : i32
    %dma_wait3A_425 = arith.constant 0 : i32
    %dma_wait3A_426 = tpu.memref_slice %arg6[%dma_wait3A_423, %dma_wait3A_424, %dma_wait3A_425] : memref<2x256x128xf32, #tpu.memory_space<vmem>> -> memref<1x256x128xf32, #tpu.memory_space<vmem>>
    %dma_wait3A_427 = tpu.memref_squeeze %dma_wait3A_426 : memref<1x256x128xf32, #tpu.memory_space<vmem>> -> memref<256x128xf32, #tpu.memory_space<vmem>>
    %dma_wait3A_428 = arith.constant 0 : i32
    %dma_wait3A_429 = tpu.memref_slice %arg4[%add3A_319, %dma_wait3A_428] : memref<81920x128xf32, #tpu.memory_space<hbm>> -> memref<256x128xf32, #tpu.memory_space<hbm>>
    %dma_wait3A_430 = arith.constant 0 : i32
    %dma_wait3A_431 = tpu.memref_slice %arg4[%add3A_319, %dma_wait3A_430] : memref<81920x128xf32, #tpu.memory_space<hbm>> -> memref<256x128xf32, #tpu.memory_space<hbm>>
    %dma_wait3A_432 = arith.constant 0 : i32
    %dma_wait3A_433 = arith.constant 0 : i32
    %dma_wait3A_434 = tpu.memref_slice %arg6[%dma_wait3A_423, %dma_wait3A_432, %dma_wait3A_433] : memref<2x256x128xf32, #tpu.memory_space<vmem>> -> memref<1x256x128xf32, #tpu.memory_space<vmem>>
    %dma_wait3A_435 = tpu.memref_squeeze %dma_wait3A_434 : memref<1x256x128xf32, #tpu.memory_space<vmem>> -> memref<256x128xf32, #tpu.memory_space<vmem>>
    tpu.wait_dma2 semaphore(%arg8 : memref<!tpu.dma_semaphore, #tpu.memory_space<semaphore_mem>>) src(%dma_wait3A_435 : memref<256x128xf32, #tpu.memory_space<vmem>>) dst(%dma_wait3A_431 : memref<256x128xf32, #tpu.memory_space<hbm>>)
    %dma_start3A_436 = arith.constant 10 : i32
    %dma_start3A_437 = arith.constant 1 : i32
    %dma_start3A_438 = arith.constant 0 : i32
    %dma_start3A_439 = arith.constant 0 : i32
    %dma_start3A_440 = tpu.memref_slice %arg6[%dma_start3A_437, %dma_start3A_438, %dma_start3A_439] : memref<2x256x128xf32, #tpu.memory_space<vmem>> -> memref<1x256x128xf32, #tpu.memory_space<vmem>>
    %dma_start3A_441 = tpu.memref_squeeze %dma_start3A_440 : memref<1x256x128xf32, #tpu.memory_space<vmem>> -> memref<256x128xf32, #tpu.memory_space<vmem>>
    %dma_start3A_442 = arith.constant 0 : i32
    %dma_start3A_443 = arith.constant 0 : i32
    %dma_start3A_444 = tpu.memref_slice %dma_start3A_441[%dma_start3A_442, %dma_start3A_443] : memref<256x128xf32, #tpu.memory_space<vmem>> -> memref<128x128xf32, #tpu.memory_space<vmem>>
    %dma_start3A_445 = arith.constant 0 : i32
    %dma_start3A_446 = tpu.memref_slice %arg5[%dma_start3A_436, %dma_start3A_445] : memref<20x128xi32, #tpu.memory_space<vmem>> -> memref<1x128xi32, #tpu.memory_space<vmem>>
    %dma_start3A_447 = tpu.memref_squeeze %dma_start3A_446 : memref<1x128xi32, #tpu.memory_space<vmem>> -> memref<128xi32, #tpu.memory_space<vmem>>
    %dma_start3A_448 = arith.constant 0 : i32
    %dma_start3A_449 = arith.constant 0 : i32
    %dma_start3A_450 = tpu.memref_slice %arg2[%dma_start3A_448, %dma_start3A_449] : memref<262144x128xf32, #tpu.memory_space<hbm>> -> memref<262144x128xf32, #tpu.memory_space<hbm>>
    tpu.enqueue_indirect_dma source(%dma_start3A_450 : memref<262144x128xf32, #tpu.memory_space<hbm>>) target(%dma_start3A_444 : memref<128x128xf32, #tpu.memory_space<vmem>>) offsets(%dma_start3A_447 : memref<128xi32, #tpu.memory_space<vmem>>) semaphore(%arg7 : memref<!tpu.dma_semaphore, #tpu.memory_space<semaphore_mem>>)
    %dma_start3A_451 = arith.constant 11 : i32
    %dma_start3A_452 = arith.constant 1 : i32
    %dma_start3A_453 = arith.constant 0 : i32
    %dma_start3A_454 = arith.constant 0 : i32
    %dma_start3A_455 = tpu.memref_slice %arg6[%dma_start3A_452, %dma_start3A_453, %dma_start3A_454] : memref<2x256x128xf32, #tpu.memory_space<vmem>> -> memref<1x256x128xf32, #tpu.memory_space<vmem>>
    %dma_start3A_456 = tpu.memref_squeeze %dma_start3A_455 : memref<1x256x128xf32, #tpu.memory_space<vmem>> -> memref<256x128xf32, #tpu.memory_space<vmem>>
    %dma_start3A_457 = arith.constant 128 : i32
    %dma_start3A_458 = arith.constant 0 : i32
    %dma_start3A_459 = tpu.memref_slice %dma_start3A_456[%dma_start3A_457, %dma_start3A_458] : memref<256x128xf32, #tpu.memory_space<vmem>> -> memref<128x128xf32, #tpu.memory_space<vmem>>
    %dma_start3A_460 = arith.constant 0 : i32
    %dma_start3A_461 = tpu.memref_slice %arg5[%dma_start3A_451, %dma_start3A_460] : memref<20x128xi32, #tpu.memory_space<vmem>> -> memref<1x128xi32, #tpu.memory_space<vmem>>
    %dma_start3A_462 = tpu.memref_squeeze %dma_start3A_461 : memref<1x128xi32, #tpu.memory_space<vmem>> -> memref<128xi32, #tpu.memory_space<vmem>>
    %dma_start3A_463 = arith.constant 0 : i32
    %dma_start3A_464 = arith.constant 0 : i32
    %dma_start3A_465 = tpu.memref_slice %arg2[%dma_start3A_463, %dma_start3A_464] : memref<262144x128xf32, #tpu.memory_space<hbm>> -> memref<262144x128xf32, #tpu.memory_space<hbm>>
    tpu.enqueue_indirect_dma source(%dma_start3A_465 : memref<262144x128xf32, #tpu.memory_space<hbm>>) target(%dma_start3A_459 : memref<128x128xf32, #tpu.memory_space<vmem>>) offsets(%dma_start3A_462 : memref<128xi32, #tpu.memory_space<vmem>>) semaphore(%arg7 : memref<!tpu.dma_semaphore, #tpu.memory_space<semaphore_mem>>)
    %dma_wait3A_466 = arith.constant 10 : i32
    %dma_wait3A_467 = arith.constant 1 : i32
    %dma_wait3A_468 = arith.constant 0 : i32
    %dma_wait3A_469 = arith.constant 0 : i32
    %dma_wait3A_470 = tpu.memref_slice %arg6[%dma_wait3A_467, %dma_wait3A_468, %dma_wait3A_469] : memref<2x256x128xf32, #tpu.memory_space<vmem>> -> memref<1x256x128xf32, #tpu.memory_space<vmem>>
    %dma_wait3A_471 = tpu.memref_squeeze %dma_wait3A_470 : memref<1x256x128xf32, #tpu.memory_space<vmem>> -> memref<256x128xf32, #tpu.memory_space<vmem>>
    %dma_wait3A_472 = arith.constant 0 : i32
    %dma_wait3A_473 = arith.constant 0 : i32
    %dma_wait3A_474 = tpu.memref_slice %dma_wait3A_471[%dma_wait3A_472, %dma_wait3A_473] : memref<256x128xf32, #tpu.memory_space<vmem>> -> memref<128x128xf32, #tpu.memory_space<vmem>>
    %dma_wait3A_475 = arith.constant 0 : i32
    %dma_wait3A_476 = tpu.memref_slice %arg5[%dma_wait3A_466, %dma_wait3A_475] : memref<20x128xi32, #tpu.memory_space<vmem>> -> memref<1x128xi32, #tpu.memory_space<vmem>>
    %dma_wait3A_477 = tpu.memref_squeeze %dma_wait3A_476 : memref<1x128xi32, #tpu.memory_space<vmem>> -> memref<128xi32, #tpu.memory_space<vmem>>
    %dma_wait3A_478 = arith.constant 0 : i32
    %dma_wait3A_479 = arith.constant 0 : i32
    %dma_wait3A_480 = tpu.memref_slice %arg2[%dma_wait3A_478, %dma_wait3A_479] : memref<262144x128xf32, #tpu.memory_space<hbm>> -> memref<262144x128xf32, #tpu.memory_space<hbm>>
    tpu.wait_indirect_dma semaphore(%arg7 : memref<!tpu.dma_semaphore, #tpu.memory_space<semaphore_mem>>) src(%dma_wait3A_480 : memref<262144x128xf32, #tpu.memory_space<hbm>>) dst(%dma_wait3A_474 : memref<128x128xf32, #tpu.memory_space<vmem>>)
    %dma_wait3A_481 = arith.constant 11 : i32
    %dma_wait3A_482 = arith.constant 1 : i32
    %dma_wait3A_483 = arith.constant 0 : i32
    %dma_wait3A_484 = arith.constant 0 : i32
    %dma_wait3A_485 = tpu.memref_slice %arg6[%dma_wait3A_482, %dma_wait3A_483, %dma_wait3A_484] : memref<2x256x128xf32, #tpu.memory_space<vmem>> -> memref<1x256x128xf32, #tpu.memory_space<vmem>>
    %dma_wait3A_486 = tpu.memref_squeeze %dma_wait3A_485 : memref<1x256x128xf32, #tpu.memory_space<vmem>> -> memref<256x128xf32, #tpu.memory_space<vmem>>
    %dma_wait3A_487 = arith.constant 128 : i32
    %dma_wait3A_488 = arith.constant 0 : i32
    %dma_wait3A_489 = tpu.memref_slice %dma_wait3A_486[%dma_wait3A_487, %dma_wait3A_488] : memref<256x128xf32, #tpu.memory_space<vmem>> -> memref<128x128xf32, #tpu.memory_space<vmem>>
    %dma_wait3A_490 = arith.constant 0 : i32
    %dma_wait3A_491 = tpu.memref_slice %arg5[%dma_wait3A_481, %dma_wait3A_490] : memref<20x128xi32, #tpu.memory_space<vmem>> -> memref<1x128xi32, #tpu.memory_space<vmem>>
    %dma_wait3A_492 = tpu.memref_squeeze %dma_wait3A_491 : memref<1x128xi32, #tpu.memory_space<vmem>> -> memref<128xi32, #tpu.memory_space<vmem>>
    %dma_wait3A_493 = arith.constant 0 : i32
    %dma_wait3A_494 = arith.constant 0 : i32
    %dma_wait3A_495 = tpu.memref_slice %arg2[%dma_wait3A_493, %dma_wait3A_494] : memref<262144x128xf32, #tpu.memory_space<hbm>> -> memref<262144x128xf32, #tpu.memory_space<hbm>>
    tpu.wait_indirect_dma semaphore(%arg7 : memref<!tpu.dma_semaphore, #tpu.memory_space<semaphore_mem>>) src(%dma_wait3A_495 : memref<262144x128xf32, #tpu.memory_space<hbm>>) dst(%dma_wait3A_489 : memref<128x128xf32, #tpu.memory_space<vmem>>)
    %mul3A_496 = arith.constant 2560 : i32
    %mul3A_497 = arith.muli %add3A, %mul3A_496 : i32
    %add3A_498 = arith.constant 1280 : i32
    %add3A_499 = arith.addi %mul3A_497, %add3A_498 : i32
    %dma_start3A_500 = arith.constant 1 : i32
    %dma_start3A_501 = arith.constant 0 : i32
    %dma_start3A_502 = arith.constant 0 : i32
    %dma_start3A_503 = tpu.memref_slice %arg6[%dma_start3A_500, %dma_start3A_501, %dma_start3A_502] : memref<2x256x128xf32, #tpu.memory_space<vmem>> -> memref<1x256x128xf32, #tpu.memory_space<vmem>>
    %dma_start3A_504 = tpu.memref_squeeze %dma_start3A_503 : memref<1x256x128xf32, #tpu.memory_space<vmem>> -> memref<256x128xf32, #tpu.memory_space<vmem>>
    %dma_start3A_505 = arith.constant 0 : i32
    %dma_start3A_506 = tpu.memref_slice %arg4[%add3A_499, %dma_start3A_505] : memref<81920x128xf32, #tpu.memory_space<hbm>> -> memref<256x128xf32, #tpu.memory_space<hbm>>
    %dma_start3A_507 = arith.constant 0 : i32
    %dma_start3A_508 = tpu.memref_slice %arg4[%add3A_499, %dma_start3A_507] : memref<81920x128xf32, #tpu.memory_space<hbm>> -> memref<256x128xf32, #tpu.memory_space<hbm>>
    %dma_start3A_509 = arith.constant 0 : i32
    %dma_start3A_510 = arith.constant 0 : i32
    %dma_start3A_511 = tpu.memref_slice %arg6[%dma_start3A_500, %dma_start3A_509, %dma_start3A_510] : memref<2x256x128xf32, #tpu.memory_space<vmem>> -> memref<1x256x128xf32, #tpu.memory_space<vmem>>
    %dma_start3A_512 = tpu.memref_squeeze %dma_start3A_511 : memref<1x256x128xf32, #tpu.memory_space<vmem>> -> memref<256x128xf32, #tpu.memory_space<vmem>>
    tpu.enqueue_dma source(%dma_start3A_512 : memref<256x128xf32, #tpu.memory_space<vmem>>) target(%dma_start3A_508 : memref<256x128xf32, #tpu.memory_space<hbm>>) target_semaphore(%arg8 : memref<!tpu.dma_semaphore, #tpu.memory_space<semaphore_mem>>)
    %dma_wait3A_513 = arith.constant 0 : i32
    %dma_wait3A_514 = arith.constant 0 : i32
    %dma_wait3A_515 = arith.constant 0 : i32
    %dma_wait3A_516 = tpu.memref_slice %arg6[%dma_wait3A_513, %dma_wait3A_514, %dma_wait3A_515] : memref<2x256x128xf32, #tpu.memory_space<vmem>> -> memref<1x256x128xf32, #tpu.memory_space<vmem>>
    %dma_wait3A_517 = tpu.memref_squeeze %dma_wait3A_516 : memref<1x256x128xf32, #tpu.memory_space<vmem>> -> memref<256x128xf32, #tpu.memory_space<vmem>>
    %dma_wait3A_518 = arith.constant 0 : i32
    %dma_wait3A_519 = tpu.memref_slice %arg4[%add3A_409, %dma_wait3A_518] : memref<81920x128xf32, #tpu.memory_space<hbm>> -> memref<256x128xf32, #tpu.memory_space<hbm>>
    %dma_wait3A_520 = arith.constant 0 : i32
    %dma_wait3A_521 = tpu.memref_slice %arg4[%add3A_409, %dma_wait3A_520] : memref<81920x128xf32, #tpu.memory_space<hbm>> -> memref<256x128xf32, #tpu.memory_space<hbm>>
    %dma_wait3A_522 = arith.constant 0 : i32
    %dma_wait3A_523 = arith.constant 0 : i32
    %dma_wait3A_524 = tpu.memref_slice %arg6[%dma_wait3A_513, %dma_wait3A_522, %dma_wait3A_523] : memref<2x256x128xf32, #tpu.memory_space<vmem>> -> memref<1x256x128xf32, #tpu.memory_space<vmem>>
    %dma_wait3A_525 = tpu.memref_squeeze %dma_wait3A_524 : memref<1x256x128xf32, #tpu.memory_space<vmem>> -> memref<256x128xf32, #tpu.memory_space<vmem>>
    tpu.wait_dma2 semaphore(%arg8 : memref<!tpu.dma_semaphore, #tpu.memory_space<semaphore_mem>>) src(%dma_wait3A_525 : memref<256x128xf32, #tpu.memory_space<vmem>>) dst(%dma_wait3A_521 : memref<256x128xf32, #tpu.memory_space<hbm>>)
    %dma_start3A_526 = arith.constant 12 : i32
    %dma_start3A_527 = arith.constant 0 : i32
    %dma_start3A_528 = arith.constant 0 : i32
    %dma_start3A_529 = arith.constant 0 : i32
    %dma_start3A_530 = tpu.memref_slice %arg6[%dma_start3A_527, %dma_start3A_528, %dma_start3A_529] : memref<2x256x128xf32, #tpu.memory_space<vmem>> -> memref<1x256x128xf32, #tpu.memory_space<vmem>>
    %dma_start3A_531 = tpu.memref_squeeze %dma_start3A_530 : memref<1x256x128xf32, #tpu.memory_space<vmem>> -> memref<256x128xf32, #tpu.memory_space<vmem>>
    %dma_start3A_532 = arith.constant 0 : i32
    %dma_start3A_533 = arith.constant 0 : i32
    %dma_start3A_534 = tpu.memref_slice %dma_start3A_531[%dma_start3A_532, %dma_start3A_533] : memref<256x128xf32, #tpu.memory_space<vmem>> -> memref<128x128xf32, #tpu.memory_space<vmem>>
    %dma_start3A_535 = arith.constant 0 : i32
    %dma_start3A_536 = tpu.memref_slice %arg5[%dma_start3A_526, %dma_start3A_535] : memref<20x128xi32, #tpu.memory_space<vmem>> -> memref<1x128xi32, #tpu.memory_space<vmem>>
    %dma_start3A_537 = tpu.memref_squeeze %dma_start3A_536 : memref<1x128xi32, #tpu.memory_space<vmem>> -> memref<128xi32, #tpu.memory_space<vmem>>
    %dma_start3A_538 = arith.constant 0 : i32
    %dma_start3A_539 = arith.constant 0 : i32
    %dma_start3A_540 = tpu.memref_slice %arg2[%dma_start3A_538, %dma_start3A_539] : memref<262144x128xf32, #tpu.memory_space<hbm>> -> memref<262144x128xf32, #tpu.memory_space<hbm>>
    tpu.enqueue_indirect_dma source(%dma_start3A_540 : memref<262144x128xf32, #tpu.memory_space<hbm>>) target(%dma_start3A_534 : memref<128x128xf32, #tpu.memory_space<vmem>>) offsets(%dma_start3A_537 : memref<128xi32, #tpu.memory_space<vmem>>) semaphore(%arg7 : memref<!tpu.dma_semaphore, #tpu.memory_space<semaphore_mem>>)
    %dma_start3A_541 = arith.constant 13 : i32
    %dma_start3A_542 = arith.constant 0 : i32
    %dma_start3A_543 = arith.constant 0 : i32
    %dma_start3A_544 = arith.constant 0 : i32
    %dma_start3A_545 = tpu.memref_slice %arg6[%dma_start3A_542, %dma_start3A_543, %dma_start3A_544] : memref<2x256x128xf32, #tpu.memory_space<vmem>> -> memref<1x256x128xf32, #tpu.memory_space<vmem>>
    %dma_start3A_546 = tpu.memref_squeeze %dma_start3A_545 : memref<1x256x128xf32, #tpu.memory_space<vmem>> -> memref<256x128xf32, #tpu.memory_space<vmem>>
    %dma_start3A_547 = arith.constant 128 : i32
    %dma_start3A_548 = arith.constant 0 : i32
    %dma_start3A_549 = tpu.memref_slice %dma_start3A_546[%dma_start3A_547, %dma_start3A_548] : memref<256x128xf32, #tpu.memory_space<vmem>> -> memref<128x128xf32, #tpu.memory_space<vmem>>
    %dma_start3A_550 = arith.constant 0 : i32
    %dma_start3A_551 = tpu.memref_slice %arg5[%dma_start3A_541, %dma_start3A_550] : memref<20x128xi32, #tpu.memory_space<vmem>> -> memref<1x128xi32, #tpu.memory_space<vmem>>
    %dma_start3A_552 = tpu.memref_squeeze %dma_start3A_551 : memref<1x128xi32, #tpu.memory_space<vmem>> -> memref<128xi32, #tpu.memory_space<vmem>>
    %dma_start3A_553 = arith.constant 0 : i32
    %dma_start3A_554 = arith.constant 0 : i32
    %dma_start3A_555 = tpu.memref_slice %arg2[%dma_start3A_553, %dma_start3A_554] : memref<262144x128xf32, #tpu.memory_space<hbm>> -> memref<262144x128xf32, #tpu.memory_space<hbm>>
    tpu.enqueue_indirect_dma source(%dma_start3A_555 : memref<262144x128xf32, #tpu.memory_space<hbm>>) target(%dma_start3A_549 : memref<128x128xf32, #tpu.memory_space<vmem>>) offsets(%dma_start3A_552 : memref<128xi32, #tpu.memory_space<vmem>>) semaphore(%arg7 : memref<!tpu.dma_semaphore, #tpu.memory_space<semaphore_mem>>)
    %dma_wait3A_556 = arith.constant 12 : i32
    %dma_wait3A_557 = arith.constant 0 : i32
    %dma_wait3A_558 = arith.constant 0 : i32
    %dma_wait3A_559 = arith.constant 0 : i32
    %dma_wait3A_560 = tpu.memref_slice %arg6[%dma_wait3A_557, %dma_wait3A_558, %dma_wait3A_559] : memref<2x256x128xf32, #tpu.memory_space<vmem>> -> memref<1x256x128xf32, #tpu.memory_space<vmem>>
    %dma_wait3A_561 = tpu.memref_squeeze %dma_wait3A_560 : memref<1x256x128xf32, #tpu.memory_space<vmem>> -> memref<256x128xf32, #tpu.memory_space<vmem>>
    %dma_wait3A_562 = arith.constant 0 : i32
    %dma_wait3A_563 = arith.constant 0 : i32
    %dma_wait3A_564 = tpu.memref_slice %dma_wait3A_561[%dma_wait3A_562, %dma_wait3A_563] : memref<256x128xf32, #tpu.memory_space<vmem>> -> memref<128x128xf32, #tpu.memory_space<vmem>>
    %dma_wait3A_565 = arith.constant 0 : i32
    %dma_wait3A_566 = tpu.memref_slice %arg5[%dma_wait3A_556, %dma_wait3A_565] : memref<20x128xi32, #tpu.memory_space<vmem>> -> memref<1x128xi32, #tpu.memory_space<vmem>>
    %dma_wait3A_567 = tpu.memref_squeeze %dma_wait3A_566 : memref<1x128xi32, #tpu.memory_space<vmem>> -> memref<128xi32, #tpu.memory_space<vmem>>
    %dma_wait3A_568 = arith.constant 0 : i32
    %dma_wait3A_569 = arith.constant 0 : i32
    %dma_wait3A_570 = tpu.memref_slice %arg2[%dma_wait3A_568, %dma_wait3A_569] : memref<262144x128xf32, #tpu.memory_space<hbm>> -> memref<262144x128xf32, #tpu.memory_space<hbm>>
    tpu.wait_indirect_dma semaphore(%arg7 : memref<!tpu.dma_semaphore, #tpu.memory_space<semaphore_mem>>) src(%dma_wait3A_570 : memref<262144x128xf32, #tpu.memory_space<hbm>>) dst(%dma_wait3A_564 : memref<128x128xf32, #tpu.memory_space<vmem>>)
    %dma_wait3A_571 = arith.constant 13 : i32
    %dma_wait3A_572 = arith.constant 0 : i32
    %dma_wait3A_573 = arith.constant 0 : i32
    %dma_wait3A_574 = arith.constant 0 : i32
    %dma_wait3A_575 = tpu.memref_slice %arg6[%dma_wait3A_572, %dma_wait3A_573, %dma_wait3A_574] : memref<2x256x128xf32, #tpu.memory_space<vmem>> -> memref<1x256x128xf32, #tpu.memory_space<vmem>>
    %dma_wait3A_576 = tpu.memref_squeeze %dma_wait3A_575 : memref<1x256x128xf32, #tpu.memory_space<vmem>> -> memref<256x128xf32, #tpu.memory_space<vmem>>
    %dma_wait3A_577 = arith.constant 128 : i32
    %dma_wait3A_578 = arith.constant 0 : i32
    %dma_wait3A_579 = tpu.memref_slice %dma_wait3A_576[%dma_wait3A_577, %dma_wait3A_578] : memref<256x128xf32, #tpu.memory_space<vmem>> -> memref<128x128xf32, #tpu.memory_space<vmem>>
    %dma_wait3A_580 = arith.constant 0 : i32
    %dma_wait3A_581 = tpu.memref_slice %arg5[%dma_wait3A_571, %dma_wait3A_580] : memref<20x128xi32, #tpu.memory_space<vmem>> -> memref<1x128xi32, #tpu.memory_space<vmem>>
    %dma_wait3A_582 = tpu.memref_squeeze %dma_wait3A_581 : memref<1x128xi32, #tpu.memory_space<vmem>> -> memref<128xi32, #tpu.memory_space<vmem>>
    %dma_wait3A_583 = arith.constant 0 : i32
    %dma_wait3A_584 = arith.constant 0 : i32
    %dma_wait3A_585 = tpu.memref_slice %arg2[%dma_wait3A_583, %dma_wait3A_584] : memref<262144x128xf32, #tpu.memory_space<hbm>> -> memref<262144x128xf32, #tpu.memory_space<hbm>>
    tpu.wait_indirect_dma semaphore(%arg7 : memref<!tpu.dma_semaphore, #tpu.memory_space<semaphore_mem>>) src(%dma_wait3A_585 : memref<262144x128xf32, #tpu.memory_space<hbm>>) dst(%dma_wait3A_579 : memref<128x128xf32, #tpu.memory_space<vmem>>)
    %mul3A_586 = arith.constant 2560 : i32
    %mul3A_587 = arith.muli %add3A, %mul3A_586 : i32
    %add3A_588 = arith.constant 1536 : i32
    %add3A_589 = arith.addi %mul3A_587, %add3A_588 : i32
    %dma_start3A_590 = arith.constant 0 : i32
    %dma_start3A_591 = arith.constant 0 : i32
    %dma_start3A_592 = arith.constant 0 : i32
    %dma_start3A_593 = tpu.memref_slice %arg6[%dma_start3A_590, %dma_start3A_591, %dma_start3A_592] : memref<2x256x128xf32, #tpu.memory_space<vmem>> -> memref<1x256x128xf32, #tpu.memory_space<vmem>>
    %dma_start3A_594 = tpu.memref_squeeze %dma_start3A_593 : memref<1x256x128xf32, #tpu.memory_space<vmem>> -> memref<256x128xf32, #tpu.memory_space<vmem>>
    %dma_start3A_595 = arith.constant 0 : i32
    %dma_start3A_596 = tpu.memref_slice %arg4[%add3A_589, %dma_start3A_595] : memref<81920x128xf32, #tpu.memory_space<hbm>> -> memref<256x128xf32, #tpu.memory_space<hbm>>
    %dma_start3A_597 = arith.constant 0 : i32
    %dma_start3A_598 = tpu.memref_slice %arg4[%add3A_589, %dma_start3A_597] : memref<81920x128xf32, #tpu.memory_space<hbm>> -> memref<256x128xf32, #tpu.memory_space<hbm>>
    %dma_start3A_599 = arith.constant 0 : i32
    %dma_start3A_600 = arith.constant 0 : i32
    %dma_start3A_601 = tpu.memref_slice %arg6[%dma_start3A_590, %dma_start3A_599, %dma_start3A_600] : memref<2x256x128xf32, #tpu.memory_space<vmem>> -> memref<1x256x128xf32, #tpu.memory_space<vmem>>
    %dma_start3A_602 = tpu.memref_squeeze %dma_start3A_601 : memref<1x256x128xf32, #tpu.memory_space<vmem>> -> memref<256x128xf32, #tpu.memory_space<vmem>>
    tpu.enqueue_dma source(%dma_start3A_602 : memref<256x128xf32, #tpu.memory_space<vmem>>) target(%dma_start3A_598 : memref<256x128xf32, #tpu.memory_space<hbm>>) target_semaphore(%arg8 : memref<!tpu.dma_semaphore, #tpu.memory_space<semaphore_mem>>)
    %dma_wait3A_603 = arith.constant 1 : i32
    %dma_wait3A_604 = arith.constant 0 : i32
    %dma_wait3A_605 = arith.constant 0 : i32
    %dma_wait3A_606 = tpu.memref_slice %arg6[%dma_wait3A_603, %dma_wait3A_604, %dma_wait3A_605] : memref<2x256x128xf32, #tpu.memory_space<vmem>> -> memref<1x256x128xf32, #tpu.memory_space<vmem>>
    %dma_wait3A_607 = tpu.memref_squeeze %dma_wait3A_606 : memref<1x256x128xf32, #tpu.memory_space<vmem>> -> memref<256x128xf32, #tpu.memory_space<vmem>>
    %dma_wait3A_608 = arith.constant 0 : i32
    %dma_wait3A_609 = tpu.memref_slice %arg4[%add3A_499, %dma_wait3A_608] : memref<81920x128xf32, #tpu.memory_space<hbm>> -> memref<256x128xf32, #tpu.memory_space<hbm>>
    %dma_wait3A_610 = arith.constant 0 : i32
    %dma_wait3A_611 = tpu.memref_slice %arg4[%add3A_499, %dma_wait3A_610] : memref<81920x128xf32, #tpu.memory_space<hbm>> -> memref<256x128xf32, #tpu.memory_space<hbm>>
    %dma_wait3A_612 = arith.constant 0 : i32
    %dma_wait3A_613 = arith.constant 0 : i32
    %dma_wait3A_614 = tpu.memref_slice %arg6[%dma_wait3A_603, %dma_wait3A_612, %dma_wait3A_613] : memref<2x256x128xf32, #tpu.memory_space<vmem>> -> memref<1x256x128xf32, #tpu.memory_space<vmem>>
    %dma_wait3A_615 = tpu.memref_squeeze %dma_wait3A_614 : memref<1x256x128xf32, #tpu.memory_space<vmem>> -> memref<256x128xf32, #tpu.memory_space<vmem>>
    tpu.wait_dma2 semaphore(%arg8 : memref<!tpu.dma_semaphore, #tpu.memory_space<semaphore_mem>>) src(%dma_wait3A_615 : memref<256x128xf32, #tpu.memory_space<vmem>>) dst(%dma_wait3A_611 : memref<256x128xf32, #tpu.memory_space<hbm>>)
    %dma_start3A_616 = arith.constant 14 : i32
    %dma_start3A_617 = arith.constant 1 : i32
    %dma_start3A_618 = arith.constant 0 : i32
    %dma_start3A_619 = arith.constant 0 : i32
    %dma_start3A_620 = tpu.memref_slice %arg6[%dma_start3A_617, %dma_start3A_618, %dma_start3A_619] : memref<2x256x128xf32, #tpu.memory_space<vmem>> -> memref<1x256x128xf32, #tpu.memory_space<vmem>>
    %dma_start3A_621 = tpu.memref_squeeze %dma_start3A_620 : memref<1x256x128xf32, #tpu.memory_space<vmem>> -> memref<256x128xf32, #tpu.memory_space<vmem>>
    %dma_start3A_622 = arith.constant 0 : i32
    %dma_start3A_623 = arith.constant 0 : i32
    %dma_start3A_624 = tpu.memref_slice %dma_start3A_621[%dma_start3A_622, %dma_start3A_623] : memref<256x128xf32, #tpu.memory_space<vmem>> -> memref<128x128xf32, #tpu.memory_space<vmem>>
    %dma_start3A_625 = arith.constant 0 : i32
    %dma_start3A_626 = tpu.memref_slice %arg5[%dma_start3A_616, %dma_start3A_625] : memref<20x128xi32, #tpu.memory_space<vmem>> -> memref<1x128xi32, #tpu.memory_space<vmem>>
    %dma_start3A_627 = tpu.memref_squeeze %dma_start3A_626 : memref<1x128xi32, #tpu.memory_space<vmem>> -> memref<128xi32, #tpu.memory_space<vmem>>
    %dma_start3A_628 = arith.constant 0 : i32
    %dma_start3A_629 = arith.constant 0 : i32
    %dma_start3A_630 = tpu.memref_slice %arg2[%dma_start3A_628, %dma_start3A_629] : memref<262144x128xf32, #tpu.memory_space<hbm>> -> memref<262144x128xf32, #tpu.memory_space<hbm>>
    tpu.enqueue_indirect_dma source(%dma_start3A_630 : memref<262144x128xf32, #tpu.memory_space<hbm>>) target(%dma_start3A_624 : memref<128x128xf32, #tpu.memory_space<vmem>>) offsets(%dma_start3A_627 : memref<128xi32, #tpu.memory_space<vmem>>) semaphore(%arg7 : memref<!tpu.dma_semaphore, #tpu.memory_space<semaphore_mem>>)
    %dma_start3A_631 = arith.constant 15 : i32
    %dma_start3A_632 = arith.constant 1 : i32
    %dma_start3A_633 = arith.constant 0 : i32
    %dma_start3A_634 = arith.constant 0 : i32
    %dma_start3A_635 = tpu.memref_slice %arg6[%dma_start3A_632, %dma_start3A_633, %dma_start3A_634] : memref<2x256x128xf32, #tpu.memory_space<vmem>> -> memref<1x256x128xf32, #tpu.memory_space<vmem>>
    %dma_start3A_636 = tpu.memref_squeeze %dma_start3A_635 : memref<1x256x128xf32, #tpu.memory_space<vmem>> -> memref<256x128xf32, #tpu.memory_space<vmem>>
    %dma_start3A_637 = arith.constant 128 : i32
    %dma_start3A_638 = arith.constant 0 : i32
    %dma_start3A_639 = tpu.memref_slice %dma_start3A_636[%dma_start3A_637, %dma_start3A_638] : memref<256x128xf32, #tpu.memory_space<vmem>> -> memref<128x128xf32, #tpu.memory_space<vmem>>
    %dma_start3A_640 = arith.constant 0 : i32
    %dma_start3A_641 = tpu.memref_slice %arg5[%dma_start3A_631, %dma_start3A_640] : memref<20x128xi32, #tpu.memory_space<vmem>> -> memref<1x128xi32, #tpu.memory_space<vmem>>
    %dma_start3A_642 = tpu.memref_squeeze %dma_start3A_641 : memref<1x128xi32, #tpu.memory_space<vmem>> -> memref<128xi32, #tpu.memory_space<vmem>>
    %dma_start3A_643 = arith.constant 0 : i32
    %dma_start3A_644 = arith.constant 0 : i32
    %dma_start3A_645 = tpu.memref_slice %arg2[%dma_start3A_643, %dma_start3A_644] : memref<262144x128xf32, #tpu.memory_space<hbm>> -> memref<262144x128xf32, #tpu.memory_space<hbm>>
    tpu.enqueue_indirect_dma source(%dma_start3A_645 : memref<262144x128xf32, #tpu.memory_space<hbm>>) target(%dma_start3A_639 : memref<128x128xf32, #tpu.memory_space<vmem>>) offsets(%dma_start3A_642 : memref<128xi32, #tpu.memory_space<vmem>>) semaphore(%arg7 : memref<!tpu.dma_semaphore, #tpu.memory_space<semaphore_mem>>)
    %dma_wait3A_646 = arith.constant 14 : i32
    %dma_wait3A_647 = arith.constant 1 : i32
    %dma_wait3A_648 = arith.constant 0 : i32
    %dma_wait3A_649 = arith.constant 0 : i32
    %dma_wait3A_650 = tpu.memref_slice %arg6[%dma_wait3A_647, %dma_wait3A_648, %dma_wait3A_649] : memref<2x256x128xf32, #tpu.memory_space<vmem>> -> memref<1x256x128xf32, #tpu.memory_space<vmem>>
    %dma_wait3A_651 = tpu.memref_squeeze %dma_wait3A_650 : memref<1x256x128xf32, #tpu.memory_space<vmem>> -> memref<256x128xf32, #tpu.memory_space<vmem>>
    %dma_wait3A_652 = arith.constant 0 : i32
    %dma_wait3A_653 = arith.constant 0 : i32
    %dma_wait3A_654 = tpu.memref_slice %dma_wait3A_651[%dma_wait3A_652, %dma_wait3A_653] : memref<256x128xf32, #tpu.memory_space<vmem>> -> memref<128x128xf32, #tpu.memory_space<vmem>>
    %dma_wait3A_655 = arith.constant 0 : i32
    %dma_wait3A_656 = tpu.memref_slice %arg5[%dma_wait3A_646, %dma_wait3A_655] : memref<20x128xi32, #tpu.memory_space<vmem>> -> memref<1x128xi32, #tpu.memory_space<vmem>>
    %dma_wait3A_657 = tpu.memref_squeeze %dma_wait3A_656 : memref<1x128xi32, #tpu.memory_space<vmem>> -> memref<128xi32, #tpu.memory_space<vmem>>
    %dma_wait3A_658 = arith.constant 0 : i32
    %dma_wait3A_659 = arith.constant 0 : i32
    %dma_wait3A_660 = tpu.memref_slice %arg2[%dma_wait3A_658, %dma_wait3A_659] : memref<262144x128xf32, #tpu.memory_space<hbm>> -> memref<262144x128xf32, #tpu.memory_space<hbm>>
    tpu.wait_indirect_dma semaphore(%arg7 : memref<!tpu.dma_semaphore, #tpu.memory_space<semaphore_mem>>) src(%dma_wait3A_660 : memref<262144x128xf32, #tpu.memory_space<hbm>>) dst(%dma_wait3A_654 : memref<128x128xf32, #tpu.memory_space<vmem>>)
    %dma_wait3A_661 = arith.constant 15 : i32
    %dma_wait3A_662 = arith.constant 1 : i32
    %dma_wait3A_663 = arith.constant 0 : i32
    %dma_wait3A_664 = arith.constant 0 : i32
    %dma_wait3A_665 = tpu.memref_slice %arg6[%dma_wait3A_662, %dma_wait3A_663, %dma_wait3A_664] : memref<2x256x128xf32, #tpu.memory_space<vmem>> -> memref<1x256x128xf32, #tpu.memory_space<vmem>>
    %dma_wait3A_666 = tpu.memref_squeeze %dma_wait3A_665 : memref<1x256x128xf32, #tpu.memory_space<vmem>> -> memref<256x128xf32, #tpu.memory_space<vmem>>
    %dma_wait3A_667 = arith.constant 128 : i32
    %dma_wait3A_668 = arith.constant 0 : i32
    %dma_wait3A_669 = tpu.memref_slice %dma_wait3A_666[%dma_wait3A_667, %dma_wait3A_668] : memref<256x128xf32, #tpu.memory_space<vmem>> -> memref<128x128xf32, #tpu.memory_space<vmem>>
    %dma_wait3A_670 = arith.constant 0 : i32
    %dma_wait3A_671 = tpu.memref_slice %arg5[%dma_wait3A_661, %dma_wait3A_670] : memref<20x128xi32, #tpu.memory_space<vmem>> -> memref<1x128xi32, #tpu.memory_space<vmem>>
    %dma_wait3A_672 = tpu.memref_squeeze %dma_wait3A_671 : memref<1x128xi32, #tpu.memory_space<vmem>> -> memref<128xi32, #tpu.memory_space<vmem>>
    %dma_wait3A_673 = arith.constant 0 : i32
    %dma_wait3A_674 = arith.constant 0 : i32
    %dma_wait3A_675 = tpu.memref_slice %arg2[%dma_wait3A_673, %dma_wait3A_674] : memref<262144x128xf32, #tpu.memory_space<hbm>> -> memref<262144x128xf32, #tpu.memory_space<hbm>>
    tpu.wait_indirect_dma semaphore(%arg7 : memref<!tpu.dma_semaphore, #tpu.memory_space<semaphore_mem>>) src(%dma_wait3A_675 : memref<262144x128xf32, #tpu.memory_space<hbm>>) dst(%dma_wait3A_669 : memref<128x128xf32, #tpu.memory_space<vmem>>)
    %mul3A_676 = arith.constant 2560 : i32
    %mul3A_677 = arith.muli %add3A, %mul3A_676 : i32
    %add3A_678 = arith.constant 1792 : i32
    %add3A_679 = arith.addi %mul3A_677, %add3A_678 : i32
    %dma_start3A_680 = arith.constant 1 : i32
    %dma_start3A_681 = arith.constant 0 : i32
    %dma_start3A_682 = arith.constant 0 : i32
    %dma_start3A_683 = tpu.memref_slice %arg6[%dma_start3A_680, %dma_start3A_681, %dma_start3A_682] : memref<2x256x128xf32, #tpu.memory_space<vmem>> -> memref<1x256x128xf32, #tpu.memory_space<vmem>>
    %dma_start3A_684 = tpu.memref_squeeze %dma_start3A_683 : memref<1x256x128xf32, #tpu.memory_space<vmem>> -> memref<256x128xf32, #tpu.memory_space<vmem>>
    %dma_start3A_685 = arith.constant 0 : i32
    %dma_start3A_686 = tpu.memref_slice %arg4[%add3A_679, %dma_start3A_685] : memref<81920x128xf32, #tpu.memory_space<hbm>> -> memref<256x128xf32, #tpu.memory_space<hbm>>
    %dma_start3A_687 = arith.constant 0 : i32
    %dma_start3A_688 = tpu.memref_slice %arg4[%add3A_679, %dma_start3A_687] : memref<81920x128xf32, #tpu.memory_space<hbm>> -> memref<256x128xf32, #tpu.memory_space<hbm>>
    %dma_start3A_689 = arith.constant 0 : i32
    %dma_start3A_690 = arith.constant 0 : i32
    %dma_start3A_691 = tpu.memref_slice %arg6[%dma_start3A_680, %dma_start3A_689, %dma_start3A_690] : memref<2x256x128xf32, #tpu.memory_space<vmem>> -> memref<1x256x128xf32, #tpu.memory_space<vmem>>
    %dma_start3A_692 = tpu.memref_squeeze %dma_start3A_691 : memref<1x256x128xf32, #tpu.memory_space<vmem>> -> memref<256x128xf32, #tpu.memory_space<vmem>>
    tpu.enqueue_dma source(%dma_start3A_692 : memref<256x128xf32, #tpu.memory_space<vmem>>) target(%dma_start3A_688 : memref<256x128xf32, #tpu.memory_space<hbm>>) target_semaphore(%arg8 : memref<!tpu.dma_semaphore, #tpu.memory_space<semaphore_mem>>)
    %dma_wait3A_693 = arith.constant 0 : i32
    %dma_wait3A_694 = arith.constant 0 : i32
    %dma_wait3A_695 = arith.constant 0 : i32
    %dma_wait3A_696 = tpu.memref_slice %arg6[%dma_wait3A_693, %dma_wait3A_694, %dma_wait3A_695] : memref<2x256x128xf32, #tpu.memory_space<vmem>> -> memref<1x256x128xf32, #tpu.memory_space<vmem>>
    %dma_wait3A_697 = tpu.memref_squeeze %dma_wait3A_696 : memref<1x256x128xf32, #tpu.memory_space<vmem>> -> memref<256x128xf32, #tpu.memory_space<vmem>>
    %dma_wait3A_698 = arith.constant 0 : i32
    %dma_wait3A_699 = tpu.memref_slice %arg4[%add3A_589, %dma_wait3A_698] : memref<81920x128xf32, #tpu.memory_space<hbm>> -> memref<256x128xf32, #tpu.memory_space<hbm>>
    %dma_wait3A_700 = arith.constant 0 : i32
    %dma_wait3A_701 = tpu.memref_slice %arg4[%add3A_589, %dma_wait3A_700] : memref<81920x128xf32, #tpu.memory_space<hbm>> -> memref<256x128xf32, #tpu.memory_space<hbm>>
    %dma_wait3A_702 = arith.constant 0 : i32
    %dma_wait3A_703 = arith.constant 0 : i32
    %dma_wait3A_704 = tpu.memref_slice %arg6[%dma_wait3A_693, %dma_wait3A_702, %dma_wait3A_703] : memref<2x256x128xf32, #tpu.memory_space<vmem>> -> memref<1x256x128xf32, #tpu.memory_space<vmem>>
    %dma_wait3A_705 = tpu.memref_squeeze %dma_wait3A_704 : memref<1x256x128xf32, #tpu.memory_space<vmem>> -> memref<256x128xf32, #tpu.memory_space<vmem>>
    tpu.wait_dma2 semaphore(%arg8 : memref<!tpu.dma_semaphore, #tpu.memory_space<semaphore_mem>>) src(%dma_wait3A_705 : memref<256x128xf32, #tpu.memory_space<vmem>>) dst(%dma_wait3A_701 : memref<256x128xf32, #tpu.memory_space<hbm>>)
    %dma_start3A_706 = arith.constant 16 : i32
    %dma_start3A_707 = arith.constant 0 : i32
    %dma_start3A_708 = arith.constant 0 : i32
    %dma_start3A_709 = arith.constant 0 : i32
    %dma_start3A_710 = tpu.memref_slice %arg6[%dma_start3A_707, %dma_start3A_708, %dma_start3A_709] : memref<2x256x128xf32, #tpu.memory_space<vmem>> -> memref<1x256x128xf32, #tpu.memory_space<vmem>>
    %dma_start3A_711 = tpu.memref_squeeze %dma_start3A_710 : memref<1x256x128xf32, #tpu.memory_space<vmem>> -> memref<256x128xf32, #tpu.memory_space<vmem>>
    %dma_start3A_712 = arith.constant 0 : i32
    %dma_start3A_713 = arith.constant 0 : i32
    %dma_start3A_714 = tpu.memref_slice %dma_start3A_711[%dma_start3A_712, %dma_start3A_713] : memref<256x128xf32, #tpu.memory_space<vmem>> -> memref<128x128xf32, #tpu.memory_space<vmem>>
    %dma_start3A_715 = arith.constant 0 : i32
    %dma_start3A_716 = tpu.memref_slice %arg5[%dma_start3A_706, %dma_start3A_715] : memref<20x128xi32, #tpu.memory_space<vmem>> -> memref<1x128xi32, #tpu.memory_space<vmem>>
    %dma_start3A_717 = tpu.memref_squeeze %dma_start3A_716 : memref<1x128xi32, #tpu.memory_space<vmem>> -> memref<128xi32, #tpu.memory_space<vmem>>
    %dma_start3A_718 = arith.constant 0 : i32
    %dma_start3A_719 = arith.constant 0 : i32
    %dma_start3A_720 = tpu.memref_slice %arg2[%dma_start3A_718, %dma_start3A_719] : memref<262144x128xf32, #tpu.memory_space<hbm>> -> memref<262144x128xf32, #tpu.memory_space<hbm>>
    tpu.enqueue_indirect_dma source(%dma_start3A_720 : memref<262144x128xf32, #tpu.memory_space<hbm>>) target(%dma_start3A_714 : memref<128x128xf32, #tpu.memory_space<vmem>>) offsets(%dma_start3A_717 : memref<128xi32, #tpu.memory_space<vmem>>) semaphore(%arg7 : memref<!tpu.dma_semaphore, #tpu.memory_space<semaphore_mem>>)
    %dma_start3A_721 = arith.constant 17 : i32
    %dma_start3A_722 = arith.constant 0 : i32
    %dma_start3A_723 = arith.constant 0 : i32
    %dma_start3A_724 = arith.constant 0 : i32
    %dma_start3A_725 = tpu.memref_slice %arg6[%dma_start3A_722, %dma_start3A_723, %dma_start3A_724] : memref<2x256x128xf32, #tpu.memory_space<vmem>> -> memref<1x256x128xf32, #tpu.memory_space<vmem>>
    %dma_start3A_726 = tpu.memref_squeeze %dma_start3A_725 : memref<1x256x128xf32, #tpu.memory_space<vmem>> -> memref<256x128xf32, #tpu.memory_space<vmem>>
    %dma_start3A_727 = arith.constant 128 : i32
    %dma_start3A_728 = arith.constant 0 : i32
    %dma_start3A_729 = tpu.memref_slice %dma_start3A_726[%dma_start3A_727, %dma_start3A_728] : memref<256x128xf32, #tpu.memory_space<vmem>> -> memref<128x128xf32, #tpu.memory_space<vmem>>
    %dma_start3A_730 = arith.constant 0 : i32
    %dma_start3A_731 = tpu.memref_slice %arg5[%dma_start3A_721, %dma_start3A_730] : memref<20x128xi32, #tpu.memory_space<vmem>> -> memref<1x128xi32, #tpu.memory_space<vmem>>
    %dma_start3A_732 = tpu.memref_squeeze %dma_start3A_731 : memref<1x128xi32, #tpu.memory_space<vmem>> -> memref<128xi32, #tpu.memory_space<vmem>>
    %dma_start3A_733 = arith.constant 0 : i32
    %dma_start3A_734 = arith.constant 0 : i32
    %dma_start3A_735 = tpu.memref_slice %arg2[%dma_start3A_733, %dma_start3A_734] : memref<262144x128xf32, #tpu.memory_space<hbm>> -> memref<262144x128xf32, #tpu.memory_space<hbm>>
    tpu.enqueue_indirect_dma source(%dma_start3A_735 : memref<262144x128xf32, #tpu.memory_space<hbm>>) target(%dma_start3A_729 : memref<128x128xf32, #tpu.memory_space<vmem>>) offsets(%dma_start3A_732 : memref<128xi32, #tpu.memory_space<vmem>>) semaphore(%arg7 : memref<!tpu.dma_semaphore, #tpu.memory_space<semaphore_mem>>)
    %dma_wait3A_736 = arith.constant 16 : i32
    %dma_wait3A_737 = arith.constant 0 : i32
    %dma_wait3A_738 = arith.constant 0 : i32
    %dma_wait3A_739 = arith.constant 0 : i32
    %dma_wait3A_740 = tpu.memref_slice %arg6[%dma_wait3A_737, %dma_wait3A_738, %dma_wait3A_739] : memref<2x256x128xf32, #tpu.memory_space<vmem>> -> memref<1x256x128xf32, #tpu.memory_space<vmem>>
    %dma_wait3A_741 = tpu.memref_squeeze %dma_wait3A_740 : memref<1x256x128xf32, #tpu.memory_space<vmem>> -> memref<256x128xf32, #tpu.memory_space<vmem>>
    %dma_wait3A_742 = arith.constant 0 : i32
    %dma_wait3A_743 = arith.constant 0 : i32
    %dma_wait3A_744 = tpu.memref_slice %dma_wait3A_741[%dma_wait3A_742, %dma_wait3A_743] : memref<256x128xf32, #tpu.memory_space<vmem>> -> memref<128x128xf32, #tpu.memory_space<vmem>>
    %dma_wait3A_745 = arith.constant 0 : i32
    %dma_wait3A_746 = tpu.memref_slice %arg5[%dma_wait3A_736, %dma_wait3A_745] : memref<20x128xi32, #tpu.memory_space<vmem>> -> memref<1x128xi32, #tpu.memory_space<vmem>>
    %dma_wait3A_747 = tpu.memref_squeeze %dma_wait3A_746 : memref<1x128xi32, #tpu.memory_space<vmem>> -> memref<128xi32, #tpu.memory_space<vmem>>
    %dma_wait3A_748 = arith.constant 0 : i32
    %dma_wait3A_749 = arith.constant 0 : i32
    %dma_wait3A_750 = tpu.memref_slice %arg2[%dma_wait3A_748, %dma_wait3A_749] : memref<262144x128xf32, #tpu.memory_space<hbm>> -> memref<262144x128xf32, #tpu.memory_space<hbm>>
    tpu.wait_indirect_dma semaphore(%arg7 : memref<!tpu.dma_semaphore, #tpu.memory_space<semaphore_mem>>) src(%dma_wait3A_750 : memref<262144x128xf32, #tpu.memory_space<hbm>>) dst(%dma_wait3A_744 : memref<128x128xf32, #tpu.memory_space<vmem>>)
    %dma_wait3A_751 = arith.constant 17 : i32
    %dma_wait3A_752 = arith.constant 0 : i32
    %dma_wait3A_753 = arith.constant 0 : i32
    %dma_wait3A_754 = arith.constant 0 : i32
    %dma_wait3A_755 = tpu.memref_slice %arg6[%dma_wait3A_752, %dma_wait3A_753, %dma_wait3A_754] : memref<2x256x128xf32, #tpu.memory_space<vmem>> -> memref<1x256x128xf32, #tpu.memory_space<vmem>>
    %dma_wait3A_756 = tpu.memref_squeeze %dma_wait3A_755 : memref<1x256x128xf32, #tpu.memory_space<vmem>> -> memref<256x128xf32, #tpu.memory_space<vmem>>
    %dma_wait3A_757 = arith.constant 128 : i32
    %dma_wait3A_758 = arith.constant 0 : i32
    %dma_wait3A_759 = tpu.memref_slice %dma_wait3A_756[%dma_wait3A_757, %dma_wait3A_758] : memref<256x128xf32, #tpu.memory_space<vmem>> -> memref<128x128xf32, #tpu.memory_space<vmem>>
    %dma_wait3A_760 = arith.constant 0 : i32
    %dma_wait3A_761 = tpu.memref_slice %arg5[%dma_wait3A_751, %dma_wait3A_760] : memref<20x128xi32, #tpu.memory_space<vmem>> -> memref<1x128xi32, #tpu.memory_space<vmem>>
    %dma_wait3A_762 = tpu.memref_squeeze %dma_wait3A_761 : memref<1x128xi32, #tpu.memory_space<vmem>> -> memref<128xi32, #tpu.memory_space<vmem>>
    %dma_wait3A_763 = arith.constant 0 : i32
    %dma_wait3A_764 = arith.constant 0 : i32
    %dma_wait3A_765 = tpu.memref_slice %arg2[%dma_wait3A_763, %dma_wait3A_764] : memref<262144x128xf32, #tpu.memory_space<hbm>> -> memref<262144x128xf32, #tpu.memory_space<hbm>>
    tpu.wait_indirect_dma semaphore(%arg7 : memref<!tpu.dma_semaphore, #tpu.memory_space<semaphore_mem>>) src(%dma_wait3A_765 : memref<262144x128xf32, #tpu.memory_space<hbm>>) dst(%dma_wait3A_759 : memref<128x128xf32, #tpu.memory_space<vmem>>)
    %mul3A_766 = arith.constant 2560 : i32
    %mul3A_767 = arith.muli %add3A, %mul3A_766 : i32
    %add3A_768 = arith.constant 2048 : i32
    %add3A_769 = arith.addi %mul3A_767, %add3A_768 : i32
    %dma_start3A_770 = arith.constant 0 : i32
    %dma_start3A_771 = arith.constant 0 : i32
    %dma_start3A_772 = arith.constant 0 : i32
    %dma_start3A_773 = tpu.memref_slice %arg6[%dma_start3A_770, %dma_start3A_771, %dma_start3A_772] : memref<2x256x128xf32, #tpu.memory_space<vmem>> -> memref<1x256x128xf32, #tpu.memory_space<vmem>>
    %dma_start3A_774 = tpu.memref_squeeze %dma_start3A_773 : memref<1x256x128xf32, #tpu.memory_space<vmem>> -> memref<256x128xf32, #tpu.memory_space<vmem>>
    %dma_start3A_775 = arith.constant 0 : i32
    %dma_start3A_776 = tpu.memref_slice %arg4[%add3A_769, %dma_start3A_775] : memref<81920x128xf32, #tpu.memory_space<hbm>> -> memref<256x128xf32, #tpu.memory_space<hbm>>
    %dma_start3A_777 = arith.constant 0 : i32
    %dma_start3A_778 = tpu.memref_slice %arg4[%add3A_769, %dma_start3A_777] : memref<81920x128xf32, #tpu.memory_space<hbm>> -> memref<256x128xf32, #tpu.memory_space<hbm>>
    %dma_start3A_779 = arith.constant 0 : i32
    %dma_start3A_780 = arith.constant 0 : i32
    %dma_start3A_781 = tpu.memref_slice %arg6[%dma_start3A_770, %dma_start3A_779, %dma_start3A_780] : memref<2x256x128xf32, #tpu.memory_space<vmem>> -> memref<1x256x128xf32, #tpu.memory_space<vmem>>
    %dma_start3A_782 = tpu.memref_squeeze %dma_start3A_781 : memref<1x256x128xf32, #tpu.memory_space<vmem>> -> memref<256x128xf32, #tpu.memory_space<vmem>>
    tpu.enqueue_dma source(%dma_start3A_782 : memref<256x128xf32, #tpu.memory_space<vmem>>) target(%dma_start3A_778 : memref<256x128xf32, #tpu.memory_space<hbm>>) target_semaphore(%arg8 : memref<!tpu.dma_semaphore, #tpu.memory_space<semaphore_mem>>)
    %dma_wait3A_783 = arith.constant 1 : i32
    %dma_wait3A_784 = arith.constant 0 : i32
    %dma_wait3A_785 = arith.constant 0 : i32
    %dma_wait3A_786 = tpu.memref_slice %arg6[%dma_wait3A_783, %dma_wait3A_784, %dma_wait3A_785] : memref<2x256x128xf32, #tpu.memory_space<vmem>> -> memref<1x256x128xf32, #tpu.memory_space<vmem>>
    %dma_wait3A_787 = tpu.memref_squeeze %dma_wait3A_786 : memref<1x256x128xf32, #tpu.memory_space<vmem>> -> memref<256x128xf32, #tpu.memory_space<vmem>>
    %dma_wait3A_788 = arith.constant 0 : i32
    %dma_wait3A_789 = tpu.memref_slice %arg4[%add3A_679, %dma_wait3A_788] : memref<81920x128xf32, #tpu.memory_space<hbm>> -> memref<256x128xf32, #tpu.memory_space<hbm>>
    %dma_wait3A_790 = arith.constant 0 : i32
    %dma_wait3A_791 = tpu.memref_slice %arg4[%add3A_679, %dma_wait3A_790] : memref<81920x128xf32, #tpu.memory_space<hbm>> -> memref<256x128xf32, #tpu.memory_space<hbm>>
    %dma_wait3A_792 = arith.constant 0 : i32
    %dma_wait3A_793 = arith.constant 0 : i32
    %dma_wait3A_794 = tpu.memref_slice %arg6[%dma_wait3A_783, %dma_wait3A_792, %dma_wait3A_793] : memref<2x256x128xf32, #tpu.memory_space<vmem>> -> memref<1x256x128xf32, #tpu.memory_space<vmem>>
    %dma_wait3A_795 = tpu.memref_squeeze %dma_wait3A_794 : memref<1x256x128xf32, #tpu.memory_space<vmem>> -> memref<256x128xf32, #tpu.memory_space<vmem>>
    tpu.wait_dma2 semaphore(%arg8 : memref<!tpu.dma_semaphore, #tpu.memory_space<semaphore_mem>>) src(%dma_wait3A_795 : memref<256x128xf32, #tpu.memory_space<vmem>>) dst(%dma_wait3A_791 : memref<256x128xf32, #tpu.memory_space<hbm>>)
    %dma_start3A_796 = arith.constant 18 : i32
    %dma_start3A_797 = arith.constant 1 : i32
    %dma_start3A_798 = arith.constant 0 : i32
    %dma_start3A_799 = arith.constant 0 : i32
    %dma_start3A_800 = tpu.memref_slice %arg6[%dma_start3A_797, %dma_start3A_798, %dma_start3A_799] : memref<2x256x128xf32, #tpu.memory_space<vmem>> -> memref<1x256x128xf32, #tpu.memory_space<vmem>>
    %dma_start3A_801 = tpu.memref_squeeze %dma_start3A_800 : memref<1x256x128xf32, #tpu.memory_space<vmem>> -> memref<256x128xf32, #tpu.memory_space<vmem>>
    %dma_start3A_802 = arith.constant 0 : i32
    %dma_start3A_803 = arith.constant 0 : i32
    %dma_start3A_804 = tpu.memref_slice %dma_start3A_801[%dma_start3A_802, %dma_start3A_803] : memref<256x128xf32, #tpu.memory_space<vmem>> -> memref<128x128xf32, #tpu.memory_space<vmem>>
    %dma_start3A_805 = arith.constant 0 : i32
    %dma_start3A_806 = tpu.memref_slice %arg5[%dma_start3A_796, %dma_start3A_805] : memref<20x128xi32, #tpu.memory_space<vmem>> -> memref<1x128xi32, #tpu.memory_space<vmem>>
    %dma_start3A_807 = tpu.memref_squeeze %dma_start3A_806 : memref<1x128xi32, #tpu.memory_space<vmem>> -> memref<128xi32, #tpu.memory_space<vmem>>
    %dma_start3A_808 = arith.constant 0 : i32
    %dma_start3A_809 = arith.constant 0 : i32
    %dma_start3A_810 = tpu.memref_slice %arg2[%dma_start3A_808, %dma_start3A_809] : memref<262144x128xf32, #tpu.memory_space<hbm>> -> memref<262144x128xf32, #tpu.memory_space<hbm>>
    tpu.enqueue_indirect_dma source(%dma_start3A_810 : memref<262144x128xf32, #tpu.memory_space<hbm>>) target(%dma_start3A_804 : memref<128x128xf32, #tpu.memory_space<vmem>>) offsets(%dma_start3A_807 : memref<128xi32, #tpu.memory_space<vmem>>) semaphore(%arg7 : memref<!tpu.dma_semaphore, #tpu.memory_space<semaphore_mem>>)
    %dma_start3A_811 = arith.constant 19 : i32
    %dma_start3A_812 = arith.constant 1 : i32
    %dma_start3A_813 = arith.constant 0 : i32
    %dma_start3A_814 = arith.constant 0 : i32
    %dma_start3A_815 = tpu.memref_slice %arg6[%dma_start3A_812, %dma_start3A_813, %dma_start3A_814] : memref<2x256x128xf32, #tpu.memory_space<vmem>> -> memref<1x256x128xf32, #tpu.memory_space<vmem>>
    %dma_start3A_816 = tpu.memref_squeeze %dma_start3A_815 : memref<1x256x128xf32, #tpu.memory_space<vmem>> -> memref<256x128xf32, #tpu.memory_space<vmem>>
    %dma_start3A_817 = arith.constant 128 : i32
    %dma_start3A_818 = arith.constant 0 : i32
    %dma_start3A_819 = tpu.memref_slice %dma_start3A_816[%dma_start3A_817, %dma_start3A_818] : memref<256x128xf32, #tpu.memory_space<vmem>> -> memref<128x128xf32, #tpu.memory_space<vmem>>
    %dma_start3A_820 = arith.constant 0 : i32
    %dma_start3A_821 = tpu.memref_slice %arg5[%dma_start3A_811, %dma_start3A_820] : memref<20x128xi32, #tpu.memory_space<vmem>> -> memref<1x128xi32, #tpu.memory_space<vmem>>
    %dma_start3A_822 = tpu.memref_squeeze %dma_start3A_821 : memref<1x128xi32, #tpu.memory_space<vmem>> -> memref<128xi32, #tpu.memory_space<vmem>>
    %dma_start3A_823 = arith.constant 0 : i32
    %dma_start3A_824 = arith.constant 0 : i32
    %dma_start3A_825 = tpu.memref_slice %arg2[%dma_start3A_823, %dma_start3A_824] : memref<262144x128xf32, #tpu.memory_space<hbm>> -> memref<262144x128xf32, #tpu.memory_space<hbm>>
    tpu.enqueue_indirect_dma source(%dma_start3A_825 : memref<262144x128xf32, #tpu.memory_space<hbm>>) target(%dma_start3A_819 : memref<128x128xf32, #tpu.memory_space<vmem>>) offsets(%dma_start3A_822 : memref<128xi32, #tpu.memory_space<vmem>>) semaphore(%arg7 : memref<!tpu.dma_semaphore, #tpu.memory_space<semaphore_mem>>)
    %dma_wait3A_826 = arith.constant 18 : i32
    %dma_wait3A_827 = arith.constant 1 : i32
    %dma_wait3A_828 = arith.constant 0 : i32
    %dma_wait3A_829 = arith.constant 0 : i32
    %dma_wait3A_830 = tpu.memref_slice %arg6[%dma_wait3A_827, %dma_wait3A_828, %dma_wait3A_829] : memref<2x256x128xf32, #tpu.memory_space<vmem>> -> memref<1x256x128xf32, #tpu.memory_space<vmem>>
    %dma_wait3A_831 = tpu.memref_squeeze %dma_wait3A_830 : memref<1x256x128xf32, #tpu.memory_space<vmem>> -> memref<256x128xf32, #tpu.memory_space<vmem>>
    %dma_wait3A_832 = arith.constant 0 : i32
    %dma_wait3A_833 = arith.constant 0 : i32
    %dma_wait3A_834 = tpu.memref_slice %dma_wait3A_831[%dma_wait3A_832, %dma_wait3A_833] : memref<256x128xf32, #tpu.memory_space<vmem>> -> memref<128x128xf32, #tpu.memory_space<vmem>>
    %dma_wait3A_835 = arith.constant 0 : i32
    %dma_wait3A_836 = tpu.memref_slice %arg5[%dma_wait3A_826, %dma_wait3A_835] : memref<20x128xi32, #tpu.memory_space<vmem>> -> memref<1x128xi32, #tpu.memory_space<vmem>>
    %dma_wait3A_837 = tpu.memref_squeeze %dma_wait3A_836 : memref<1x128xi32, #tpu.memory_space<vmem>> -> memref<128xi32, #tpu.memory_space<vmem>>
    %dma_wait3A_838 = arith.constant 0 : i32
    %dma_wait3A_839 = arith.constant 0 : i32
    %dma_wait3A_840 = tpu.memref_slice %arg2[%dma_wait3A_838, %dma_wait3A_839] : memref<262144x128xf32, #tpu.memory_space<hbm>> -> memref<262144x128xf32, #tpu.memory_space<hbm>>
    tpu.wait_indirect_dma semaphore(%arg7 : memref<!tpu.dma_semaphore, #tpu.memory_space<semaphore_mem>>) src(%dma_wait3A_840 : memref<262144x128xf32, #tpu.memory_space<hbm>>) dst(%dma_wait3A_834 : memref<128x128xf32, #tpu.memory_space<vmem>>)
    %dma_wait3A_841 = arith.constant 19 : i32
    %dma_wait3A_842 = arith.constant 1 : i32
    %dma_wait3A_843 = arith.constant 0 : i32
    %dma_wait3A_844 = arith.constant 0 : i32
    %dma_wait3A_845 = tpu.memref_slice %arg6[%dma_wait3A_842, %dma_wait3A_843, %dma_wait3A_844] : memref<2x256x128xf32, #tpu.memory_space<vmem>> -> memref<1x256x128xf32, #tpu.memory_space<vmem>>
    %dma_wait3A_846 = tpu.memref_squeeze %dma_wait3A_845 : memref<1x256x128xf32, #tpu.memory_space<vmem>> -> memref<256x128xf32, #tpu.memory_space<vmem>>
    %dma_wait3A_847 = arith.constant 128 : i32
    %dma_wait3A_848 = arith.constant 0 : i32
    %dma_wait3A_849 = tpu.memref_slice %dma_wait3A_846[%dma_wait3A_847, %dma_wait3A_848] : memref<256x128xf32, #tpu.memory_space<vmem>> -> memref<128x128xf32, #tpu.memory_space<vmem>>
    %dma_wait3A_850 = arith.constant 0 : i32
    %dma_wait3A_851 = tpu.memref_slice %arg5[%dma_wait3A_841, %dma_wait3A_850] : memref<20x128xi32, #tpu.memory_space<vmem>> -> memref<1x128xi32, #tpu.memory_space<vmem>>
    %dma_wait3A_852 = tpu.memref_squeeze %dma_wait3A_851 : memref<1x128xi32, #tpu.memory_space<vmem>> -> memref<128xi32, #tpu.memory_space<vmem>>
    %dma_wait3A_853 = arith.constant 0 : i32
    %dma_wait3A_854 = arith.constant 0 : i32
    %dma_wait3A_855 = tpu.memref_slice %arg2[%dma_wait3A_853, %dma_wait3A_854] : memref<262144x128xf32, #tpu.memory_space<hbm>> -> memref<262144x128xf32, #tpu.memory_space<hbm>>
    tpu.wait_indirect_dma semaphore(%arg7 : memref<!tpu.dma_semaphore, #tpu.memory_space<semaphore_mem>>) src(%dma_wait3A_855 : memref<262144x128xf32, #tpu.memory_space<hbm>>) dst(%dma_wait3A_849 : memref<128x128xf32, #tpu.memory_space<vmem>>)
    %mul3A_856 = arith.constant 2560 : i32
    %mul3A_857 = arith.muli %add3A, %mul3A_856 : i32
    %add3A_858 = arith.constant 2304 : i32
    %add3A_859 = arith.addi %mul3A_857, %add3A_858 : i32
    %dma_start3A_860 = arith.constant 1 : i32
    %dma_start3A_861 = arith.constant 0 : i32
    %dma_start3A_862 = arith.constant 0 : i32
    %dma_start3A_863 = tpu.memref_slice %arg6[%dma_start3A_860, %dma_start3A_861, %dma_start3A_862] : memref<2x256x128xf32, #tpu.memory_space<vmem>> -> memref<1x256x128xf32, #tpu.memory_space<vmem>>
    %dma_start3A_864 = tpu.memref_squeeze %dma_start3A_863 : memref<1x256x128xf32, #tpu.memory_space<vmem>> -> memref<256x128xf32, #tpu.memory_space<vmem>>
    %dma_start3A_865 = arith.constant 0 : i32
    %dma_start3A_866 = tpu.memref_slice %arg4[%add3A_859, %dma_start3A_865] : memref<81920x128xf32, #tpu.memory_space<hbm>> -> memref<256x128xf32, #tpu.memory_space<hbm>>
    %dma_start3A_867 = arith.constant 0 : i32
    %dma_start3A_868 = tpu.memref_slice %arg4[%add3A_859, %dma_start3A_867] : memref<81920x128xf32, #tpu.memory_space<hbm>> -> memref<256x128xf32, #tpu.memory_space<hbm>>
    %dma_start3A_869 = arith.constant 0 : i32
    %dma_start3A_870 = arith.constant 0 : i32
    %dma_start3A_871 = tpu.memref_slice %arg6[%dma_start3A_860, %dma_start3A_869, %dma_start3A_870] : memref<2x256x128xf32, #tpu.memory_space<vmem>> -> memref<1x256x128xf32, #tpu.memory_space<vmem>>
    %dma_start3A_872 = tpu.memref_squeeze %dma_start3A_871 : memref<1x256x128xf32, #tpu.memory_space<vmem>> -> memref<256x128xf32, #tpu.memory_space<vmem>>
    tpu.enqueue_dma source(%dma_start3A_872 : memref<256x128xf32, #tpu.memory_space<vmem>>) target(%dma_start3A_868 : memref<256x128xf32, #tpu.memory_space<hbm>>) target_semaphore(%arg8 : memref<!tpu.dma_semaphore, #tpu.memory_space<semaphore_mem>>)
    %dma_wait3A_873 = arith.constant 0 : i32
    %dma_wait3A_874 = arith.constant 0 : i32
    %dma_wait3A_875 = arith.constant 0 : i32
    %dma_wait3A_876 = tpu.memref_slice %arg6[%dma_wait3A_873, %dma_wait3A_874, %dma_wait3A_875] : memref<2x256x128xf32, #tpu.memory_space<vmem>> -> memref<1x256x128xf32, #tpu.memory_space<vmem>>
    %dma_wait3A_877 = tpu.memref_squeeze %dma_wait3A_876 : memref<1x256x128xf32, #tpu.memory_space<vmem>> -> memref<256x128xf32, #tpu.memory_space<vmem>>
    %dma_wait3A_878 = arith.constant 0 : i32
    %dma_wait3A_879 = tpu.memref_slice %arg4[%add3A_769, %dma_wait3A_878] : memref<81920x128xf32, #tpu.memory_space<hbm>> -> memref<256x128xf32, #tpu.memory_space<hbm>>
    %dma_wait3A_880 = arith.constant 0 : i32
    %dma_wait3A_881 = tpu.memref_slice %arg4[%add3A_769, %dma_wait3A_880] : memref<81920x128xf32, #tpu.memory_space<hbm>> -> memref<256x128xf32, #tpu.memory_space<hbm>>
    %dma_wait3A_882 = arith.constant 0 : i32
    %dma_wait3A_883 = arith.constant 0 : i32
    %dma_wait3A_884 = tpu.memref_slice %arg6[%dma_wait3A_873, %dma_wait3A_882, %dma_wait3A_883] : memref<2x256x128xf32, #tpu.memory_space<vmem>> -> memref<1x256x128xf32, #tpu.memory_space<vmem>>
    %dma_wait3A_885 = tpu.memref_squeeze %dma_wait3A_884 : memref<1x256x128xf32, #tpu.memory_space<vmem>> -> memref<256x128xf32, #tpu.memory_space<vmem>>
    tpu.wait_dma2 semaphore(%arg8 : memref<!tpu.dma_semaphore, #tpu.memory_space<semaphore_mem>>) src(%dma_wait3A_885 : memref<256x128xf32, #tpu.memory_space<vmem>>) dst(%dma_wait3A_881 : memref<256x128xf32, #tpu.memory_space<hbm>>)
    %dma_wait3A_886 = arith.constant 1 : i32
    %dma_wait3A_887 = arith.constant 0 : i32
    %dma_wait3A_888 = arith.constant 0 : i32
    %dma_wait3A_889 = tpu.memref_slice %arg6[%dma_wait3A_886, %dma_wait3A_887, %dma_wait3A_888] : memref<2x256x128xf32, #tpu.memory_space<vmem>> -> memref<1x256x128xf32, #tpu.memory_space<vmem>>
    %dma_wait3A_890 = tpu.memref_squeeze %dma_wait3A_889 : memref<1x256x128xf32, #tpu.memory_space<vmem>> -> memref<256x128xf32, #tpu.memory_space<vmem>>
    %dma_wait3A_891 = arith.constant 0 : i32
    %dma_wait3A_892 = tpu.memref_slice %arg4[%add3A_859, %dma_wait3A_891] : memref<81920x128xf32, #tpu.memory_space<hbm>> -> memref<256x128xf32, #tpu.memory_space<hbm>>
    %dma_wait3A_893 = arith.constant 0 : i32
    %dma_wait3A_894 = tpu.memref_slice %arg4[%add3A_859, %dma_wait3A_893] : memref<81920x128xf32, #tpu.memory_space<hbm>> -> memref<256x128xf32, #tpu.memory_space<hbm>>
    %dma_wait3A_895 = arith.constant 0 : i32
    %dma_wait3A_896 = arith.constant 0 : i32
    %dma_wait3A_897 = tpu.memref_slice %arg6[%dma_wait3A_886, %dma_wait3A_895, %dma_wait3A_896] : memref<2x256x128xf32, #tpu.memory_space<vmem>> -> memref<1x256x128xf32, #tpu.memory_space<vmem>>
    %dma_wait3A_898 = tpu.memref_squeeze %dma_wait3A_897 : memref<1x256x128xf32, #tpu.memory_space<vmem>> -> memref<256x128xf32, #tpu.memory_space<vmem>>
    tpu.wait_dma2 semaphore(%arg8 : memref<!tpu.dma_semaphore, #tpu.memory_space<semaphore_mem>>) src(%dma_wait3A_898 : memref<256x128xf32, #tpu.memory_space<vmem>>) dst(%dma_wait3A_894 : memref<256x128xf32, #tpu.memory_space<hbm>>)
    return
  }
}

#map = affine_map<(d0, d1) -> (0, 0)>
#map1 = affine_map<(d0, d1) -> (0, 0, 0)>
module attributes {stable_mosaic.version = 14 : i64} {
  func.func @_gather2_body(%arg0: i32, %arg1: i32, %arg2: memref<327680x32xf32, #tpu.memory_space<hbm>>, %arg3: memref<32x20x128xi32, #tpu.memory_space<hbm>>, %arg4: memref<81920x32xf32, #tpu.memory_space<hbm>>, %arg5: memref<20x128xi32, #tpu.memory_space<vmem>>, %arg6: memref<2560x32xf32, #tpu.memory_space<vmem>>, %arg7: memref<!tpu.dma_semaphore, #tpu.memory_space<semaphore_mem>>) attributes {dimension_semantics = [#tpu.dimension_semantics<core_parallel>, #tpu.dimension_semantics<subcore_parallel>], iteration_bounds = array<i64: 2, 16>, scalar_prefetch = 0 : i64, scratch_operands = 3 : i64, tpu.core_type = #tpu.core_type<sc_vector_subcore>, window_params = [{transform_indices = #map}, {transform_indices = #map1}, {transform_indices = #map}]} {
    %mul3A = arith.constant 2 : i32
    %mul3A_0 = arith.muli %arg1, %mul3A : i32
    %add3A = arith.addi %mul3A_0, %arg0 : i32
    "tpu.region"() ({
      %run_scoped3A = tpu.sem_alloc : memref<!tpu.dma_semaphore, #tpu.memory_space<semaphore_mem>>
      %dma_start3A_401 = arith.constant 0 : i32
      %dma_start3A_402 = arith.constant 0 : i32
      %dma_start3A_403 = tpu.memref_slice %arg3[%add3A, %dma_start3A_401, %dma_start3A_402] : memref<32x20x128xi32, #tpu.memory_space<hbm>> -> memref<1x20x128xi32, #tpu.memory_space<hbm>>
      %dma_start3A_404 = tpu.memref_squeeze %dma_start3A_403 : memref<1x20x128xi32, #tpu.memory_space<hbm>> -> memref<20x128xi32, #tpu.memory_space<hbm>>
      %dma_start3A_405 = arith.constant 0 : i32
      %dma_start3A_406 = arith.constant 0 : i32
      %dma_start3A_407 = tpu.memref_slice %arg3[%add3A, %dma_start3A_405, %dma_start3A_406] : memref<32x20x128xi32, #tpu.memory_space<hbm>> -> memref<1x20x128xi32, #tpu.memory_space<hbm>>
      %dma_start3A_408 = tpu.memref_squeeze %dma_start3A_407 : memref<1x20x128xi32, #tpu.memory_space<hbm>> -> memref<20x128xi32, #tpu.memory_space<hbm>>
      tpu.enqueue_dma source(%dma_start3A_408 : memref<20x128xi32, #tpu.memory_space<hbm>>) target(%arg5 : memref<20x128xi32, #tpu.memory_space<vmem>>) target_semaphore(%run_scoped3A : memref<!tpu.dma_semaphore, #tpu.memory_space<semaphore_mem>>)
      %dma_wait3A_409 = arith.constant 0 : i32
      %dma_wait3A_410 = arith.constant 0 : i32
      %dma_wait3A_411 = tpu.memref_slice %arg3[%add3A, %dma_wait3A_409, %dma_wait3A_410] : memref<32x20x128xi32, #tpu.memory_space<hbm>> -> memref<1x20x128xi32, #tpu.memory_space<hbm>>
      %dma_wait3A_412 = tpu.memref_squeeze %dma_wait3A_411 : memref<1x20x128xi32, #tpu.memory_space<hbm>> -> memref<20x128xi32, #tpu.memory_space<hbm>>
      %dma_wait3A_413 = arith.constant 0 : i32
      %dma_wait3A_414 = arith.constant 0 : i32
      %dma_wait3A_415 = tpu.memref_slice %arg3[%add3A, %dma_wait3A_413, %dma_wait3A_414] : memref<32x20x128xi32, #tpu.memory_space<hbm>> -> memref<1x20x128xi32, #tpu.memory_space<hbm>>
      %dma_wait3A_416 = tpu.memref_squeeze %dma_wait3A_415 : memref<1x20x128xi32, #tpu.memory_space<hbm>> -> memref<20x128xi32, #tpu.memory_space<hbm>>
      tpu.wait_dma2 semaphore(%run_scoped3A : memref<!tpu.dma_semaphore, #tpu.memory_space<semaphore_mem>>) src(%dma_wait3A_416 : memref<20x128xi32, #tpu.memory_space<hbm>>) dst(%arg5 : memref<20x128xi32, #tpu.memory_space<vmem>>)
      tpu.yield
    }) : () -> ()
    %dma_start3A = arith.constant 0 : i32
    %dma_start3A_1 = arith.constant 0 : i32
    %dma_start3A_2 = arith.constant 0 : i32
    %dma_start3A_3 = tpu.memref_slice %arg6[%dma_start3A_1, %dma_start3A_2] : memref<2560x32xf32, #tpu.memory_space<vmem>> -> memref<128x32xf32, #tpu.memory_space<vmem>>
    %dma_start3A_4 = arith.constant 0 : i32
    %dma_start3A_5 = tpu.memref_slice %arg5[%dma_start3A, %dma_start3A_4] : memref<20x128xi32, #tpu.memory_space<vmem>> -> memref<1x128xi32, #tpu.memory_space<vmem>>
    %dma_start3A_6 = tpu.memref_squeeze %dma_start3A_5 : memref<1x128xi32, #tpu.memory_space<vmem>> -> memref<128xi32, #tpu.memory_space<vmem>>
    %dma_start3A_7 = arith.constant 0 : i32
    %dma_start3A_8 = arith.constant 0 : i32
    %dma_start3A_9 = tpu.memref_slice %arg2[%dma_start3A_7, %dma_start3A_8] : memref<327680x32xf32, #tpu.memory_space<hbm>> -> memref<327680x32xf32, #tpu.memory_space<hbm>>
    tpu.enqueue_indirect_dma source(%dma_start3A_9 : memref<327680x32xf32, #tpu.memory_space<hbm>>) target(%dma_start3A_3 : memref<128x32xf32, #tpu.memory_space<vmem>>) offsets(%dma_start3A_6 : memref<128xi32, #tpu.memory_space<vmem>>) semaphore(%arg7 : memref<!tpu.dma_semaphore, #tpu.memory_space<semaphore_mem>>)
    %dma_start3A_10 = arith.constant 1 : i32
    %dma_start3A_11 = arith.constant 128 : i32
    %dma_start3A_12 = arith.constant 0 : i32
    %dma_start3A_13 = tpu.memref_slice %arg6[%dma_start3A_11, %dma_start3A_12] : memref<2560x32xf32, #tpu.memory_space<vmem>> -> memref<128x32xf32, #tpu.memory_space<vmem>>
    %dma_start3A_14 = arith.constant 0 : i32
    %dma_start3A_15 = tpu.memref_slice %arg5[%dma_start3A_10, %dma_start3A_14] : memref<20x128xi32, #tpu.memory_space<vmem>> -> memref<1x128xi32, #tpu.memory_space<vmem>>
    %dma_start3A_16 = tpu.memref_squeeze %dma_start3A_15 : memref<1x128xi32, #tpu.memory_space<vmem>> -> memref<128xi32, #tpu.memory_space<vmem>>
    %dma_start3A_17 = arith.constant 0 : i32
    %dma_start3A_18 = arith.constant 0 : i32
    %dma_start3A_19 = tpu.memref_slice %arg2[%dma_start3A_17, %dma_start3A_18] : memref<327680x32xf32, #tpu.memory_space<hbm>> -> memref<327680x32xf32, #tpu.memory_space<hbm>>
    tpu.enqueue_indirect_dma source(%dma_start3A_19 : memref<327680x32xf32, #tpu.memory_space<hbm>>) target(%dma_start3A_13 : memref<128x32xf32, #tpu.memory_space<vmem>>) offsets(%dma_start3A_16 : memref<128xi32, #tpu.memory_space<vmem>>) semaphore(%arg7 : memref<!tpu.dma_semaphore, #tpu.memory_space<semaphore_mem>>)
    %dma_start3A_20 = arith.constant 2 : i32
    %dma_start3A_21 = arith.constant 256 : i32
    %dma_start3A_22 = arith.constant 0 : i32
    %dma_start3A_23 = tpu.memref_slice %arg6[%dma_start3A_21, %dma_start3A_22] : memref<2560x32xf32, #tpu.memory_space<vmem>> -> memref<128x32xf32, #tpu.memory_space<vmem>>
    %dma_start3A_24 = arith.constant 0 : i32
    %dma_start3A_25 = tpu.memref_slice %arg5[%dma_start3A_20, %dma_start3A_24] : memref<20x128xi32, #tpu.memory_space<vmem>> -> memref<1x128xi32, #tpu.memory_space<vmem>>
    %dma_start3A_26 = tpu.memref_squeeze %dma_start3A_25 : memref<1x128xi32, #tpu.memory_space<vmem>> -> memref<128xi32, #tpu.memory_space<vmem>>
    %dma_start3A_27 = arith.constant 0 : i32
    %dma_start3A_28 = arith.constant 0 : i32
    %dma_start3A_29 = tpu.memref_slice %arg2[%dma_start3A_27, %dma_start3A_28] : memref<327680x32xf32, #tpu.memory_space<hbm>> -> memref<327680x32xf32, #tpu.memory_space<hbm>>
    tpu.enqueue_indirect_dma source(%dma_start3A_29 : memref<327680x32xf32, #tpu.memory_space<hbm>>) target(%dma_start3A_23 : memref<128x32xf32, #tpu.memory_space<vmem>>) offsets(%dma_start3A_26 : memref<128xi32, #tpu.memory_space<vmem>>) semaphore(%arg7 : memref<!tpu.dma_semaphore, #tpu.memory_space<semaphore_mem>>)
    %dma_start3A_30 = arith.constant 3 : i32
    %dma_start3A_31 = arith.constant 384 : i32
    %dma_start3A_32 = arith.constant 0 : i32
    %dma_start3A_33 = tpu.memref_slice %arg6[%dma_start3A_31, %dma_start3A_32] : memref<2560x32xf32, #tpu.memory_space<vmem>> -> memref<128x32xf32, #tpu.memory_space<vmem>>
    %dma_start3A_34 = arith.constant 0 : i32
    %dma_start3A_35 = tpu.memref_slice %arg5[%dma_start3A_30, %dma_start3A_34] : memref<20x128xi32, #tpu.memory_space<vmem>> -> memref<1x128xi32, #tpu.memory_space<vmem>>
    %dma_start3A_36 = tpu.memref_squeeze %dma_start3A_35 : memref<1x128xi32, #tpu.memory_space<vmem>> -> memref<128xi32, #tpu.memory_space<vmem>>
    %dma_start3A_37 = arith.constant 0 : i32
    %dma_start3A_38 = arith.constant 0 : i32
    %dma_start3A_39 = tpu.memref_slice %arg2[%dma_start3A_37, %dma_start3A_38] : memref<327680x32xf32, #tpu.memory_space<hbm>> -> memref<327680x32xf32, #tpu.memory_space<hbm>>
    tpu.enqueue_indirect_dma source(%dma_start3A_39 : memref<327680x32xf32, #tpu.memory_space<hbm>>) target(%dma_start3A_33 : memref<128x32xf32, #tpu.memory_space<vmem>>) offsets(%dma_start3A_36 : memref<128xi32, #tpu.memory_space<vmem>>) semaphore(%arg7 : memref<!tpu.dma_semaphore, #tpu.memory_space<semaphore_mem>>)
    %dma_start3A_40 = arith.constant 4 : i32
    %dma_start3A_41 = arith.constant 512 : i32
    %dma_start3A_42 = arith.constant 0 : i32
    %dma_start3A_43 = tpu.memref_slice %arg6[%dma_start3A_41, %dma_start3A_42] : memref<2560x32xf32, #tpu.memory_space<vmem>> -> memref<128x32xf32, #tpu.memory_space<vmem>>
    %dma_start3A_44 = arith.constant 0 : i32
    %dma_start3A_45 = tpu.memref_slice %arg5[%dma_start3A_40, %dma_start3A_44] : memref<20x128xi32, #tpu.memory_space<vmem>> -> memref<1x128xi32, #tpu.memory_space<vmem>>
    %dma_start3A_46 = tpu.memref_squeeze %dma_start3A_45 : memref<1x128xi32, #tpu.memory_space<vmem>> -> memref<128xi32, #tpu.memory_space<vmem>>
    %dma_start3A_47 = arith.constant 0 : i32
    %dma_start3A_48 = arith.constant 0 : i32
    %dma_start3A_49 = tpu.memref_slice %arg2[%dma_start3A_47, %dma_start3A_48] : memref<327680x32xf32, #tpu.memory_space<hbm>> -> memref<327680x32xf32, #tpu.memory_space<hbm>>
    tpu.enqueue_indirect_dma source(%dma_start3A_49 : memref<327680x32xf32, #tpu.memory_space<hbm>>) target(%dma_start3A_43 : memref<128x32xf32, #tpu.memory_space<vmem>>) offsets(%dma_start3A_46 : memref<128xi32, #tpu.memory_space<vmem>>) semaphore(%arg7 : memref<!tpu.dma_semaphore, #tpu.memory_space<semaphore_mem>>)
    %dma_start3A_50 = arith.constant 5 : i32
    %dma_start3A_51 = arith.constant 640 : i32
    %dma_start3A_52 = arith.constant 0 : i32
    %dma_start3A_53 = tpu.memref_slice %arg6[%dma_start3A_51, %dma_start3A_52] : memref<2560x32xf32, #tpu.memory_space<vmem>> -> memref<128x32xf32, #tpu.memory_space<vmem>>
    %dma_start3A_54 = arith.constant 0 : i32
    %dma_start3A_55 = tpu.memref_slice %arg5[%dma_start3A_50, %dma_start3A_54] : memref<20x128xi32, #tpu.memory_space<vmem>> -> memref<1x128xi32, #tpu.memory_space<vmem>>
    %dma_start3A_56 = tpu.memref_squeeze %dma_start3A_55 : memref<1x128xi32, #tpu.memory_space<vmem>> -> memref<128xi32, #tpu.memory_space<vmem>>
    %dma_start3A_57 = arith.constant 0 : i32
    %dma_start3A_58 = arith.constant 0 : i32
    %dma_start3A_59 = tpu.memref_slice %arg2[%dma_start3A_57, %dma_start3A_58] : memref<327680x32xf32, #tpu.memory_space<hbm>> -> memref<327680x32xf32, #tpu.memory_space<hbm>>
    tpu.enqueue_indirect_dma source(%dma_start3A_59 : memref<327680x32xf32, #tpu.memory_space<hbm>>) target(%dma_start3A_53 : memref<128x32xf32, #tpu.memory_space<vmem>>) offsets(%dma_start3A_56 : memref<128xi32, #tpu.memory_space<vmem>>) semaphore(%arg7 : memref<!tpu.dma_semaphore, #tpu.memory_space<semaphore_mem>>)
    %dma_start3A_60 = arith.constant 6 : i32
    %dma_start3A_61 = arith.constant 768 : i32
    %dma_start3A_62 = arith.constant 0 : i32
    %dma_start3A_63 = tpu.memref_slice %arg6[%dma_start3A_61, %dma_start3A_62] : memref<2560x32xf32, #tpu.memory_space<vmem>> -> memref<128x32xf32, #tpu.memory_space<vmem>>
    %dma_start3A_64 = arith.constant 0 : i32
    %dma_start3A_65 = tpu.memref_slice %arg5[%dma_start3A_60, %dma_start3A_64] : memref<20x128xi32, #tpu.memory_space<vmem>> -> memref<1x128xi32, #tpu.memory_space<vmem>>
    %dma_start3A_66 = tpu.memref_squeeze %dma_start3A_65 : memref<1x128xi32, #tpu.memory_space<vmem>> -> memref<128xi32, #tpu.memory_space<vmem>>
    %dma_start3A_67 = arith.constant 0 : i32
    %dma_start3A_68 = arith.constant 0 : i32
    %dma_start3A_69 = tpu.memref_slice %arg2[%dma_start3A_67, %dma_start3A_68] : memref<327680x32xf32, #tpu.memory_space<hbm>> -> memref<327680x32xf32, #tpu.memory_space<hbm>>
    tpu.enqueue_indirect_dma source(%dma_start3A_69 : memref<327680x32xf32, #tpu.memory_space<hbm>>) target(%dma_start3A_63 : memref<128x32xf32, #tpu.memory_space<vmem>>) offsets(%dma_start3A_66 : memref<128xi32, #tpu.memory_space<vmem>>) semaphore(%arg7 : memref<!tpu.dma_semaphore, #tpu.memory_space<semaphore_mem>>)
    %dma_start3A_70 = arith.constant 7 : i32
    %dma_start3A_71 = arith.constant 896 : i32
    %dma_start3A_72 = arith.constant 0 : i32
    %dma_start3A_73 = tpu.memref_slice %arg6[%dma_start3A_71, %dma_start3A_72] : memref<2560x32xf32, #tpu.memory_space<vmem>> -> memref<128x32xf32, #tpu.memory_space<vmem>>
    %dma_start3A_74 = arith.constant 0 : i32
    %dma_start3A_75 = tpu.memref_slice %arg5[%dma_start3A_70, %dma_start3A_74] : memref<20x128xi32, #tpu.memory_space<vmem>> -> memref<1x128xi32, #tpu.memory_space<vmem>>
    %dma_start3A_76 = tpu.memref_squeeze %dma_start3A_75 : memref<1x128xi32, #tpu.memory_space<vmem>> -> memref<128xi32, #tpu.memory_space<vmem>>
    %dma_start3A_77 = arith.constant 0 : i32
    %dma_start3A_78 = arith.constant 0 : i32
    %dma_start3A_79 = tpu.memref_slice %arg2[%dma_start3A_77, %dma_start3A_78] : memref<327680x32xf32, #tpu.memory_space<hbm>> -> memref<327680x32xf32, #tpu.memory_space<hbm>>
    tpu.enqueue_indirect_dma source(%dma_start3A_79 : memref<327680x32xf32, #tpu.memory_space<hbm>>) target(%dma_start3A_73 : memref<128x32xf32, #tpu.memory_space<vmem>>) offsets(%dma_start3A_76 : memref<128xi32, #tpu.memory_space<vmem>>) semaphore(%arg7 : memref<!tpu.dma_semaphore, #tpu.memory_space<semaphore_mem>>)
    %dma_start3A_80 = arith.constant 8 : i32
    %dma_start3A_81 = arith.constant 1024 : i32
    %dma_start3A_82 = arith.constant 0 : i32
    %dma_start3A_83 = tpu.memref_slice %arg6[%dma_start3A_81, %dma_start3A_82] : memref<2560x32xf32, #tpu.memory_space<vmem>> -> memref<128x32xf32, #tpu.memory_space<vmem>>
    %dma_start3A_84 = arith.constant 0 : i32
    %dma_start3A_85 = tpu.memref_slice %arg5[%dma_start3A_80, %dma_start3A_84] : memref<20x128xi32, #tpu.memory_space<vmem>> -> memref<1x128xi32, #tpu.memory_space<vmem>>
    %dma_start3A_86 = tpu.memref_squeeze %dma_start3A_85 : memref<1x128xi32, #tpu.memory_space<vmem>> -> memref<128xi32, #tpu.memory_space<vmem>>
    %dma_start3A_87 = arith.constant 0 : i32
    %dma_start3A_88 = arith.constant 0 : i32
    %dma_start3A_89 = tpu.memref_slice %arg2[%dma_start3A_87, %dma_start3A_88] : memref<327680x32xf32, #tpu.memory_space<hbm>> -> memref<327680x32xf32, #tpu.memory_space<hbm>>
    tpu.enqueue_indirect_dma source(%dma_start3A_89 : memref<327680x32xf32, #tpu.memory_space<hbm>>) target(%dma_start3A_83 : memref<128x32xf32, #tpu.memory_space<vmem>>) offsets(%dma_start3A_86 : memref<128xi32, #tpu.memory_space<vmem>>) semaphore(%arg7 : memref<!tpu.dma_semaphore, #tpu.memory_space<semaphore_mem>>)
    %dma_start3A_90 = arith.constant 9 : i32
    %dma_start3A_91 = arith.constant 1152 : i32
    %dma_start3A_92 = arith.constant 0 : i32
    %dma_start3A_93 = tpu.memref_slice %arg6[%dma_start3A_91, %dma_start3A_92] : memref<2560x32xf32, #tpu.memory_space<vmem>> -> memref<128x32xf32, #tpu.memory_space<vmem>>
    %dma_start3A_94 = arith.constant 0 : i32
    %dma_start3A_95 = tpu.memref_slice %arg5[%dma_start3A_90, %dma_start3A_94] : memref<20x128xi32, #tpu.memory_space<vmem>> -> memref<1x128xi32, #tpu.memory_space<vmem>>
    %dma_start3A_96 = tpu.memref_squeeze %dma_start3A_95 : memref<1x128xi32, #tpu.memory_space<vmem>> -> memref<128xi32, #tpu.memory_space<vmem>>
    %dma_start3A_97 = arith.constant 0 : i32
    %dma_start3A_98 = arith.constant 0 : i32
    %dma_start3A_99 = tpu.memref_slice %arg2[%dma_start3A_97, %dma_start3A_98] : memref<327680x32xf32, #tpu.memory_space<hbm>> -> memref<327680x32xf32, #tpu.memory_space<hbm>>
    tpu.enqueue_indirect_dma source(%dma_start3A_99 : memref<327680x32xf32, #tpu.memory_space<hbm>>) target(%dma_start3A_93 : memref<128x32xf32, #tpu.memory_space<vmem>>) offsets(%dma_start3A_96 : memref<128xi32, #tpu.memory_space<vmem>>) semaphore(%arg7 : memref<!tpu.dma_semaphore, #tpu.memory_space<semaphore_mem>>)
    %dma_start3A_100 = arith.constant 10 : i32
    %dma_start3A_101 = arith.constant 1280 : i32
    %dma_start3A_102 = arith.constant 0 : i32
    %dma_start3A_103 = tpu.memref_slice %arg6[%dma_start3A_101, %dma_start3A_102] : memref<2560x32xf32, #tpu.memory_space<vmem>> -> memref<128x32xf32, #tpu.memory_space<vmem>>
    %dma_start3A_104 = arith.constant 0 : i32
    %dma_start3A_105 = tpu.memref_slice %arg5[%dma_start3A_100, %dma_start3A_104] : memref<20x128xi32, #tpu.memory_space<vmem>> -> memref<1x128xi32, #tpu.memory_space<vmem>>
    %dma_start3A_106 = tpu.memref_squeeze %dma_start3A_105 : memref<1x128xi32, #tpu.memory_space<vmem>> -> memref<128xi32, #tpu.memory_space<vmem>>
    %dma_start3A_107 = arith.constant 0 : i32
    %dma_start3A_108 = arith.constant 0 : i32
    %dma_start3A_109 = tpu.memref_slice %arg2[%dma_start3A_107, %dma_start3A_108] : memref<327680x32xf32, #tpu.memory_space<hbm>> -> memref<327680x32xf32, #tpu.memory_space<hbm>>
    tpu.enqueue_indirect_dma source(%dma_start3A_109 : memref<327680x32xf32, #tpu.memory_space<hbm>>) target(%dma_start3A_103 : memref<128x32xf32, #tpu.memory_space<vmem>>) offsets(%dma_start3A_106 : memref<128xi32, #tpu.memory_space<vmem>>) semaphore(%arg7 : memref<!tpu.dma_semaphore, #tpu.memory_space<semaphore_mem>>)
    %dma_start3A_110 = arith.constant 11 : i32
    %dma_start3A_111 = arith.constant 1408 : i32
    %dma_start3A_112 = arith.constant 0 : i32
    %dma_start3A_113 = tpu.memref_slice %arg6[%dma_start3A_111, %dma_start3A_112] : memref<2560x32xf32, #tpu.memory_space<vmem>> -> memref<128x32xf32, #tpu.memory_space<vmem>>
    %dma_start3A_114 = arith.constant 0 : i32
    %dma_start3A_115 = tpu.memref_slice %arg5[%dma_start3A_110, %dma_start3A_114] : memref<20x128xi32, #tpu.memory_space<vmem>> -> memref<1x128xi32, #tpu.memory_space<vmem>>
    %dma_start3A_116 = tpu.memref_squeeze %dma_start3A_115 : memref<1x128xi32, #tpu.memory_space<vmem>> -> memref<128xi32, #tpu.memory_space<vmem>>
    %dma_start3A_117 = arith.constant 0 : i32
    %dma_start3A_118 = arith.constant 0 : i32
    %dma_start3A_119 = tpu.memref_slice %arg2[%dma_start3A_117, %dma_start3A_118] : memref<327680x32xf32, #tpu.memory_space<hbm>> -> memref<327680x32xf32, #tpu.memory_space<hbm>>
    tpu.enqueue_indirect_dma source(%dma_start3A_119 : memref<327680x32xf32, #tpu.memory_space<hbm>>) target(%dma_start3A_113 : memref<128x32xf32, #tpu.memory_space<vmem>>) offsets(%dma_start3A_116 : memref<128xi32, #tpu.memory_space<vmem>>) semaphore(%arg7 : memref<!tpu.dma_semaphore, #tpu.memory_space<semaphore_mem>>)
    %dma_start3A_120 = arith.constant 12 : i32
    %dma_start3A_121 = arith.constant 1536 : i32
    %dma_start3A_122 = arith.constant 0 : i32
    %dma_start3A_123 = tpu.memref_slice %arg6[%dma_start3A_121, %dma_start3A_122] : memref<2560x32xf32, #tpu.memory_space<vmem>> -> memref<128x32xf32, #tpu.memory_space<vmem>>
    %dma_start3A_124 = arith.constant 0 : i32
    %dma_start3A_125 = tpu.memref_slice %arg5[%dma_start3A_120, %dma_start3A_124] : memref<20x128xi32, #tpu.memory_space<vmem>> -> memref<1x128xi32, #tpu.memory_space<vmem>>
    %dma_start3A_126 = tpu.memref_squeeze %dma_start3A_125 : memref<1x128xi32, #tpu.memory_space<vmem>> -> memref<128xi32, #tpu.memory_space<vmem>>
    %dma_start3A_127 = arith.constant 0 : i32
    %dma_start3A_128 = arith.constant 0 : i32
    %dma_start3A_129 = tpu.memref_slice %arg2[%dma_start3A_127, %dma_start3A_128] : memref<327680x32xf32, #tpu.memory_space<hbm>> -> memref<327680x32xf32, #tpu.memory_space<hbm>>
    tpu.enqueue_indirect_dma source(%dma_start3A_129 : memref<327680x32xf32, #tpu.memory_space<hbm>>) target(%dma_start3A_123 : memref<128x32xf32, #tpu.memory_space<vmem>>) offsets(%dma_start3A_126 : memref<128xi32, #tpu.memory_space<vmem>>) semaphore(%arg7 : memref<!tpu.dma_semaphore, #tpu.memory_space<semaphore_mem>>)
    %dma_start3A_130 = arith.constant 13 : i32
    %dma_start3A_131 = arith.constant 1664 : i32
    %dma_start3A_132 = arith.constant 0 : i32
    %dma_start3A_133 = tpu.memref_slice %arg6[%dma_start3A_131, %dma_start3A_132] : memref<2560x32xf32, #tpu.memory_space<vmem>> -> memref<128x32xf32, #tpu.memory_space<vmem>>
    %dma_start3A_134 = arith.constant 0 : i32
    %dma_start3A_135 = tpu.memref_slice %arg5[%dma_start3A_130, %dma_start3A_134] : memref<20x128xi32, #tpu.memory_space<vmem>> -> memref<1x128xi32, #tpu.memory_space<vmem>>
    %dma_start3A_136 = tpu.memref_squeeze %dma_start3A_135 : memref<1x128xi32, #tpu.memory_space<vmem>> -> memref<128xi32, #tpu.memory_space<vmem>>
    %dma_start3A_137 = arith.constant 0 : i32
    %dma_start3A_138 = arith.constant 0 : i32
    %dma_start3A_139 = tpu.memref_slice %arg2[%dma_start3A_137, %dma_start3A_138] : memref<327680x32xf32, #tpu.memory_space<hbm>> -> memref<327680x32xf32, #tpu.memory_space<hbm>>
    tpu.enqueue_indirect_dma source(%dma_start3A_139 : memref<327680x32xf32, #tpu.memory_space<hbm>>) target(%dma_start3A_133 : memref<128x32xf32, #tpu.memory_space<vmem>>) offsets(%dma_start3A_136 : memref<128xi32, #tpu.memory_space<vmem>>) semaphore(%arg7 : memref<!tpu.dma_semaphore, #tpu.memory_space<semaphore_mem>>)
    %dma_start3A_140 = arith.constant 14 : i32
    %dma_start3A_141 = arith.constant 1792 : i32
    %dma_start3A_142 = arith.constant 0 : i32
    %dma_start3A_143 = tpu.memref_slice %arg6[%dma_start3A_141, %dma_start3A_142] : memref<2560x32xf32, #tpu.memory_space<vmem>> -> memref<128x32xf32, #tpu.memory_space<vmem>>
    %dma_start3A_144 = arith.constant 0 : i32
    %dma_start3A_145 = tpu.memref_slice %arg5[%dma_start3A_140, %dma_start3A_144] : memref<20x128xi32, #tpu.memory_space<vmem>> -> memref<1x128xi32, #tpu.memory_space<vmem>>
    %dma_start3A_146 = tpu.memref_squeeze %dma_start3A_145 : memref<1x128xi32, #tpu.memory_space<vmem>> -> memref<128xi32, #tpu.memory_space<vmem>>
    %dma_start3A_147 = arith.constant 0 : i32
    %dma_start3A_148 = arith.constant 0 : i32
    %dma_start3A_149 = tpu.memref_slice %arg2[%dma_start3A_147, %dma_start3A_148] : memref<327680x32xf32, #tpu.memory_space<hbm>> -> memref<327680x32xf32, #tpu.memory_space<hbm>>
    tpu.enqueue_indirect_dma source(%dma_start3A_149 : memref<327680x32xf32, #tpu.memory_space<hbm>>) target(%dma_start3A_143 : memref<128x32xf32, #tpu.memory_space<vmem>>) offsets(%dma_start3A_146 : memref<128xi32, #tpu.memory_space<vmem>>) semaphore(%arg7 : memref<!tpu.dma_semaphore, #tpu.memory_space<semaphore_mem>>)
    %dma_start3A_150 = arith.constant 15 : i32
    %dma_start3A_151 = arith.constant 1920 : i32
    %dma_start3A_152 = arith.constant 0 : i32
    %dma_start3A_153 = tpu.memref_slice %arg6[%dma_start3A_151, %dma_start3A_152] : memref<2560x32xf32, #tpu.memory_space<vmem>> -> memref<128x32xf32, #tpu.memory_space<vmem>>
    %dma_start3A_154 = arith.constant 0 : i32
    %dma_start3A_155 = tpu.memref_slice %arg5[%dma_start3A_150, %dma_start3A_154] : memref<20x128xi32, #tpu.memory_space<vmem>> -> memref<1x128xi32, #tpu.memory_space<vmem>>
    %dma_start3A_156 = tpu.memref_squeeze %dma_start3A_155 : memref<1x128xi32, #tpu.memory_space<vmem>> -> memref<128xi32, #tpu.memory_space<vmem>>
    %dma_start3A_157 = arith.constant 0 : i32
    %dma_start3A_158 = arith.constant 0 : i32
    %dma_start3A_159 = tpu.memref_slice %arg2[%dma_start3A_157, %dma_start3A_158] : memref<327680x32xf32, #tpu.memory_space<hbm>> -> memref<327680x32xf32, #tpu.memory_space<hbm>>
    tpu.enqueue_indirect_dma source(%dma_start3A_159 : memref<327680x32xf32, #tpu.memory_space<hbm>>) target(%dma_start3A_153 : memref<128x32xf32, #tpu.memory_space<vmem>>) offsets(%dma_start3A_156 : memref<128xi32, #tpu.memory_space<vmem>>) semaphore(%arg7 : memref<!tpu.dma_semaphore, #tpu.memory_space<semaphore_mem>>)
    %dma_start3A_160 = arith.constant 16 : i32
    %dma_start3A_161 = arith.constant 2048 : i32
    %dma_start3A_162 = arith.constant 0 : i32
    %dma_start3A_163 = tpu.memref_slice %arg6[%dma_start3A_161, %dma_start3A_162] : memref<2560x32xf32, #tpu.memory_space<vmem>> -> memref<128x32xf32, #tpu.memory_space<vmem>>
    %dma_start3A_164 = arith.constant 0 : i32
    %dma_start3A_165 = tpu.memref_slice %arg5[%dma_start3A_160, %dma_start3A_164] : memref<20x128xi32, #tpu.memory_space<vmem>> -> memref<1x128xi32, #tpu.memory_space<vmem>>
    %dma_start3A_166 = tpu.memref_squeeze %dma_start3A_165 : memref<1x128xi32, #tpu.memory_space<vmem>> -> memref<128xi32, #tpu.memory_space<vmem>>
    %dma_start3A_167 = arith.constant 0 : i32
    %dma_start3A_168 = arith.constant 0 : i32
    %dma_start3A_169 = tpu.memref_slice %arg2[%dma_start3A_167, %dma_start3A_168] : memref<327680x32xf32, #tpu.memory_space<hbm>> -> memref<327680x32xf32, #tpu.memory_space<hbm>>
    tpu.enqueue_indirect_dma source(%dma_start3A_169 : memref<327680x32xf32, #tpu.memory_space<hbm>>) target(%dma_start3A_163 : memref<128x32xf32, #tpu.memory_space<vmem>>) offsets(%dma_start3A_166 : memref<128xi32, #tpu.memory_space<vmem>>) semaphore(%arg7 : memref<!tpu.dma_semaphore, #tpu.memory_space<semaphore_mem>>)
    %dma_start3A_170 = arith.constant 17 : i32
    %dma_start3A_171 = arith.constant 2176 : i32
    %dma_start3A_172 = arith.constant 0 : i32
    %dma_start3A_173 = tpu.memref_slice %arg6[%dma_start3A_171, %dma_start3A_172] : memref<2560x32xf32, #tpu.memory_space<vmem>> -> memref<128x32xf32, #tpu.memory_space<vmem>>
    %dma_start3A_174 = arith.constant 0 : i32
    %dma_start3A_175 = tpu.memref_slice %arg5[%dma_start3A_170, %dma_start3A_174] : memref<20x128xi32, #tpu.memory_space<vmem>> -> memref<1x128xi32, #tpu.memory_space<vmem>>
    %dma_start3A_176 = tpu.memref_squeeze %dma_start3A_175 : memref<1x128xi32, #tpu.memory_space<vmem>> -> memref<128xi32, #tpu.memory_space<vmem>>
    %dma_start3A_177 = arith.constant 0 : i32
    %dma_start3A_178 = arith.constant 0 : i32
    %dma_start3A_179 = tpu.memref_slice %arg2[%dma_start3A_177, %dma_start3A_178] : memref<327680x32xf32, #tpu.memory_space<hbm>> -> memref<327680x32xf32, #tpu.memory_space<hbm>>
    tpu.enqueue_indirect_dma source(%dma_start3A_179 : memref<327680x32xf32, #tpu.memory_space<hbm>>) target(%dma_start3A_173 : memref<128x32xf32, #tpu.memory_space<vmem>>) offsets(%dma_start3A_176 : memref<128xi32, #tpu.memory_space<vmem>>) semaphore(%arg7 : memref<!tpu.dma_semaphore, #tpu.memory_space<semaphore_mem>>)
    %dma_start3A_180 = arith.constant 18 : i32
    %dma_start3A_181 = arith.constant 2304 : i32
    %dma_start3A_182 = arith.constant 0 : i32
    %dma_start3A_183 = tpu.memref_slice %arg6[%dma_start3A_181, %dma_start3A_182] : memref<2560x32xf32, #tpu.memory_space<vmem>> -> memref<128x32xf32, #tpu.memory_space<vmem>>
    %dma_start3A_184 = arith.constant 0 : i32
    %dma_start3A_185 = tpu.memref_slice %arg5[%dma_start3A_180, %dma_start3A_184] : memref<20x128xi32, #tpu.memory_space<vmem>> -> memref<1x128xi32, #tpu.memory_space<vmem>>
    %dma_start3A_186 = tpu.memref_squeeze %dma_start3A_185 : memref<1x128xi32, #tpu.memory_space<vmem>> -> memref<128xi32, #tpu.memory_space<vmem>>
    %dma_start3A_187 = arith.constant 0 : i32
    %dma_start3A_188 = arith.constant 0 : i32
    %dma_start3A_189 = tpu.memref_slice %arg2[%dma_start3A_187, %dma_start3A_188] : memref<327680x32xf32, #tpu.memory_space<hbm>> -> memref<327680x32xf32, #tpu.memory_space<hbm>>
    tpu.enqueue_indirect_dma source(%dma_start3A_189 : memref<327680x32xf32, #tpu.memory_space<hbm>>) target(%dma_start3A_183 : memref<128x32xf32, #tpu.memory_space<vmem>>) offsets(%dma_start3A_186 : memref<128xi32, #tpu.memory_space<vmem>>) semaphore(%arg7 : memref<!tpu.dma_semaphore, #tpu.memory_space<semaphore_mem>>)
    %dma_start3A_190 = arith.constant 19 : i32
    %dma_start3A_191 = arith.constant 2432 : i32
    %dma_start3A_192 = arith.constant 0 : i32
    %dma_start3A_193 = tpu.memref_slice %arg6[%dma_start3A_191, %dma_start3A_192] : memref<2560x32xf32, #tpu.memory_space<vmem>> -> memref<128x32xf32, #tpu.memory_space<vmem>>
    %dma_start3A_194 = arith.constant 0 : i32
    %dma_start3A_195 = tpu.memref_slice %arg5[%dma_start3A_190, %dma_start3A_194] : memref<20x128xi32, #tpu.memory_space<vmem>> -> memref<1x128xi32, #tpu.memory_space<vmem>>
    %dma_start3A_196 = tpu.memref_squeeze %dma_start3A_195 : memref<1x128xi32, #tpu.memory_space<vmem>> -> memref<128xi32, #tpu.memory_space<vmem>>
    %dma_start3A_197 = arith.constant 0 : i32
    %dma_start3A_198 = arith.constant 0 : i32
    %dma_start3A_199 = tpu.memref_slice %arg2[%dma_start3A_197, %dma_start3A_198] : memref<327680x32xf32, #tpu.memory_space<hbm>> -> memref<327680x32xf32, #tpu.memory_space<hbm>>
    tpu.enqueue_indirect_dma source(%dma_start3A_199 : memref<327680x32xf32, #tpu.memory_space<hbm>>) target(%dma_start3A_193 : memref<128x32xf32, #tpu.memory_space<vmem>>) offsets(%dma_start3A_196 : memref<128xi32, #tpu.memory_space<vmem>>) semaphore(%arg7 : memref<!tpu.dma_semaphore, #tpu.memory_space<semaphore_mem>>)
    %dma_wait3A = arith.constant 0 : i32
    %dma_wait3A_200 = arith.constant 0 : i32
    %dma_wait3A_201 = arith.constant 0 : i32
    %dma_wait3A_202 = tpu.memref_slice %arg6[%dma_wait3A_200, %dma_wait3A_201] : memref<2560x32xf32, #tpu.memory_space<vmem>> -> memref<128x32xf32, #tpu.memory_space<vmem>>
    %dma_wait3A_203 = arith.constant 0 : i32
    %dma_wait3A_204 = tpu.memref_slice %arg5[%dma_wait3A, %dma_wait3A_203] : memref<20x128xi32, #tpu.memory_space<vmem>> -> memref<1x128xi32, #tpu.memory_space<vmem>>
    %dma_wait3A_205 = tpu.memref_squeeze %dma_wait3A_204 : memref<1x128xi32, #tpu.memory_space<vmem>> -> memref<128xi32, #tpu.memory_space<vmem>>
    %dma_wait3A_206 = arith.constant 0 : i32
    %dma_wait3A_207 = arith.constant 0 : i32
    %dma_wait3A_208 = tpu.memref_slice %arg2[%dma_wait3A_206, %dma_wait3A_207] : memref<327680x32xf32, #tpu.memory_space<hbm>> -> memref<327680x32xf32, #tpu.memory_space<hbm>>
    tpu.wait_indirect_dma semaphore(%arg7 : memref<!tpu.dma_semaphore, #tpu.memory_space<semaphore_mem>>) src(%dma_wait3A_208 : memref<327680x32xf32, #tpu.memory_space<hbm>>) dst(%dma_wait3A_202 : memref<128x32xf32, #tpu.memory_space<vmem>>)
    %dma_wait3A_209 = arith.constant 1 : i32
    %dma_wait3A_210 = arith.constant 128 : i32
    %dma_wait3A_211 = arith.constant 0 : i32
    %dma_wait3A_212 = tpu.memref_slice %arg6[%dma_wait3A_210, %dma_wait3A_211] : memref<2560x32xf32, #tpu.memory_space<vmem>> -> memref<128x32xf32, #tpu.memory_space<vmem>>
    %dma_wait3A_213 = arith.constant 0 : i32
    %dma_wait3A_214 = tpu.memref_slice %arg5[%dma_wait3A_209, %dma_wait3A_213] : memref<20x128xi32, #tpu.memory_space<vmem>> -> memref<1x128xi32, #tpu.memory_space<vmem>>
    %dma_wait3A_215 = tpu.memref_squeeze %dma_wait3A_214 : memref<1x128xi32, #tpu.memory_space<vmem>> -> memref<128xi32, #tpu.memory_space<vmem>>
    %dma_wait3A_216 = arith.constant 0 : i32
    %dma_wait3A_217 = arith.constant 0 : i32
    %dma_wait3A_218 = tpu.memref_slice %arg2[%dma_wait3A_216, %dma_wait3A_217] : memref<327680x32xf32, #tpu.memory_space<hbm>> -> memref<327680x32xf32, #tpu.memory_space<hbm>>
    tpu.wait_indirect_dma semaphore(%arg7 : memref<!tpu.dma_semaphore, #tpu.memory_space<semaphore_mem>>) src(%dma_wait3A_218 : memref<327680x32xf32, #tpu.memory_space<hbm>>) dst(%dma_wait3A_212 : memref<128x32xf32, #tpu.memory_space<vmem>>)
    %dma_wait3A_219 = arith.constant 2 : i32
    %dma_wait3A_220 = arith.constant 256 : i32
    %dma_wait3A_221 = arith.constant 0 : i32
    %dma_wait3A_222 = tpu.memref_slice %arg6[%dma_wait3A_220, %dma_wait3A_221] : memref<2560x32xf32, #tpu.memory_space<vmem>> -> memref<128x32xf32, #tpu.memory_space<vmem>>
    %dma_wait3A_223 = arith.constant 0 : i32
    %dma_wait3A_224 = tpu.memref_slice %arg5[%dma_wait3A_219, %dma_wait3A_223] : memref<20x128xi32, #tpu.memory_space<vmem>> -> memref<1x128xi32, #tpu.memory_space<vmem>>
    %dma_wait3A_225 = tpu.memref_squeeze %dma_wait3A_224 : memref<1x128xi32, #tpu.memory_space<vmem>> -> memref<128xi32, #tpu.memory_space<vmem>>
    %dma_wait3A_226 = arith.constant 0 : i32
    %dma_wait3A_227 = arith.constant 0 : i32
    %dma_wait3A_228 = tpu.memref_slice %arg2[%dma_wait3A_226, %dma_wait3A_227] : memref<327680x32xf32, #tpu.memory_space<hbm>> -> memref<327680x32xf32, #tpu.memory_space<hbm>>
    tpu.wait_indirect_dma semaphore(%arg7 : memref<!tpu.dma_semaphore, #tpu.memory_space<semaphore_mem>>) src(%dma_wait3A_228 : memref<327680x32xf32, #tpu.memory_space<hbm>>) dst(%dma_wait3A_222 : memref<128x32xf32, #tpu.memory_space<vmem>>)
    %dma_wait3A_229 = arith.constant 3 : i32
    %dma_wait3A_230 = arith.constant 384 : i32
    %dma_wait3A_231 = arith.constant 0 : i32
    %dma_wait3A_232 = tpu.memref_slice %arg6[%dma_wait3A_230, %dma_wait3A_231] : memref<2560x32xf32, #tpu.memory_space<vmem>> -> memref<128x32xf32, #tpu.memory_space<vmem>>
    %dma_wait3A_233 = arith.constant 0 : i32
    %dma_wait3A_234 = tpu.memref_slice %arg5[%dma_wait3A_229, %dma_wait3A_233] : memref<20x128xi32, #tpu.memory_space<vmem>> -> memref<1x128xi32, #tpu.memory_space<vmem>>
    %dma_wait3A_235 = tpu.memref_squeeze %dma_wait3A_234 : memref<1x128xi32, #tpu.memory_space<vmem>> -> memref<128xi32, #tpu.memory_space<vmem>>
    %dma_wait3A_236 = arith.constant 0 : i32
    %dma_wait3A_237 = arith.constant 0 : i32
    %dma_wait3A_238 = tpu.memref_slice %arg2[%dma_wait3A_236, %dma_wait3A_237] : memref<327680x32xf32, #tpu.memory_space<hbm>> -> memref<327680x32xf32, #tpu.memory_space<hbm>>
    tpu.wait_indirect_dma semaphore(%arg7 : memref<!tpu.dma_semaphore, #tpu.memory_space<semaphore_mem>>) src(%dma_wait3A_238 : memref<327680x32xf32, #tpu.memory_space<hbm>>) dst(%dma_wait3A_232 : memref<128x32xf32, #tpu.memory_space<vmem>>)
    %dma_wait3A_239 = arith.constant 4 : i32
    %dma_wait3A_240 = arith.constant 512 : i32
    %dma_wait3A_241 = arith.constant 0 : i32
    %dma_wait3A_242 = tpu.memref_slice %arg6[%dma_wait3A_240, %dma_wait3A_241] : memref<2560x32xf32, #tpu.memory_space<vmem>> -> memref<128x32xf32, #tpu.memory_space<vmem>>
    %dma_wait3A_243 = arith.constant 0 : i32
    %dma_wait3A_244 = tpu.memref_slice %arg5[%dma_wait3A_239, %dma_wait3A_243] : memref<20x128xi32, #tpu.memory_space<vmem>> -> memref<1x128xi32, #tpu.memory_space<vmem>>
    %dma_wait3A_245 = tpu.memref_squeeze %dma_wait3A_244 : memref<1x128xi32, #tpu.memory_space<vmem>> -> memref<128xi32, #tpu.memory_space<vmem>>
    %dma_wait3A_246 = arith.constant 0 : i32
    %dma_wait3A_247 = arith.constant 0 : i32
    %dma_wait3A_248 = tpu.memref_slice %arg2[%dma_wait3A_246, %dma_wait3A_247] : memref<327680x32xf32, #tpu.memory_space<hbm>> -> memref<327680x32xf32, #tpu.memory_space<hbm>>
    tpu.wait_indirect_dma semaphore(%arg7 : memref<!tpu.dma_semaphore, #tpu.memory_space<semaphore_mem>>) src(%dma_wait3A_248 : memref<327680x32xf32, #tpu.memory_space<hbm>>) dst(%dma_wait3A_242 : memref<128x32xf32, #tpu.memory_space<vmem>>)
    %dma_wait3A_249 = arith.constant 5 : i32
    %dma_wait3A_250 = arith.constant 640 : i32
    %dma_wait3A_251 = arith.constant 0 : i32
    %dma_wait3A_252 = tpu.memref_slice %arg6[%dma_wait3A_250, %dma_wait3A_251] : memref<2560x32xf32, #tpu.memory_space<vmem>> -> memref<128x32xf32, #tpu.memory_space<vmem>>
    %dma_wait3A_253 = arith.constant 0 : i32
    %dma_wait3A_254 = tpu.memref_slice %arg5[%dma_wait3A_249, %dma_wait3A_253] : memref<20x128xi32, #tpu.memory_space<vmem>> -> memref<1x128xi32, #tpu.memory_space<vmem>>
    %dma_wait3A_255 = tpu.memref_squeeze %dma_wait3A_254 : memref<1x128xi32, #tpu.memory_space<vmem>> -> memref<128xi32, #tpu.memory_space<vmem>>
    %dma_wait3A_256 = arith.constant 0 : i32
    %dma_wait3A_257 = arith.constant 0 : i32
    %dma_wait3A_258 = tpu.memref_slice %arg2[%dma_wait3A_256, %dma_wait3A_257] : memref<327680x32xf32, #tpu.memory_space<hbm>> -> memref<327680x32xf32, #tpu.memory_space<hbm>>
    tpu.wait_indirect_dma semaphore(%arg7 : memref<!tpu.dma_semaphore, #tpu.memory_space<semaphore_mem>>) src(%dma_wait3A_258 : memref<327680x32xf32, #tpu.memory_space<hbm>>) dst(%dma_wait3A_252 : memref<128x32xf32, #tpu.memory_space<vmem>>)
    %dma_wait3A_259 = arith.constant 6 : i32
    %dma_wait3A_260 = arith.constant 768 : i32
    %dma_wait3A_261 = arith.constant 0 : i32
    %dma_wait3A_262 = tpu.memref_slice %arg6[%dma_wait3A_260, %dma_wait3A_261] : memref<2560x32xf32, #tpu.memory_space<vmem>> -> memref<128x32xf32, #tpu.memory_space<vmem>>
    %dma_wait3A_263 = arith.constant 0 : i32
    %dma_wait3A_264 = tpu.memref_slice %arg5[%dma_wait3A_259, %dma_wait3A_263] : memref<20x128xi32, #tpu.memory_space<vmem>> -> memref<1x128xi32, #tpu.memory_space<vmem>>
    %dma_wait3A_265 = tpu.memref_squeeze %dma_wait3A_264 : memref<1x128xi32, #tpu.memory_space<vmem>> -> memref<128xi32, #tpu.memory_space<vmem>>
    %dma_wait3A_266 = arith.constant 0 : i32
    %dma_wait3A_267 = arith.constant 0 : i32
    %dma_wait3A_268 = tpu.memref_slice %arg2[%dma_wait3A_266, %dma_wait3A_267] : memref<327680x32xf32, #tpu.memory_space<hbm>> -> memref<327680x32xf32, #tpu.memory_space<hbm>>
    tpu.wait_indirect_dma semaphore(%arg7 : memref<!tpu.dma_semaphore, #tpu.memory_space<semaphore_mem>>) src(%dma_wait3A_268 : memref<327680x32xf32, #tpu.memory_space<hbm>>) dst(%dma_wait3A_262 : memref<128x32xf32, #tpu.memory_space<vmem>>)
    %dma_wait3A_269 = arith.constant 7 : i32
    %dma_wait3A_270 = arith.constant 896 : i32
    %dma_wait3A_271 = arith.constant 0 : i32
    %dma_wait3A_272 = tpu.memref_slice %arg6[%dma_wait3A_270, %dma_wait3A_271] : memref<2560x32xf32, #tpu.memory_space<vmem>> -> memref<128x32xf32, #tpu.memory_space<vmem>>
    %dma_wait3A_273 = arith.constant 0 : i32
    %dma_wait3A_274 = tpu.memref_slice %arg5[%dma_wait3A_269, %dma_wait3A_273] : memref<20x128xi32, #tpu.memory_space<vmem>> -> memref<1x128xi32, #tpu.memory_space<vmem>>
    %dma_wait3A_275 = tpu.memref_squeeze %dma_wait3A_274 : memref<1x128xi32, #tpu.memory_space<vmem>> -> memref<128xi32, #tpu.memory_space<vmem>>
    %dma_wait3A_276 = arith.constant 0 : i32
    %dma_wait3A_277 = arith.constant 0 : i32
    %dma_wait3A_278 = tpu.memref_slice %arg2[%dma_wait3A_276, %dma_wait3A_277] : memref<327680x32xf32, #tpu.memory_space<hbm>> -> memref<327680x32xf32, #tpu.memory_space<hbm>>
    tpu.wait_indirect_dma semaphore(%arg7 : memref<!tpu.dma_semaphore, #tpu.memory_space<semaphore_mem>>) src(%dma_wait3A_278 : memref<327680x32xf32, #tpu.memory_space<hbm>>) dst(%dma_wait3A_272 : memref<128x32xf32, #tpu.memory_space<vmem>>)
    %dma_wait3A_279 = arith.constant 8 : i32
    %dma_wait3A_280 = arith.constant 1024 : i32
    %dma_wait3A_281 = arith.constant 0 : i32
    %dma_wait3A_282 = tpu.memref_slice %arg6[%dma_wait3A_280, %dma_wait3A_281] : memref<2560x32xf32, #tpu.memory_space<vmem>> -> memref<128x32xf32, #tpu.memory_space<vmem>>
    %dma_wait3A_283 = arith.constant 0 : i32
    %dma_wait3A_284 = tpu.memref_slice %arg5[%dma_wait3A_279, %dma_wait3A_283] : memref<20x128xi32, #tpu.memory_space<vmem>> -> memref<1x128xi32, #tpu.memory_space<vmem>>
    %dma_wait3A_285 = tpu.memref_squeeze %dma_wait3A_284 : memref<1x128xi32, #tpu.memory_space<vmem>> -> memref<128xi32, #tpu.memory_space<vmem>>
    %dma_wait3A_286 = arith.constant 0 : i32
    %dma_wait3A_287 = arith.constant 0 : i32
    %dma_wait3A_288 = tpu.memref_slice %arg2[%dma_wait3A_286, %dma_wait3A_287] : memref<327680x32xf32, #tpu.memory_space<hbm>> -> memref<327680x32xf32, #tpu.memory_space<hbm>>
    tpu.wait_indirect_dma semaphore(%arg7 : memref<!tpu.dma_semaphore, #tpu.memory_space<semaphore_mem>>) src(%dma_wait3A_288 : memref<327680x32xf32, #tpu.memory_space<hbm>>) dst(%dma_wait3A_282 : memref<128x32xf32, #tpu.memory_space<vmem>>)
    %dma_wait3A_289 = arith.constant 9 : i32
    %dma_wait3A_290 = arith.constant 1152 : i32
    %dma_wait3A_291 = arith.constant 0 : i32
    %dma_wait3A_292 = tpu.memref_slice %arg6[%dma_wait3A_290, %dma_wait3A_291] : memref<2560x32xf32, #tpu.memory_space<vmem>> -> memref<128x32xf32, #tpu.memory_space<vmem>>
    %dma_wait3A_293 = arith.constant 0 : i32
    %dma_wait3A_294 = tpu.memref_slice %arg5[%dma_wait3A_289, %dma_wait3A_293] : memref<20x128xi32, #tpu.memory_space<vmem>> -> memref<1x128xi32, #tpu.memory_space<vmem>>
    %dma_wait3A_295 = tpu.memref_squeeze %dma_wait3A_294 : memref<1x128xi32, #tpu.memory_space<vmem>> -> memref<128xi32, #tpu.memory_space<vmem>>
    %dma_wait3A_296 = arith.constant 0 : i32
    %dma_wait3A_297 = arith.constant 0 : i32
    %dma_wait3A_298 = tpu.memref_slice %arg2[%dma_wait3A_296, %dma_wait3A_297] : memref<327680x32xf32, #tpu.memory_space<hbm>> -> memref<327680x32xf32, #tpu.memory_space<hbm>>
    tpu.wait_indirect_dma semaphore(%arg7 : memref<!tpu.dma_semaphore, #tpu.memory_space<semaphore_mem>>) src(%dma_wait3A_298 : memref<327680x32xf32, #tpu.memory_space<hbm>>) dst(%dma_wait3A_292 : memref<128x32xf32, #tpu.memory_space<vmem>>)
    %dma_wait3A_299 = arith.constant 10 : i32
    %dma_wait3A_300 = arith.constant 1280 : i32
    %dma_wait3A_301 = arith.constant 0 : i32
    %dma_wait3A_302 = tpu.memref_slice %arg6[%dma_wait3A_300, %dma_wait3A_301] : memref<2560x32xf32, #tpu.memory_space<vmem>> -> memref<128x32xf32, #tpu.memory_space<vmem>>
    %dma_wait3A_303 = arith.constant 0 : i32
    %dma_wait3A_304 = tpu.memref_slice %arg5[%dma_wait3A_299, %dma_wait3A_303] : memref<20x128xi32, #tpu.memory_space<vmem>> -> memref<1x128xi32, #tpu.memory_space<vmem>>
    %dma_wait3A_305 = tpu.memref_squeeze %dma_wait3A_304 : memref<1x128xi32, #tpu.memory_space<vmem>> -> memref<128xi32, #tpu.memory_space<vmem>>
    %dma_wait3A_306 = arith.constant 0 : i32
    %dma_wait3A_307 = arith.constant 0 : i32
    %dma_wait3A_308 = tpu.memref_slice %arg2[%dma_wait3A_306, %dma_wait3A_307] : memref<327680x32xf32, #tpu.memory_space<hbm>> -> memref<327680x32xf32, #tpu.memory_space<hbm>>
    tpu.wait_indirect_dma semaphore(%arg7 : memref<!tpu.dma_semaphore, #tpu.memory_space<semaphore_mem>>) src(%dma_wait3A_308 : memref<327680x32xf32, #tpu.memory_space<hbm>>) dst(%dma_wait3A_302 : memref<128x32xf32, #tpu.memory_space<vmem>>)
    %dma_wait3A_309 = arith.constant 11 : i32
    %dma_wait3A_310 = arith.constant 1408 : i32
    %dma_wait3A_311 = arith.constant 0 : i32
    %dma_wait3A_312 = tpu.memref_slice %arg6[%dma_wait3A_310, %dma_wait3A_311] : memref<2560x32xf32, #tpu.memory_space<vmem>> -> memref<128x32xf32, #tpu.memory_space<vmem>>
    %dma_wait3A_313 = arith.constant 0 : i32
    %dma_wait3A_314 = tpu.memref_slice %arg5[%dma_wait3A_309, %dma_wait3A_313] : memref<20x128xi32, #tpu.memory_space<vmem>> -> memref<1x128xi32, #tpu.memory_space<vmem>>
    %dma_wait3A_315 = tpu.memref_squeeze %dma_wait3A_314 : memref<1x128xi32, #tpu.memory_space<vmem>> -> memref<128xi32, #tpu.memory_space<vmem>>
    %dma_wait3A_316 = arith.constant 0 : i32
    %dma_wait3A_317 = arith.constant 0 : i32
    %dma_wait3A_318 = tpu.memref_slice %arg2[%dma_wait3A_316, %dma_wait3A_317] : memref<327680x32xf32, #tpu.memory_space<hbm>> -> memref<327680x32xf32, #tpu.memory_space<hbm>>
    tpu.wait_indirect_dma semaphore(%arg7 : memref<!tpu.dma_semaphore, #tpu.memory_space<semaphore_mem>>) src(%dma_wait3A_318 : memref<327680x32xf32, #tpu.memory_space<hbm>>) dst(%dma_wait3A_312 : memref<128x32xf32, #tpu.memory_space<vmem>>)
    %dma_wait3A_319 = arith.constant 12 : i32
    %dma_wait3A_320 = arith.constant 1536 : i32
    %dma_wait3A_321 = arith.constant 0 : i32
    %dma_wait3A_322 = tpu.memref_slice %arg6[%dma_wait3A_320, %dma_wait3A_321] : memref<2560x32xf32, #tpu.memory_space<vmem>> -> memref<128x32xf32, #tpu.memory_space<vmem>>
    %dma_wait3A_323 = arith.constant 0 : i32
    %dma_wait3A_324 = tpu.memref_slice %arg5[%dma_wait3A_319, %dma_wait3A_323] : memref<20x128xi32, #tpu.memory_space<vmem>> -> memref<1x128xi32, #tpu.memory_space<vmem>>
    %dma_wait3A_325 = tpu.memref_squeeze %dma_wait3A_324 : memref<1x128xi32, #tpu.memory_space<vmem>> -> memref<128xi32, #tpu.memory_space<vmem>>
    %dma_wait3A_326 = arith.constant 0 : i32
    %dma_wait3A_327 = arith.constant 0 : i32
    %dma_wait3A_328 = tpu.memref_slice %arg2[%dma_wait3A_326, %dma_wait3A_327] : memref<327680x32xf32, #tpu.memory_space<hbm>> -> memref<327680x32xf32, #tpu.memory_space<hbm>>
    tpu.wait_indirect_dma semaphore(%arg7 : memref<!tpu.dma_semaphore, #tpu.memory_space<semaphore_mem>>) src(%dma_wait3A_328 : memref<327680x32xf32, #tpu.memory_space<hbm>>) dst(%dma_wait3A_322 : memref<128x32xf32, #tpu.memory_space<vmem>>)
    %dma_wait3A_329 = arith.constant 13 : i32
    %dma_wait3A_330 = arith.constant 1664 : i32
    %dma_wait3A_331 = arith.constant 0 : i32
    %dma_wait3A_332 = tpu.memref_slice %arg6[%dma_wait3A_330, %dma_wait3A_331] : memref<2560x32xf32, #tpu.memory_space<vmem>> -> memref<128x32xf32, #tpu.memory_space<vmem>>
    %dma_wait3A_333 = arith.constant 0 : i32
    %dma_wait3A_334 = tpu.memref_slice %arg5[%dma_wait3A_329, %dma_wait3A_333] : memref<20x128xi32, #tpu.memory_space<vmem>> -> memref<1x128xi32, #tpu.memory_space<vmem>>
    %dma_wait3A_335 = tpu.memref_squeeze %dma_wait3A_334 : memref<1x128xi32, #tpu.memory_space<vmem>> -> memref<128xi32, #tpu.memory_space<vmem>>
    %dma_wait3A_336 = arith.constant 0 : i32
    %dma_wait3A_337 = arith.constant 0 : i32
    %dma_wait3A_338 = tpu.memref_slice %arg2[%dma_wait3A_336, %dma_wait3A_337] : memref<327680x32xf32, #tpu.memory_space<hbm>> -> memref<327680x32xf32, #tpu.memory_space<hbm>>
    tpu.wait_indirect_dma semaphore(%arg7 : memref<!tpu.dma_semaphore, #tpu.memory_space<semaphore_mem>>) src(%dma_wait3A_338 : memref<327680x32xf32, #tpu.memory_space<hbm>>) dst(%dma_wait3A_332 : memref<128x32xf32, #tpu.memory_space<vmem>>)
    %dma_wait3A_339 = arith.constant 14 : i32
    %dma_wait3A_340 = arith.constant 1792 : i32
    %dma_wait3A_341 = arith.constant 0 : i32
    %dma_wait3A_342 = tpu.memref_slice %arg6[%dma_wait3A_340, %dma_wait3A_341] : memref<2560x32xf32, #tpu.memory_space<vmem>> -> memref<128x32xf32, #tpu.memory_space<vmem>>
    %dma_wait3A_343 = arith.constant 0 : i32
    %dma_wait3A_344 = tpu.memref_slice %arg5[%dma_wait3A_339, %dma_wait3A_343] : memref<20x128xi32, #tpu.memory_space<vmem>> -> memref<1x128xi32, #tpu.memory_space<vmem>>
    %dma_wait3A_345 = tpu.memref_squeeze %dma_wait3A_344 : memref<1x128xi32, #tpu.memory_space<vmem>> -> memref<128xi32, #tpu.memory_space<vmem>>
    %dma_wait3A_346 = arith.constant 0 : i32
    %dma_wait3A_347 = arith.constant 0 : i32
    %dma_wait3A_348 = tpu.memref_slice %arg2[%dma_wait3A_346, %dma_wait3A_347] : memref<327680x32xf32, #tpu.memory_space<hbm>> -> memref<327680x32xf32, #tpu.memory_space<hbm>>
    tpu.wait_indirect_dma semaphore(%arg7 : memref<!tpu.dma_semaphore, #tpu.memory_space<semaphore_mem>>) src(%dma_wait3A_348 : memref<327680x32xf32, #tpu.memory_space<hbm>>) dst(%dma_wait3A_342 : memref<128x32xf32, #tpu.memory_space<vmem>>)
    %dma_wait3A_349 = arith.constant 15 : i32
    %dma_wait3A_350 = arith.constant 1920 : i32
    %dma_wait3A_351 = arith.constant 0 : i32
    %dma_wait3A_352 = tpu.memref_slice %arg6[%dma_wait3A_350, %dma_wait3A_351] : memref<2560x32xf32, #tpu.memory_space<vmem>> -> memref<128x32xf32, #tpu.memory_space<vmem>>
    %dma_wait3A_353 = arith.constant 0 : i32
    %dma_wait3A_354 = tpu.memref_slice %arg5[%dma_wait3A_349, %dma_wait3A_353] : memref<20x128xi32, #tpu.memory_space<vmem>> -> memref<1x128xi32, #tpu.memory_space<vmem>>
    %dma_wait3A_355 = tpu.memref_squeeze %dma_wait3A_354 : memref<1x128xi32, #tpu.memory_space<vmem>> -> memref<128xi32, #tpu.memory_space<vmem>>
    %dma_wait3A_356 = arith.constant 0 : i32
    %dma_wait3A_357 = arith.constant 0 : i32
    %dma_wait3A_358 = tpu.memref_slice %arg2[%dma_wait3A_356, %dma_wait3A_357] : memref<327680x32xf32, #tpu.memory_space<hbm>> -> memref<327680x32xf32, #tpu.memory_space<hbm>>
    tpu.wait_indirect_dma semaphore(%arg7 : memref<!tpu.dma_semaphore, #tpu.memory_space<semaphore_mem>>) src(%dma_wait3A_358 : memref<327680x32xf32, #tpu.memory_space<hbm>>) dst(%dma_wait3A_352 : memref<128x32xf32, #tpu.memory_space<vmem>>)
    %dma_wait3A_359 = arith.constant 16 : i32
    %dma_wait3A_360 = arith.constant 2048 : i32
    %dma_wait3A_361 = arith.constant 0 : i32
    %dma_wait3A_362 = tpu.memref_slice %arg6[%dma_wait3A_360, %dma_wait3A_361] : memref<2560x32xf32, #tpu.memory_space<vmem>> -> memref<128x32xf32, #tpu.memory_space<vmem>>
    %dma_wait3A_363 = arith.constant 0 : i32
    %dma_wait3A_364 = tpu.memref_slice %arg5[%dma_wait3A_359, %dma_wait3A_363] : memref<20x128xi32, #tpu.memory_space<vmem>> -> memref<1x128xi32, #tpu.memory_space<vmem>>
    %dma_wait3A_365 = tpu.memref_squeeze %dma_wait3A_364 : memref<1x128xi32, #tpu.memory_space<vmem>> -> memref<128xi32, #tpu.memory_space<vmem>>
    %dma_wait3A_366 = arith.constant 0 : i32
    %dma_wait3A_367 = arith.constant 0 : i32
    %dma_wait3A_368 = tpu.memref_slice %arg2[%dma_wait3A_366, %dma_wait3A_367] : memref<327680x32xf32, #tpu.memory_space<hbm>> -> memref<327680x32xf32, #tpu.memory_space<hbm>>
    tpu.wait_indirect_dma semaphore(%arg7 : memref<!tpu.dma_semaphore, #tpu.memory_space<semaphore_mem>>) src(%dma_wait3A_368 : memref<327680x32xf32, #tpu.memory_space<hbm>>) dst(%dma_wait3A_362 : memref<128x32xf32, #tpu.memory_space<vmem>>)
    %dma_wait3A_369 = arith.constant 17 : i32
    %dma_wait3A_370 = arith.constant 2176 : i32
    %dma_wait3A_371 = arith.constant 0 : i32
    %dma_wait3A_372 = tpu.memref_slice %arg6[%dma_wait3A_370, %dma_wait3A_371] : memref<2560x32xf32, #tpu.memory_space<vmem>> -> memref<128x32xf32, #tpu.memory_space<vmem>>
    %dma_wait3A_373 = arith.constant 0 : i32
    %dma_wait3A_374 = tpu.memref_slice %arg5[%dma_wait3A_369, %dma_wait3A_373] : memref<20x128xi32, #tpu.memory_space<vmem>> -> memref<1x128xi32, #tpu.memory_space<vmem>>
    %dma_wait3A_375 = tpu.memref_squeeze %dma_wait3A_374 : memref<1x128xi32, #tpu.memory_space<vmem>> -> memref<128xi32, #tpu.memory_space<vmem>>
    %dma_wait3A_376 = arith.constant 0 : i32
    %dma_wait3A_377 = arith.constant 0 : i32
    %dma_wait3A_378 = tpu.memref_slice %arg2[%dma_wait3A_376, %dma_wait3A_377] : memref<327680x32xf32, #tpu.memory_space<hbm>> -> memref<327680x32xf32, #tpu.memory_space<hbm>>
    tpu.wait_indirect_dma semaphore(%arg7 : memref<!tpu.dma_semaphore, #tpu.memory_space<semaphore_mem>>) src(%dma_wait3A_378 : memref<327680x32xf32, #tpu.memory_space<hbm>>) dst(%dma_wait3A_372 : memref<128x32xf32, #tpu.memory_space<vmem>>)
    %dma_wait3A_379 = arith.constant 18 : i32
    %dma_wait3A_380 = arith.constant 2304 : i32
    %dma_wait3A_381 = arith.constant 0 : i32
    %dma_wait3A_382 = tpu.memref_slice %arg6[%dma_wait3A_380, %dma_wait3A_381] : memref<2560x32xf32, #tpu.memory_space<vmem>> -> memref<128x32xf32, #tpu.memory_space<vmem>>
    %dma_wait3A_383 = arith.constant 0 : i32
    %dma_wait3A_384 = tpu.memref_slice %arg5[%dma_wait3A_379, %dma_wait3A_383] : memref<20x128xi32, #tpu.memory_space<vmem>> -> memref<1x128xi32, #tpu.memory_space<vmem>>
    %dma_wait3A_385 = tpu.memref_squeeze %dma_wait3A_384 : memref<1x128xi32, #tpu.memory_space<vmem>> -> memref<128xi32, #tpu.memory_space<vmem>>
    %dma_wait3A_386 = arith.constant 0 : i32
    %dma_wait3A_387 = arith.constant 0 : i32
    %dma_wait3A_388 = tpu.memref_slice %arg2[%dma_wait3A_386, %dma_wait3A_387] : memref<327680x32xf32, #tpu.memory_space<hbm>> -> memref<327680x32xf32, #tpu.memory_space<hbm>>
    tpu.wait_indirect_dma semaphore(%arg7 : memref<!tpu.dma_semaphore, #tpu.memory_space<semaphore_mem>>) src(%dma_wait3A_388 : memref<327680x32xf32, #tpu.memory_space<hbm>>) dst(%dma_wait3A_382 : memref<128x32xf32, #tpu.memory_space<vmem>>)
    %dma_wait3A_389 = arith.constant 19 : i32
    %dma_wait3A_390 = arith.constant 2432 : i32
    %dma_wait3A_391 = arith.constant 0 : i32
    %dma_wait3A_392 = tpu.memref_slice %arg6[%dma_wait3A_390, %dma_wait3A_391] : memref<2560x32xf32, #tpu.memory_space<vmem>> -> memref<128x32xf32, #tpu.memory_space<vmem>>
    %dma_wait3A_393 = arith.constant 0 : i32
    %dma_wait3A_394 = tpu.memref_slice %arg5[%dma_wait3A_389, %dma_wait3A_393] : memref<20x128xi32, #tpu.memory_space<vmem>> -> memref<1x128xi32, #tpu.memory_space<vmem>>
    %dma_wait3A_395 = tpu.memref_squeeze %dma_wait3A_394 : memref<1x128xi32, #tpu.memory_space<vmem>> -> memref<128xi32, #tpu.memory_space<vmem>>
    %dma_wait3A_396 = arith.constant 0 : i32
    %dma_wait3A_397 = arith.constant 0 : i32
    %dma_wait3A_398 = tpu.memref_slice %arg2[%dma_wait3A_396, %dma_wait3A_397] : memref<327680x32xf32, #tpu.memory_space<hbm>> -> memref<327680x32xf32, #tpu.memory_space<hbm>>
    tpu.wait_indirect_dma semaphore(%arg7 : memref<!tpu.dma_semaphore, #tpu.memory_space<semaphore_mem>>) src(%dma_wait3A_398 : memref<327680x32xf32, #tpu.memory_space<hbm>>) dst(%dma_wait3A_392 : memref<128x32xf32, #tpu.memory_space<vmem>>)
    %mul3A_399 = arith.constant 2560 : i32
    %mul3A_400 = arith.muli %add3A, %mul3A_399 : i32
    "tpu.region"() ({
      %run_scoped3A = tpu.sem_alloc : memref<!tpu.dma_semaphore, #tpu.memory_space<semaphore_mem>>
      %dma_start3A_401 = arith.constant 0 : i32
      %dma_start3A_402 = tpu.memref_slice %arg4[%mul3A_400, %dma_start3A_401] : memref<81920x32xf32, #tpu.memory_space<hbm>> -> memref<2560x32xf32, #tpu.memory_space<hbm>>
      %dma_start3A_403 = arith.constant 0 : i32
      %dma_start3A_404 = tpu.memref_slice %arg4[%mul3A_400, %dma_start3A_403] : memref<81920x32xf32, #tpu.memory_space<hbm>> -> memref<2560x32xf32, #tpu.memory_space<hbm>>
      tpu.enqueue_dma source(%arg6 : memref<2560x32xf32, #tpu.memory_space<vmem>>) target(%dma_start3A_404 : memref<2560x32xf32, #tpu.memory_space<hbm>>) target_semaphore(%run_scoped3A : memref<!tpu.dma_semaphore, #tpu.memory_space<semaphore_mem>>)
      %dma_wait3A_405 = arith.constant 0 : i32
      %dma_wait3A_406 = tpu.memref_slice %arg4[%mul3A_400, %dma_wait3A_405] : memref<81920x32xf32, #tpu.memory_space<hbm>> -> memref<2560x32xf32, #tpu.memory_space<hbm>>
      %dma_wait3A_407 = arith.constant 0 : i32
      %dma_wait3A_408 = tpu.memref_slice %arg4[%mul3A_400, %dma_wait3A_407] : memref<81920x32xf32, #tpu.memory_space<hbm>> -> memref<2560x32xf32, #tpu.memory_space<hbm>>
      tpu.wait_dma2 semaphore(%run_scoped3A : memref<!tpu.dma_semaphore, #tpu.memory_space<semaphore_mem>>) src(%arg6 : memref<2560x32xf32, #tpu.memory_space<vmem>>) dst(%dma_wait3A_408 : memref<2560x32xf32, #tpu.memory_space<hbm>>)
      tpu.yield
    }) : () -> ()
    return
  }
}

module attributes {stable_mosaic.version = 14 : i64} {
  func.func @_pack_body(%arg0: i32, %arg1: memref<32x65536xf32, #tpu.memory_space<vmem>>, %arg2: memref<16384x128xf32, #tpu.memory_space<vmem>>) attributes {dimension_semantics = [#tpu.dimension_semantics<arbitrary>], iteration_bounds = array<i64: 16>, scalar_prefetch = 0 : i64, scratch_operands = 0 : i64, tpu.core_type = #tpu.core_type<tc>, window_params = [{transform_indices = @transform_0, window_bounds = array<i64: 32, 65536>}, {transform_indices = @transform_1, window_bounds = array<i64: 16384, 128>}]} {
    %get3A = arith.constant 0 : index
    %get3A_0 = arith.constant 0 : index
    %get3A_1 = vector.load %arg1[%get3A, %get3A_0] : memref<32x65536xf32, #tpu.memory_space<vmem>>, vector<32x65536xf32>
    %slice3A = vector.extract_strided_slice %get3A_1 {offsets = [0, 0], sizes = [32, 16384], strides = [1, 1]} : vector<32x65536xf32> to vector<32x16384xf32>
    %slice3A_2 = vector.extract_strided_slice %get3A_1 {offsets = [0, 16384], sizes = [32, 16384], strides = [1, 1]} : vector<32x65536xf32> to vector<32x16384xf32>
    %slice3A_3 = vector.extract_strided_slice %get3A_1 {offsets = [0, 32768], sizes = [32, 16384], strides = [1, 1]} : vector<32x65536xf32> to vector<32x16384xf32>
    %slice3A_4 = vector.extract_strided_slice %get3A_1 {offsets = [0, 49152], sizes = [32, 16384], strides = [1, 1]} : vector<32x65536xf32> to vector<32x16384xf32>
    %concatenate3A = tpu.concatenate %slice3A, %slice3A_2, %slice3A_3, %slice3A_4 in 0 : vector<32x16384xf32>, vector<32x16384xf32>, vector<32x16384xf32>, vector<32x16384xf32> -> vector<128x16384xf32>
    %transpose3A = tpu.transpose %concatenate3A, [1, 0] : vector<128x16384xf32> -> vector<16384x128xf32>
    %swap3A = arith.constant 0 : index
    %swap3A_5 = arith.constant 0 : index
    %swap3A_6 = vector.load %arg2[%swap3A, %swap3A_5] : memref<16384x128xf32, #tpu.memory_space<vmem>>, vector<16384x128xf32>
    tpu.vector_store %arg2[%swap3A, %swap3A_5], %transpose3A {strides = array<i32>} : memref<16384x128xf32, #tpu.memory_space<vmem>>, vector<16384x128xf32>,
    return
  }
  func.func @transform_0(%arg0: i32) -> (i32, i32) {
    %c0_i32 = arith.constant 0 : i32
    %c0_i32_0 = arith.constant 0 : i32
    return %c0_i32, %arg0 : i32, i32
  }
  func.func @transform_1(%arg0: i32) -> (i32, i32) {
    %c0_i32 = arith.constant 0 : i32
    %c0_i32_0 = arith.constant 0 : i32
    return %arg0, %c0_i32 : i32, i32
  }
}

module attributes {stable_mosaic.version = 14 : i64} {
  func.func @_mlp_body(%arg0: i32, %arg1: memref<256x128xf32, #tpu.memory_space<vmem>>, %arg2: memref<256x128xf32, #tpu.memory_space<vmem>>, %arg3: memref<256x128xf32, #tpu.memory_space<vmem>>, %arg4: memref<256x128xf32, #tpu.memory_space<vmem>>, %arg5: memref<256x128xf32, #tpu.memory_space<vmem>>, %arg6: memref<5x32x128xf32, #tpu.memory_space<vmem>>, %arg7: memref<1x128xf32, #tpu.memory_space<vmem>>, %arg8: memref<128x50xf32, #tpu.memory_space<vmem>>, %arg9: memref<1x50xf32, #tpu.memory_space<vmem>>, %arg10: memref<4x256x50xf32, #tpu.memory_space<vmem>>) attributes {dimension_semantics = [#tpu.dimension_semantics<arbitrary>], iteration_bounds = array<i64: 16>, scalar_prefetch = 0 : i64, scratch_operands = 0 : i64, tpu.core_type = #tpu.core_type<tc>, window_params = [{transform_indices = @transform_0, window_bounds = array<i64: 256, 128>}, {transform_indices = @transform_1, window_bounds = array<i64: 256, 128>}, {transform_indices = @transform_2, window_bounds = array<i64: 256, 128>}, {transform_indices = @transform_3, window_bounds = array<i64: 256, 128>}, {transform_indices = @transform_4, window_bounds = array<i64: 256, 128>}, {pipeline_mode = #tpu.pipeline_mode<synchronous>, transform_indices = @transform_5, window_bounds = array<i64: 5, 32, 128>}, {pipeline_mode = #tpu.pipeline_mode<synchronous>, transform_indices = @transform_6, window_bounds = array<i64: 1, 128>}, {pipeline_mode = #tpu.pipeline_mode<synchronous>, transform_indices = @transform_7, window_bounds = array<i64: 128, 50>}, {pipeline_mode = #tpu.pipeline_mode<synchronous>, transform_indices = @transform_8, window_bounds = array<i64: 1, 50>}, {transform_indices = @transform_9, window_bounds = array<i64: 4, 256, 50>}]} {
    %get3A = arith.constant 0 : index
    %get3A_0 = arith.constant 0 : index
    %get3A_1 = vector.load %arg1[%get3A, %get3A_0] : memref<256x128xf32, #tpu.memory_space<vmem>>, vector<256x32xf32>
    %get3A_2 = arith.constant 0 : index
    %get3A_3 = arith.constant 0 : index
    %get3A_4 = arith.constant 0 : index
    %get3A_5 = vector.load %arg6[%get3A_2, %get3A_3, %get3A_4] : memref<5x32x128xf32, #tpu.memory_space<vmem>>, vector<1x32x128xf32>
    %get3A_6 = vector.shape_cast %get3A_5 : vector<1x32x128xf32> to vector<32x128xf32>
    %dot_general3A = arith.constant dense<0.000000e+00> : vector<256x128xf32>
    %dot_general3A_7 = tpu.matmul %get3A_1, %get3A_6, %dot_general3A {dimension_numbers = #tpu.dot_dimension_numbers<[1], [0], [0], [1], [0, 0, 1, 1], [], []>, transpose_lhs_hint = false} : vector<256x32xf32>, vector<32x128xf32>, vector<256x128xf32> -> vector<256x128xf32>
    %get3A_8 = arith.constant 0 : index
    %get3A_9 = arith.constant 0 : index
    %get3A_10 = vector.load %arg2[%get3A_8, %get3A_9] : memref<256x128xf32, #tpu.memory_space<vmem>>, vector<256x32xf32>
    %get3A_11 = arith.constant 1 : index
    %get3A_12 = arith.constant 0 : index
    %get3A_13 = arith.constant 0 : index
    %get3A_14 = vector.load %arg6[%get3A_11, %get3A_12, %get3A_13] : memref<5x32x128xf32, #tpu.memory_space<vmem>>, vector<1x32x128xf32>
    %get3A_15 = vector.shape_cast %get3A_14 : vector<1x32x128xf32> to vector<32x128xf32>
    %dot_general3A_16 = arith.constant dense<0.000000e+00> : vector<256x128xf32>
    %dot_general3A_17 = tpu.matmul %get3A_10, %get3A_15, %dot_general3A_16 {dimension_numbers = #tpu.dot_dimension_numbers<[1], [0], [0], [1], [0, 0, 1, 1], [], []>, transpose_lhs_hint = false} : vector<256x32xf32>, vector<32x128xf32>, vector<256x128xf32> -> vector<256x128xf32>
    %add3A = arith.addf %dot_general3A_7, %dot_general3A_17 : vector<256x128xf32>
    %get3A_18 = arith.constant 0 : index
    %get3A_19 = arith.constant 0 : index
    %get3A_20 = vector.load %arg3[%get3A_18, %get3A_19] : memref<256x128xf32, #tpu.memory_space<vmem>>, vector<256x32xf32>
    %get3A_21 = arith.constant 2 : index
    %get3A_22 = arith.constant 0 : index
    %get3A_23 = arith.constant 0 : index
    %get3A_24 = vector.load %arg6[%get3A_21, %get3A_22, %get3A_23] : memref<5x32x128xf32, #tpu.memory_space<vmem>>, vector<1x32x128xf32>
    %get3A_25 = vector.shape_cast %get3A_24 : vector<1x32x128xf32> to vector<32x128xf32>
    %dot_general3A_26 = arith.constant dense<0.000000e+00> : vector<256x128xf32>
    %dot_general3A_27 = tpu.matmul %get3A_20, %get3A_25, %dot_general3A_26 {dimension_numbers = #tpu.dot_dimension_numbers<[1], [0], [0], [1], [0, 0, 1, 1], [], []>, transpose_lhs_hint = false} : vector<256x32xf32>, vector<32x128xf32>, vector<256x128xf32> -> vector<256x128xf32>
    %add3A_28 = arith.addf %add3A, %dot_general3A_27 : vector<256x128xf32>
    %get3A_29 = arith.constant 0 : index
    %get3A_30 = arith.constant 0 : index
    %get3A_31 = vector.load %arg4[%get3A_29, %get3A_30] : memref<256x128xf32, #tpu.memory_space<vmem>>, vector<256x32xf32>
    %get3A_32 = arith.constant 3 : index
    %get3A_33 = arith.constant 0 : index
    %get3A_34 = arith.constant 0 : index
    %get3A_35 = vector.load %arg6[%get3A_32, %get3A_33, %get3A_34] : memref<5x32x128xf32, #tpu.memory_space<vmem>>, vector<1x32x128xf32>
    %get3A_36 = vector.shape_cast %get3A_35 : vector<1x32x128xf32> to vector<32x128xf32>
    %dot_general3A_37 = arith.constant dense<0.000000e+00> : vector<256x128xf32>
    %dot_general3A_38 = tpu.matmul %get3A_31, %get3A_36, %dot_general3A_37 {dimension_numbers = #tpu.dot_dimension_numbers<[1], [0], [0], [1], [0, 0, 1, 1], [], []>, transpose_lhs_hint = false} : vector<256x32xf32>, vector<32x128xf32>, vector<256x128xf32> -> vector<256x128xf32>
    %add3A_39 = arith.addf %add3A_28, %dot_general3A_38 : vector<256x128xf32>
    %get3A_40 = arith.constant 0 : index
    %get3A_41 = arith.constant 0 : index
    %get3A_42 = vector.load %arg5[%get3A_40, %get3A_41] : memref<256x128xf32, #tpu.memory_space<vmem>>, vector<256x32xf32>
    %get3A_43 = arith.constant 4 : index
    %get3A_44 = arith.constant 0 : index
    %get3A_45 = arith.constant 0 : index
    %get3A_46 = vector.load %arg6[%get3A_43, %get3A_44, %get3A_45] : memref<5x32x128xf32, #tpu.memory_space<vmem>>, vector<1x32x128xf32>
    %get3A_47 = vector.shape_cast %get3A_46 : vector<1x32x128xf32> to vector<32x128xf32>
    %dot_general3A_48 = arith.constant dense<0.000000e+00> : vector<256x128xf32>
    %dot_general3A_49 = tpu.matmul %get3A_42, %get3A_47, %dot_general3A_48 {dimension_numbers = #tpu.dot_dimension_numbers<[1], [0], [0], [1], [0, 0, 1, 1], [], []>, transpose_lhs_hint = false} : vector<256x32xf32>, vector<32x128xf32>, vector<256x128xf32> -> vector<256x128xf32>
    %add3A_50 = arith.addf %add3A_39, %dot_general3A_49 : vector<256x128xf32>
    %get3A_51 = arith.constant 0 : index
    %get3A_52 = arith.constant 0 : index
    %get3A_53 = vector.load %arg7[%get3A_51, %get3A_52] : memref<1x128xf32, #tpu.memory_space<vmem>>, vector<1x128xf32>
    %add3A_54 = vector.broadcast %get3A_53 : vector<1x128xf32> to vector<256x128xf32>
    %add3A_55 = arith.addf %add3A_50, %add3A_54 : vector<256x128xf32>
    %tanh3A = math.tanh %add3A_55 : vector<256x128xf32>
    %get3A_56 = arith.constant 0 : index
    %get3A_57 = arith.constant 0 : index
    %get3A_58 = vector.load %arg8[%get3A_56, %get3A_57] : memref<128x50xf32, #tpu.memory_space<vmem>>, vector<128x50xf32>
    %dot_general3A_59 = arith.constant dense<0.000000e+00> : vector<256x50xf32>
    %dot_general3A_60 = tpu.matmul %tanh3A, %get3A_58, %dot_general3A_59 {dimension_numbers = #tpu.dot_dimension_numbers<[1], [0], [0], [1], [0, 0, 1, 1], [], []>, transpose_lhs_hint = false} : vector<256x128xf32>, vector<128x50xf32>, vector<256x50xf32> -> vector<256x50xf32>
    %get3A_61 = arith.constant 0 : index
    %get3A_62 = arith.constant 0 : index
    %get3A_63 = vector.load %arg9[%get3A_61, %get3A_62] : memref<1x50xf32, #tpu.memory_space<vmem>>, vector<1x50xf32>
    %add3A_64 = vector.broadcast %get3A_63 : vector<1x50xf32> to vector<256x50xf32>
    %add3A_65 = arith.addf %dot_general3A_60, %add3A_64 : vector<256x50xf32>
    %swap3A = arith.constant 0 : index
    %swap3A_66 = arith.constant 0 : index
    %swap3A_67 = arith.constant 0 : index
    %swap3A_68 = vector.load %arg10[%swap3A, %swap3A_66, %swap3A_67] : memref<4x256x50xf32, #tpu.memory_space<vmem>>, vector<1x256x50xf32>
    %swap3A_69 = vector.shape_cast %swap3A_68 : vector<1x256x50xf32> to vector<256x50xf32>
    %swap3A_70 = vector.shape_cast %add3A_65 : vector<256x50xf32> to vector<1x256x50xf32>
    tpu.vector_store %arg10[%swap3A, %swap3A_66, %swap3A_67], %swap3A_70 {strides = array<i32>} : memref<4x256x50xf32, #tpu.memory_space<vmem>>, vector<1x256x50xf32>,
    %get3A_71 = arith.constant 0 : index
    %get3A_72 = arith.constant 32 : index
    %get3A_73 = vector.load %arg1[%get3A_71, %get3A_72] : memref<256x128xf32, #tpu.memory_space<vmem>>, vector<256x32xf32>
    %get3A_74 = arith.constant 0 : index
    %get3A_75 = arith.constant 0 : index
    %get3A_76 = arith.constant 0 : index
    %get3A_77 = vector.load %arg6[%get3A_74, %get3A_75, %get3A_76] : memref<5x32x128xf32, #tpu.memory_space<vmem>>, vector<1x32x128xf32>
    %get3A_78 = vector.shape_cast %get3A_77 : vector<1x32x128xf32> to vector<32x128xf32>
    %dot_general3A_79 = arith.constant dense<0.000000e+00> : vector<256x128xf32>
    %dot_general3A_80 = tpu.matmul %get3A_73, %get3A_78, %dot_general3A_79 {dimension_numbers = #tpu.dot_dimension_numbers<[1], [0], [0], [1], [0, 0, 1, 1], [], []>, transpose_lhs_hint = false} : vector<256x32xf32>, vector<32x128xf32>, vector<256x128xf32> -> vector<256x128xf32>
    %get3A_81 = arith.constant 0 : index
    %get3A_82 = arith.constant 32 : index
    %get3A_83 = vector.load %arg2[%get3A_81, %get3A_82] : memref<256x128xf32, #tpu.memory_space<vmem>>, vector<256x32xf32>
    %get3A_84 = arith.constant 1 : index
    %get3A_85 = arith.constant 0 : index
    %get3A_86 = arith.constant 0 : index
    %get3A_87 = vector.load %arg6[%get3A_84, %get3A_85, %get3A_86] : memref<5x32x128xf32, #tpu.memory_space<vmem>>, vector<1x32x128xf32>
    %get3A_88 = vector.shape_cast %get3A_87 : vector<1x32x128xf32> to vector<32x128xf32>
    %dot_general3A_89 = arith.constant dense<0.000000e+00> : vector<256x128xf32>
    %dot_general3A_90 = tpu.matmul %get3A_83, %get3A_88, %dot_general3A_89 {dimension_numbers = #tpu.dot_dimension_numbers<[1], [0], [0], [1], [0, 0, 1, 1], [], []>, transpose_lhs_hint = false} : vector<256x32xf32>, vector<32x128xf32>, vector<256x128xf32> -> vector<256x128xf32>
    %add3A_91 = arith.addf %dot_general3A_80, %dot_general3A_90 : vector<256x128xf32>
    %get3A_92 = arith.constant 0 : index
    %get3A_93 = arith.constant 32 : index
    %get3A_94 = vector.load %arg3[%get3A_92, %get3A_93] : memref<256x128xf32, #tpu.memory_space<vmem>>, vector<256x32xf32>
    %get3A_95 = arith.constant 2 : index
    %get3A_96 = arith.constant 0 : index
    %get3A_97 = arith.constant 0 : index
    %get3A_98 = vector.load %arg6[%get3A_95, %get3A_96, %get3A_97] : memref<5x32x128xf32, #tpu.memory_space<vmem>>, vector<1x32x128xf32>
    %get3A_99 = vector.shape_cast %get3A_98 : vector<1x32x128xf32> to vector<32x128xf32>
    %dot_general3A_100 = arith.constant dense<0.000000e+00> : vector<256x128xf32>
    %dot_general3A_101 = tpu.matmul %get3A_94, %get3A_99, %dot_general3A_100 {dimension_numbers = #tpu.dot_dimension_numbers<[1], [0], [0], [1], [0, 0, 1, 1], [], []>, transpose_lhs_hint = false} : vector<256x32xf32>, vector<32x128xf32>, vector<256x128xf32> -> vector<256x128xf32>
    %add3A_102 = arith.addf %add3A_91, %dot_general3A_101 : vector<256x128xf32>
    %get3A_103 = arith.constant 0 : index
    %get3A_104 = arith.constant 32 : index
    %get3A_105 = vector.load %arg4[%get3A_103, %get3A_104] : memref<256x128xf32, #tpu.memory_space<vmem>>, vector<256x32xf32>
    %get3A_106 = arith.constant 3 : index
    %get3A_107 = arith.constant 0 : index
    %get3A_108 = arith.constant 0 : index
    %get3A_109 = vector.load %arg6[%get3A_106, %get3A_107, %get3A_108] : memref<5x32x128xf32, #tpu.memory_space<vmem>>, vector<1x32x128xf32>
    %get3A_110 = vector.shape_cast %get3A_109 : vector<1x32x128xf32> to vector<32x128xf32>
    %dot_general3A_111 = arith.constant dense<0.000000e+00> : vector<256x128xf32>
    %dot_general3A_112 = tpu.matmul %get3A_105, %get3A_110, %dot_general3A_111 {dimension_numbers = #tpu.dot_dimension_numbers<[1], [0], [0], [1], [0, 0, 1, 1], [], []>, transpose_lhs_hint = false} : vector<256x32xf32>, vector<32x128xf32>, vector<256x128xf32> -> vector<256x128xf32>
    %add3A_113 = arith.addf %add3A_102, %dot_general3A_112 : vector<256x128xf32>
    %get3A_114 = arith.constant 0 : index
    %get3A_115 = arith.constant 32 : index
    %get3A_116 = vector.load %arg5[%get3A_114, %get3A_115] : memref<256x128xf32, #tpu.memory_space<vmem>>, vector<256x32xf32>
    %get3A_117 = arith.constant 4 : index
    %get3A_118 = arith.constant 0 : index
    %get3A_119 = arith.constant 0 : index
    %get3A_120 = vector.load %arg6[%get3A_117, %get3A_118, %get3A_119] : memref<5x32x128xf32, #tpu.memory_space<vmem>>, vector<1x32x128xf32>
    %get3A_121 = vector.shape_cast %get3A_120 : vector<1x32x128xf32> to vector<32x128xf32>
    %dot_general3A_122 = arith.constant dense<0.000000e+00> : vector<256x128xf32>
    %dot_general3A_123 = tpu.matmul %get3A_116, %get3A_121, %dot_general3A_122 {dimension_numbers = #tpu.dot_dimension_numbers<[1], [0], [0], [1], [0, 0, 1, 1], [], []>, transpose_lhs_hint = false} : vector<256x32xf32>, vector<32x128xf32>, vector<256x128xf32> -> vector<256x128xf32>
    %add3A_124 = arith.addf %add3A_113, %dot_general3A_123 : vector<256x128xf32>
    %get3A_125 = arith.constant 0 : index
    %get3A_126 = arith.constant 0 : index
    %get3A_127 = vector.load %arg7[%get3A_125, %get3A_126] : memref<1x128xf32, #tpu.memory_space<vmem>>, vector<1x128xf32>
    %add3A_128 = vector.broadcast %get3A_127 : vector<1x128xf32> to vector<256x128xf32>
    %add3A_129 = arith.addf %add3A_124, %add3A_128 : vector<256x128xf32>
    %tanh3A_130 = math.tanh %add3A_129 : vector<256x128xf32>
    %get3A_131 = arith.constant 0 : index
    %get3A_132 = arith.constant 0 : index
    %get3A_133 = vector.load %arg8[%get3A_131, %get3A_132] : memref<128x50xf32, #tpu.memory_space<vmem>>, vector<128x50xf32>
    %dot_general3A_134 = arith.constant dense<0.000000e+00> : vector<256x50xf32>
    %dot_general3A_135 = tpu.matmul %tanh3A_130, %get3A_133, %dot_general3A_134 {dimension_numbers = #tpu.dot_dimension_numbers<[1], [0], [0], [1], [0, 0, 1, 1], [], []>, transpose_lhs_hint = false} : vector<256x128xf32>, vector<128x50xf32>, vector<256x50xf32> -> vector<256x50xf32>
    %get3A_136 = arith.constant 0 : index
    %get3A_137 = arith.constant 0 : index
    %get3A_138 = vector.load %arg9[%get3A_136, %get3A_137] : memref<1x50xf32, #tpu.memory_space<vmem>>, vector<1x50xf32>
    %add3A_139 = vector.broadcast %get3A_138 : vector<1x50xf32> to vector<256x50xf32>
    %add3A_140 = arith.addf %dot_general3A_135, %add3A_139 : vector<256x50xf32>
    %swap3A_141 = arith.constant 1 : index
    %swap3A_142 = arith.constant 0 : index
    %swap3A_143 = arith.constant 0 : index
    %swap3A_144 = vector.load %arg10[%swap3A_141, %swap3A_142, %swap3A_143] : memref<4x256x50xf32, #tpu.memory_space<vmem>>, vector<1x256x50xf32>
    %swap3A_145 = vector.shape_cast %swap3A_144 : vector<1x256x50xf32> to vector<256x50xf32>
    %swap3A_146 = vector.shape_cast %add3A_140 : vector<256x50xf32> to vector<1x256x50xf32>
    tpu.vector_store %arg10[%swap3A_141, %swap3A_142, %swap3A_143], %swap3A_146 {strides = array<i32>} : memref<4x256x50xf32, #tpu.memory_space<vmem>>, vector<1x256x50xf32>,
    %get3A_147 = arith.constant 0 : index
    %get3A_148 = arith.constant 64 : index
    %get3A_149 = vector.load %arg1[%get3A_147, %get3A_148] : memref<256x128xf32, #tpu.memory_space<vmem>>, vector<256x32xf32>
    %get3A_150 = arith.constant 0 : index
    %get3A_151 = arith.constant 0 : index
    %get3A_152 = arith.constant 0 : index
    %get3A_153 = vector.load %arg6[%get3A_150, %get3A_151, %get3A_152] : memref<5x32x128xf32, #tpu.memory_space<vmem>>, vector<1x32x128xf32>
    %get3A_154 = vector.shape_cast %get3A_153 : vector<1x32x128xf32> to vector<32x128xf32>
    %dot_general3A_155 = arith.constant dense<0.000000e+00> : vector<256x128xf32>
    %dot_general3A_156 = tpu.matmul %get3A_149, %get3A_154, %dot_general3A_155 {dimension_numbers = #tpu.dot_dimension_numbers<[1], [0], [0], [1], [0, 0, 1, 1], [], []>, transpose_lhs_hint = false} : vector<256x32xf32>, vector<32x128xf32>, vector<256x128xf32> -> vector<256x128xf32>
    %get3A_157 = arith.constant 0 : index
    %get3A_158 = arith.constant 64 : index
    %get3A_159 = vector.load %arg2[%get3A_157, %get3A_158] : memref<256x128xf32, #tpu.memory_space<vmem>>, vector<256x32xf32>
    %get3A_160 = arith.constant 1 : index
    %get3A_161 = arith.constant 0 : index
    %get3A_162 = arith.constant 0 : index
    %get3A_163 = vector.load %arg6[%get3A_160, %get3A_161, %get3A_162] : memref<5x32x128xf32, #tpu.memory_space<vmem>>, vector<1x32x128xf32>
    %get3A_164 = vector.shape_cast %get3A_163 : vector<1x32x128xf32> to vector<32x128xf32>
    %dot_general3A_165 = arith.constant dense<0.000000e+00> : vector<256x128xf32>
    %dot_general3A_166 = tpu.matmul %get3A_159, %get3A_164, %dot_general3A_165 {dimension_numbers = #tpu.dot_dimension_numbers<[1], [0], [0], [1], [0, 0, 1, 1], [], []>, transpose_lhs_hint = false} : vector<256x32xf32>, vector<32x128xf32>, vector<256x128xf32> -> vector<256x128xf32>
    %add3A_167 = arith.addf %dot_general3A_156, %dot_general3A_166 : vector<256x128xf32>
    %get3A_168 = arith.constant 0 : index
    %get3A_169 = arith.constant 64 : index
    %get3A_170 = vector.load %arg3[%get3A_168, %get3A_169] : memref<256x128xf32, #tpu.memory_space<vmem>>, vector<256x32xf32>
    %get3A_171 = arith.constant 2 : index
    %get3A_172 = arith.constant 0 : index
    %get3A_173 = arith.constant 0 : index
    %get3A_174 = vector.load %arg6[%get3A_171, %get3A_172, %get3A_173] : memref<5x32x128xf32, #tpu.memory_space<vmem>>, vector<1x32x128xf32>
    %get3A_175 = vector.shape_cast %get3A_174 : vector<1x32x128xf32> to vector<32x128xf32>
    %dot_general3A_176 = arith.constant dense<0.000000e+00> : vector<256x128xf32>
    %dot_general3A_177 = tpu.matmul %get3A_170, %get3A_175, %dot_general3A_176 {dimension_numbers = #tpu.dot_dimension_numbers<[1], [0], [0], [1], [0, 0, 1, 1], [], []>, transpose_lhs_hint = false} : vector<256x32xf32>, vector<32x128xf32>, vector<256x128xf32> -> vector<256x128xf32>
    %add3A_178 = arith.addf %add3A_167, %dot_general3A_177 : vector<256x128xf32>
    %get3A_179 = arith.constant 0 : index
    %get3A_180 = arith.constant 64 : index
    %get3A_181 = vector.load %arg4[%get3A_179, %get3A_180] : memref<256x128xf32, #tpu.memory_space<vmem>>, vector<256x32xf32>
    %get3A_182 = arith.constant 3 : index
    %get3A_183 = arith.constant 0 : index
    %get3A_184 = arith.constant 0 : index
    %get3A_185 = vector.load %arg6[%get3A_182, %get3A_183, %get3A_184] : memref<5x32x128xf32, #tpu.memory_space<vmem>>, vector<1x32x128xf32>
    %get3A_186 = vector.shape_cast %get3A_185 : vector<1x32x128xf32> to vector<32x128xf32>
    %dot_general3A_187 = arith.constant dense<0.000000e+00> : vector<256x128xf32>
    %dot_general3A_188 = tpu.matmul %get3A_181, %get3A_186, %dot_general3A_187 {dimension_numbers = #tpu.dot_dimension_numbers<[1], [0], [0], [1], [0, 0, 1, 1], [], []>, transpose_lhs_hint = false} : vector<256x32xf32>, vector<32x128xf32>, vector<256x128xf32> -> vector<256x128xf32>
    %add3A_189 = arith.addf %add3A_178, %dot_general3A_188 : vector<256x128xf32>
    %get3A_190 = arith.constant 0 : index
    %get3A_191 = arith.constant 64 : index
    %get3A_192 = vector.load %arg5[%get3A_190, %get3A_191] : memref<256x128xf32, #tpu.memory_space<vmem>>, vector<256x32xf32>
    %get3A_193 = arith.constant 4 : index
    %get3A_194 = arith.constant 0 : index
    %get3A_195 = arith.constant 0 : index
    %get3A_196 = vector.load %arg6[%get3A_193, %get3A_194, %get3A_195] : memref<5x32x128xf32, #tpu.memory_space<vmem>>, vector<1x32x128xf32>
    %get3A_197 = vector.shape_cast %get3A_196 : vector<1x32x128xf32> to vector<32x128xf32>
    %dot_general3A_198 = arith.constant dense<0.000000e+00> : vector<256x128xf32>
    %dot_general3A_199 = tpu.matmul %get3A_192, %get3A_197, %dot_general3A_198 {dimension_numbers = #tpu.dot_dimension_numbers<[1], [0], [0], [1], [0, 0, 1, 1], [], []>, transpose_lhs_hint = false} : vector<256x32xf32>, vector<32x128xf32>, vector<256x128xf32> -> vector<256x128xf32>
    %add3A_200 = arith.addf %add3A_189, %dot_general3A_199 : vector<256x128xf32>
    %get3A_201 = arith.constant 0 : index
    %get3A_202 = arith.constant 0 : index
    %get3A_203 = vector.load %arg7[%get3A_201, %get3A_202] : memref<1x128xf32, #tpu.memory_space<vmem>>, vector<1x128xf32>
    %add3A_204 = vector.broadcast %get3A_203 : vector<1x128xf32> to vector<256x128xf32>
    %add3A_205 = arith.addf %add3A_200, %add3A_204 : vector<256x128xf32>
    %tanh3A_206 = math.tanh %add3A_205 : vector<256x128xf32>
    %get3A_207 = arith.constant 0 : index
    %get3A_208 = arith.constant 0 : index
    %get3A_209 = vector.load %arg8[%get3A_207, %get3A_208] : memref<128x50xf32, #tpu.memory_space<vmem>>, vector<128x50xf32>
    %dot_general3A_210 = arith.constant dense<0.000000e+00> : vector<256x50xf32>
    %dot_general3A_211 = tpu.matmul %tanh3A_206, %get3A_209, %dot_general3A_210 {dimension_numbers = #tpu.dot_dimension_numbers<[1], [0], [0], [1], [0, 0, 1, 1], [], []>, transpose_lhs_hint = false} : vector<256x128xf32>, vector<128x50xf32>, vector<256x50xf32> -> vector<256x50xf32>
    %get3A_212 = arith.constant 0 : index
    %get3A_213 = arith.constant 0 : index
    %get3A_214 = vector.load %arg9[%get3A_212, %get3A_213] : memref<1x50xf32, #tpu.memory_space<vmem>>, vector<1x50xf32>
    %add3A_215 = vector.broadcast %get3A_214 : vector<1x50xf32> to vector<256x50xf32>
    %add3A_216 = arith.addf %dot_general3A_211, %add3A_215 : vector<256x50xf32>
    %swap3A_217 = arith.constant 2 : index
    %swap3A_218 = arith.constant 0 : index
    %swap3A_219 = arith.constant 0 : index
    %swap3A_220 = vector.load %arg10[%swap3A_217, %swap3A_218, %swap3A_219] : memref<4x256x50xf32, #tpu.memory_space<vmem>>, vector<1x256x50xf32>
    %swap3A_221 = vector.shape_cast %swap3A_220 : vector<1x256x50xf32> to vector<256x50xf32>
    %swap3A_222 = vector.shape_cast %add3A_216 : vector<256x50xf32> to vector<1x256x50xf32>
    tpu.vector_store %arg10[%swap3A_217, %swap3A_218, %swap3A_219], %swap3A_222 {strides = array<i32>} : memref<4x256x50xf32, #tpu.memory_space<vmem>>, vector<1x256x50xf32>,
    %get3A_223 = arith.constant 0 : index
    %get3A_224 = arith.constant 96 : index
    %get3A_225 = vector.load %arg1[%get3A_223, %get3A_224] : memref<256x128xf32, #tpu.memory_space<vmem>>, vector<256x32xf32>
    %get3A_226 = arith.constant 0 : index
    %get3A_227 = arith.constant 0 : index
    %get3A_228 = arith.constant 0 : index
    %get3A_229 = vector.load %arg6[%get3A_226, %get3A_227, %get3A_228] : memref<5x32x128xf32, #tpu.memory_space<vmem>>, vector<1x32x128xf32>
    %get3A_230 = vector.shape_cast %get3A_229 : vector<1x32x128xf32> to vector<32x128xf32>
    %dot_general3A_231 = arith.constant dense<0.000000e+00> : vector<256x128xf32>
    %dot_general3A_232 = tpu.matmul %get3A_225, %get3A_230, %dot_general3A_231 {dimension_numbers = #tpu.dot_dimension_numbers<[1], [0], [0], [1], [0, 0, 1, 1], [], []>, transpose_lhs_hint = false} : vector<256x32xf32>, vector<32x128xf32>, vector<256x128xf32> -> vector<256x128xf32>
    %get3A_233 = arith.constant 0 : index
    %get3A_234 = arith.constant 96 : index
    %get3A_235 = vector.load %arg2[%get3A_233, %get3A_234] : memref<256x128xf32, #tpu.memory_space<vmem>>, vector<256x32xf32>
    %get3A_236 = arith.constant 1 : index
    %get3A_237 = arith.constant 0 : index
    %get3A_238 = arith.constant 0 : index
    %get3A_239 = vector.load %arg6[%get3A_236, %get3A_237, %get3A_238] : memref<5x32x128xf32, #tpu.memory_space<vmem>>, vector<1x32x128xf32>
    %get3A_240 = vector.shape_cast %get3A_239 : vector<1x32x128xf32> to vector<32x128xf32>
    %dot_general3A_241 = arith.constant dense<0.000000e+00> : vector<256x128xf32>
    %dot_general3A_242 = tpu.matmul %get3A_235, %get3A_240, %dot_general3A_241 {dimension_numbers = #tpu.dot_dimension_numbers<[1], [0], [0], [1], [0, 0, 1, 1], [], []>, transpose_lhs_hint = false} : vector<256x32xf32>, vector<32x128xf32>, vector<256x128xf32> -> vector<256x128xf32>
    %add3A_243 = arith.addf %dot_general3A_232, %dot_general3A_242 : vector<256x128xf32>
    %get3A_244 = arith.constant 0 : index
    %get3A_245 = arith.constant 96 : index
    %get3A_246 = vector.load %arg3[%get3A_244, %get3A_245] : memref<256x128xf32, #tpu.memory_space<vmem>>, vector<256x32xf32>
    %get3A_247 = arith.constant 2 : index
    %get3A_248 = arith.constant 0 : index
    %get3A_249 = arith.constant 0 : index
    %get3A_250 = vector.load %arg6[%get3A_247, %get3A_248, %get3A_249] : memref<5x32x128xf32, #tpu.memory_space<vmem>>, vector<1x32x128xf32>
    %get3A_251 = vector.shape_cast %get3A_250 : vector<1x32x128xf32> to vector<32x128xf32>
    %dot_general3A_252 = arith.constant dense<0.000000e+00> : vector<256x128xf32>
    %dot_general3A_253 = tpu.matmul %get3A_246, %get3A_251, %dot_general3A_252 {dimension_numbers = #tpu.dot_dimension_numbers<[1], [0], [0], [1], [0, 0, 1, 1], [], []>, transpose_lhs_hint = false} : vector<256x32xf32>, vector<32x128xf32>, vector<256x128xf32> -> vector<256x128xf32>
    %add3A_254 = arith.addf %add3A_243, %dot_general3A_253 : vector<256x128xf32>
    %get3A_255 = arith.constant 0 : index
    %get3A_256 = arith.constant 96 : index
    %get3A_257 = vector.load %arg4[%get3A_255, %get3A_256] : memref<256x128xf32, #tpu.memory_space<vmem>>, vector<256x32xf32>
    %get3A_258 = arith.constant 3 : index
    %get3A_259 = arith.constant 0 : index
    %get3A_260 = arith.constant 0 : index
    %get3A_261 = vector.load %arg6[%get3A_258, %get3A_259, %get3A_260] : memref<5x32x128xf32, #tpu.memory_space<vmem>>, vector<1x32x128xf32>
    %get3A_262 = vector.shape_cast %get3A_261 : vector<1x32x128xf32> to vector<32x128xf32>
    %dot_general3A_263 = arith.constant dense<0.000000e+00> : vector<256x128xf32>
    %dot_general3A_264 = tpu.matmul %get3A_257, %get3A_262, %dot_general3A_263 {dimension_numbers = #tpu.dot_dimension_numbers<[1], [0], [0], [1], [0, 0, 1, 1], [], []>, transpose_lhs_hint = false} : vector<256x32xf32>, vector<32x128xf32>, vector<256x128xf32> -> vector<256x128xf32>
    %add3A_265 = arith.addf %add3A_254, %dot_general3A_264 : vector<256x128xf32>
    %get3A_266 = arith.constant 0 : index
    %get3A_267 = arith.constant 96 : index
    %get3A_268 = vector.load %arg5[%get3A_266, %get3A_267] : memref<256x128xf32, #tpu.memory_space<vmem>>, vector<256x32xf32>
    %get3A_269 = arith.constant 4 : index
    %get3A_270 = arith.constant 0 : index
    %get3A_271 = arith.constant 0 : index
    %get3A_272 = vector.load %arg6[%get3A_269, %get3A_270, %get3A_271] : memref<5x32x128xf32, #tpu.memory_space<vmem>>, vector<1x32x128xf32>
    %get3A_273 = vector.shape_cast %get3A_272 : vector<1x32x128xf32> to vector<32x128xf32>
    %dot_general3A_274 = arith.constant dense<0.000000e+00> : vector<256x128xf32>
    %dot_general3A_275 = tpu.matmul %get3A_268, %get3A_273, %dot_general3A_274 {dimension_numbers = #tpu.dot_dimension_numbers<[1], [0], [0], [1], [0, 0, 1, 1], [], []>, transpose_lhs_hint = false} : vector<256x32xf32>, vector<32x128xf32>, vector<256x128xf32> -> vector<256x128xf32>
    %add3A_276 = arith.addf %add3A_265, %dot_general3A_275 : vector<256x128xf32>
    %get3A_277 = arith.constant 0 : index
    %get3A_278 = arith.constant 0 : index
    %get3A_279 = vector.load %arg7[%get3A_277, %get3A_278] : memref<1x128xf32, #tpu.memory_space<vmem>>, vector<1x128xf32>
    %add3A_280 = vector.broadcast %get3A_279 : vector<1x128xf32> to vector<256x128xf32>
    %add3A_281 = arith.addf %add3A_276, %add3A_280 : vector<256x128xf32>
    %tanh3A_282 = math.tanh %add3A_281 : vector<256x128xf32>
    %get3A_283 = arith.constant 0 : index
    %get3A_284 = arith.constant 0 : index
    %get3A_285 = vector.load %arg8[%get3A_283, %get3A_284] : memref<128x50xf32, #tpu.memory_space<vmem>>, vector<128x50xf32>
    %dot_general3A_286 = arith.constant dense<0.000000e+00> : vector<256x50xf32>
    %dot_general3A_287 = tpu.matmul %tanh3A_282, %get3A_285, %dot_general3A_286 {dimension_numbers = #tpu.dot_dimension_numbers<[1], [0], [0], [1], [0, 0, 1, 1], [], []>, transpose_lhs_hint = false} : vector<256x128xf32>, vector<128x50xf32>, vector<256x50xf32> -> vector<256x50xf32>
    %get3A_288 = arith.constant 0 : index
    %get3A_289 = arith.constant 0 : index
    %get3A_290 = vector.load %arg9[%get3A_288, %get3A_289] : memref<1x50xf32, #tpu.memory_space<vmem>>, vector<1x50xf32>
    %add3A_291 = vector.broadcast %get3A_290 : vector<1x50xf32> to vector<256x50xf32>
    %add3A_292 = arith.addf %dot_general3A_287, %add3A_291 : vector<256x50xf32>
    %swap3A_293 = arith.constant 3 : index
    %swap3A_294 = arith.constant 0 : index
    %swap3A_295 = arith.constant 0 : index
    %swap3A_296 = vector.load %arg10[%swap3A_293, %swap3A_294, %swap3A_295] : memref<4x256x50xf32, #tpu.memory_space<vmem>>, vector<1x256x50xf32>
    %swap3A_297 = vector.shape_cast %swap3A_296 : vector<1x256x50xf32> to vector<256x50xf32>
    %swap3A_298 = vector.shape_cast %add3A_292 : vector<256x50xf32> to vector<1x256x50xf32>
    tpu.vector_store %arg10[%swap3A_293, %swap3A_294, %swap3A_295], %swap3A_298 {strides = array<i32>} : memref<4x256x50xf32, #tpu.memory_space<vmem>>, vector<1x256x50xf32>,
    return
  }
  func.func @transform_0(%arg0: i32) -> (i32, i32) {
    %add3A = arith.constant 0 : i32
    %add3A_0 = arith.addi %add3A, %arg0 : i32
    %c0_i32 = arith.constant 0 : i32
    %c0_i32_1 = arith.constant 0 : i32
    return %add3A_0, %c0_i32 : i32, i32
  }
  func.func @transform_1(%arg0: i32) -> (i32, i32) {
    %add3A = arith.constant 16 : i32
    %add3A_0 = arith.addi %add3A, %arg0 : i32
    %c0_i32 = arith.constant 0 : i32
    %c0_i32_1 = arith.constant 0 : i32
    return %add3A_0, %c0_i32 : i32, i32
  }
  func.func @transform_2(%arg0: i32) -> (i32, i32) {
    %add3A = arith.constant 32 : i32
    %add3A_0 = arith.addi %add3A, %arg0 : i32
    %c0_i32 = arith.constant 0 : i32
    %c0_i32_1 = arith.constant 0 : i32
    return %add3A_0, %c0_i32 : i32, i32
  }
  func.func @transform_3(%arg0: i32) -> (i32, i32) {
    %add3A = arith.constant 48 : i32
    %add3A_0 = arith.addi %add3A, %arg0 : i32
    %c0_i32 = arith.constant 0 : i32
    %c0_i32_1 = arith.constant 0 : i32
    return %add3A_0, %c0_i32 : i32, i32
  }
  func.func @transform_4(%arg0: i32) -> (i32, i32) {
    %add3A = arith.constant 64 : i32
    %add3A_0 = arith.addi %add3A, %arg0 : i32
    %c0_i32 = arith.constant 0 : i32
    %c0_i32_1 = arith.constant 0 : i32
    return %add3A_0, %c0_i32 : i32, i32
  }
  func.func @transform_5(%arg0: i32) -> (i32, i32, i32) {
    %c0_i32 = arith.constant 0 : i32
    %c0_i32_0 = arith.constant 0 : i32
    %c0_i32_1 = arith.constant 0 : i32
    %c0_i32_2 = arith.constant 0 : i32
    return %c0_i32, %c0_i32_0, %c0_i32_1 : i32, i32, i32
  }
  func.func @transform_6(%arg0: i32) -> (i32, i32) {
    %c0_i32 = arith.constant 0 : i32
    %c0_i32_0 = arith.constant 0 : i32
    %c0_i32_1 = arith.constant 0 : i32
    return %c0_i32, %c0_i32_0 : i32, i32
  }
  func.func @transform_7(%arg0: i32) -> (i32, i32) {
    %c0_i32 = arith.constant 0 : i32
    %c0_i32_0 = arith.constant 0 : i32
    %c0_i32_1 = arith.constant 0 : i32
    return %c0_i32, %c0_i32_0 : i32, i32
  }
  func.func @transform_8(%arg0: i32) -> (i32, i32) {
    %c0_i32 = arith.constant 0 : i32
    %c0_i32_0 = arith.constant 0 : i32
    %c0_i32_1 = arith.constant 0 : i32
    return %c0_i32, %c0_i32_0 : i32, i32
  }
  func.func @transform_9(%arg0: i32) -> (i32, i32, i32) {
    %c0_i32 = arith.constant 0 : i32
    %c0_i32_0 = arith.constant 0 : i32
    %c0_i32_1 = arith.constant 0 : i32
    return %c0_i32, %arg0, %c0_i32_0 : i32, i32, i32
  }
}

</mosaic_0001>

<sc_bundles>
// kernel: kernel.6.cloned.1.call-start
scs
__scs_entry_jumppad:
0x0: {  	(pc) =	sbr.rel $0x88, $3  }
0x1: {  	(tag) =	ssettag $0x0;
	lr =	simm.s32 $0x1  }
0x2: {  	[smem:$0x3F9B] =	sst lr;
	_ =	strace $0xD0000000  }
0x3: {  	_ = 	snop  }
0x4: {  	_ = 	snop  }
0x5: {  	_ = 	snop  }
0x6: {  	_ = 	snop  }
0x7: {  	_ = 	snop  }
__scs_overlays_trampoline_lowered:
0x8: {  	[smem:$0x3FAA] =	sst s0  }
0x9: {  	[smem:$0x3FAB] =	sst s1  }
0xa: {  	[smem:$0x3FAC] =	sst s2  }
0xb: {  	[smem:$0x3FAD] =	sst s3  }
0xc: {  	[smem:$0x3FAE] =	sst s4  }
0xd: {  	[smem:$0x3FAF] =	sst s5  }
0xe: {  	[smem:$0x3FB0] =	sst s6  }
0xf: {  	[smem:$0x3FB1] =	sst s7  }
0x10: {  	[smem:$0x3FB2] =	sst s8  }
0x11: {  	[smem:$0x3FB3] =	sst s9;
	s0 =	simm.s32 @!p0 $0x0  }
0x12: {  	s1 =	sld [smem:$0x3F99];
	s0 =	simm.s32 @p0 $0x1  }
0x13: {  	[smem:$0x3FB4] =	sst s0;
	s0 =	simm.s32 @!p1 $0x0  }
0x14: {  	s2 =	sld [smem:$0x3F98];
	s0 =	simm.s32 @p1 $0x1  }
0x15: {  	[smem:$0x3FB5] =	sst s0;
	s0 =	simm.s32 @!p2 $0x0  }
0x16: {  	s3 =	sld [smem:$0x3FDB];
	s0 =	simm.s32 @p2 $0x1  }
0x17: {  	s4 =	simm.s32 $0x1BF5;
	[smem:$0x3FB7] =	sst s0  }
0x18: {  	s0 =	sld [smem:$0x3F9A];
	_ =	swait.ge [sflag:s4], $0x0  }
0x19: {  	s7 =	sld [smem:$0x3F9B]  }
0x1a: {  	s8 =	sadd.s32 $0xFFFFE003, lr  }
0x1b: {  	s9 =	sadd.s32 $0xFFFFFEF7, lr;
	s5 =	simm.s32 $0xFFFFFFFF;
	p2 =	slt.u32 s8, $0xFFFFF086  }
0x1c: {  	p1 =	slt.u32 s9, $0xF7A;
	s5 =	simm.s32 @!p2 $0x0  }
0x1d: {  	s5 =	simm.s32 @p1 $0x1;
	p0 =	seq.s32 s7, s2  }
0x1e: {  	s7 =	smul.u32 @!p0 $0xF7A, s2;
	p2 =	seq.s32 @!p0 s5, $0x0  }
0x1f: {  	s9 =	smul.u32 $0xF7A, s1;
	s8 =	simm.s32 @!p0 $0x1BF5;
	p2 =	por !p2, p0  }
0x20: {  	[sflag:s8] =	ssyncset.s32 @!p0 $0xFFFFF086;
	s6 =	sadd.s32 @!p0 s3, s7;
	s7 =	simm.s32 @!p0 $0x108  }
0x21: {  	s3 =	sadd.s32 s3, s9;
	s6 =	sadd.s32 @!p0 $0x88, s6;
	s7 =	simm.s32 @p2 $0x1082  }
0x22: {  	[simem:s7], [sflag:s8] =	dma.local @!p0 [hbm:s6], $0xF7A  }
0x23: {  	s9 =	sor.u32 $0xD0000000, s2;
	s6 =	simm.s32 $0x108;
	_ =	swait.ge @!p0 [sflag:s8], $0x0  }
0x24: {  	s3 =	sadd.s32 $0x88, s3;
	s6 =	simm.s32 @!p1 $0x1082;
	[sflag:s4] =	ssyncset.s32 $0xFFFFF086  }
0x25: {  	[simem:s6], [sflag:s4] =	dma.local [hbm:s3], $0xF7A  }
0x26: {  	[smem:$0x3F9B] =	sst s1;
	(tag) =	ssettag s2;
	_ =	strace s9  }
0x27: {  	s1 =	sld [smem:$0x3FAB]  }
0x28: {  	s2 =	sld [smem:$0x3FAC]  }
0x29: {  	s4 =	sld [smem:$0x3FAE]  }
0x2a: {  	p0 =	seq.s32 s5, $0x0;
	s5 =	sld [smem:$0x3FAF]  }
0x2b: {  	s6 =	sld [smem:$0x3FB0]  }
0x2c: {  	s7 =	sld [smem:$0x3FB1]  }
0x2d: {  	s3 =	simm.s32 $0x108;
	s8 =	sld [smem:$0x3FB2]  }
0x2e: {  	s3 =	simm.s32 @!p0 $0x1082;
	s9 =	sld [smem:$0x3FB3]  }
0x2f: {  	lr =	sadd.s32 s0, s3;
	s0 =	sld [smem:$0x3FAA]  }
0x30: {  	s3 =	sld [smem:$0x3FAD]  }
0x31: {  	[smem:$0x3FB6] =	sst s10  }
0x32: {  	s10 =	sld [smem:$0x3FB4];
	_ =	sdelay $0x3  }
0x33: {  	p0 =	seq.s32 s10, $0x1;
	s10 =	sld [smem:$0x3FB6];
	_ =	sdelay $0x3  }
0x34: {  	[smem:$0x3FB6] =	sst s10  }
0x35: {  	s10 =	sld [smem:$0x3FB5];
	_ =	sdelay $0x3  }
0x36: {  	p1 =	seq.s32 s10, $0x1;
	s10 =	sld [smem:$0x3FB6];
	_ =	sdelay $0x3  }
0x37: {  	[smem:$0x3FB6] =	sst s10  }
0x38: {  	s10 =	sld [smem:$0x3FB7]  }
0x39: {  	_ = 	snop;
	(pc) =	sbr.ind lr, $3  }
0x3a: {  	_ = 	snop  }
0x3b: {  	_ = 	snop  }
0x3c: {  	p2 =	seq.s32 s10, $0x1;
	s10 =	sld [smem:$0x3FB6]  }
0x3d: {  	_ =	shalt  }
0x3e: {  	_ =	shalt  }
0x3f: {  	_ =	shalt  }
0x40: {  	_ =	shalt  }
0x41: {  	_ =	shalt  }
0x42: {  	_ =	shalt  }
0x43: {  	_ =	shalt  }
0x44: {  	_ =	shalt  }
0x45: {  	_ =	shalt  }
0x46: {  	_ =	shalt  }
0x47: {  	_ =	shalt  }
0x48: {  	_ =	shalt  }
0x49: {  	_ =	shalt  }
0x4a: {  	_ =	shalt  }
0x4b: {  	_ =	shalt  }
0x4c: {  	_ =	shalt  }
0x4d: {  	_ =	shalt  }
0x4e: {  	_ =	shalt  }
0x4f: {  	_ =	shalt  }
0x50: {  	_ =	shalt  }
0x51: {  	_ =	shalt  }
0x52: {  	_ =	shalt  }
0x53: {  	_ =	shalt  }
0x54: {  	_ =	shalt  }
0x55: {  	_ =	shalt  }
0x56: {  	_ =	shalt  }
0x57: {  	_ =	shalt  }
0x58: {  	_ =	shalt  }
0x59: {  	_ =	shalt  }
0x5a: {  	_ =	shalt  }
0x5b: {  	_ =	shalt  }
0x5c: {  	_ =	shalt  }
0x5d: {  	_ =	shalt  }
0x5e: {  	_ =	shalt  }
0x5f: {  	_ =	shalt  }
0x60: {  	_ =	shalt  }
0x61: {  	_ =	shalt  }
0x62: {  	_ =	shalt  }
0x63: {  	_ =	shalt  }
0x64: {  	_ =	shalt  }
0x65: {  	_ =	shalt  }
0x66: {  	_ =	shalt  }
0x67: {  	_ =	shalt  }
0x68: {  	_ =	shalt  }
0x69: {  	_ =	shalt  }
0x6a: {  	_ =	shalt  }
0x6b: {  	_ =	shalt  }
0x6c: {  	_ =	shalt  }
0x6d: {  	_ =	shalt  }
0x6e: {  	_ =	shalt  }
0x6f: {  	_ =	shalt  }
0x70: {  	_ =	shalt  }
0x71: {  	_ =	shalt  }
0x72: {  	_ =	shalt  }
0x73: {  	_ =	shalt  }
0x74: {  	_ =	shalt  }
0x75: {  	_ =	shalt  }
0x76: {  	_ =	shalt  }
0x77: {  	_ =	shalt  }
0x78: {  	_ =	shalt  }
0x79: {  	_ =	shalt  }
0x7a: {  	_ =	shalt  }
0x7b: {  	_ =	shalt  }
0x7c: {  	_ =	shalt  }
0x7d: {  	_ =	shalt  }
0x7e: {  	_ =	shalt  }
0x7f: {  	_ =	shalt  }
0x80: {  	_ =	shalt  }
0x81: {  	_ =	shalt  }
0x82: {  	_ =	shalt  }
0x83: {  	_ =	shalt  }
0x84: {  	_ =	shalt  }
0x85: {  	_ =	shalt  }
0x86: {  	_ =	shalt  }
0x87: {  	_ =	shalt  }
.Lfunc_end0:
.L_simem_size_0:
called_computation_lowered:
.L_overlay_start_0:
0x88: {  	s2 =	sld [smem:$0x3FD9]  }
0x89: {  	s3 =	sld [smem:$0x3FFE];
	_ =	sdelay $0x1  }
0x8a: {  	s1 =	srdreg.scid  }
0x8b: {  	s0 =	sand.u32 $0x1, s1  }
0x8c: {  	s16 =	sshll.u32 s0, $0xA;
	s2 =	sadd.s32 s3, s2  }
0x8d: {  	s2 =	sadd.s32 s2, s16  }
0x8e: {  	[smem:$0x3FC2] =	sst s2  }
0x8f: {  	_ = 	snop  }
0x90: {  	(tm) =	ssettm $0x1  }
0x91: {  	s17 =	sld [smem:$0x3FFB];
	_ =	sdelay $0x3  }
0x92: {  	_ =	strace s17  }
0x93: {  	s2 =	sld [smem:$0x3FFC];
	_ =	sdelay $0x3  }
0x94: {  	_ =	strace s2  }
0x95: {  	s2 =	sld [smem:$0x3FFD];
	_ =	sdelay $0x3  }
0x96: {  	_ =	strace s2  }
0x97: {  	_ =	strace $0x8FFFFFFF  }
0x98: {  	s18 =	sld [smem:$0x3FDB];
	_ =	sdelay $0x1  }
0x99: {  	s19 =	simm.s32 $_scs_section_size  }
0x9a: {  	s4 =	simm.s32 $_size__tile_overlayer_lowered;
	s5 =	simm.s32 $_tile_overlayer_lowered  }
0x9b: {  	s22 =	simm.s32 $0x1BFF;
	s21 =	sshll.u32 s5, $0x1;
	s2 =	sadd.s32 s19, s18  }
0x9c: {  	s6 =	simm.s32 $0x0;
	s20 =	sshll.u32 s4, $0x1;
	s4 =	sadd.s32 s21, s2  }
0x9d: {  	[timem:s6], [sflag:s22] =	dma.local [hbm:s4], s20  }
0x9e: {  	_ =	swait.ge [sflag:s22], s20  }
0x9f: {  	s3 =	ssub.s32 $0x0, s20;
	[sflag:s22] =	ssyncset.done $0x0  }
0xa0: {  	[sflag:s22] =	ssyncadd.s32 s3;
	_ =	sdelay $0x1  }
0xa1: {  	s23 =	simm.s32 $0x1B8B  }
0xa2: {  	_ =	swait.ge [sflag:s23], $0x1  }
0xa3: {  	[sflag:s23] =	ssyncset.done $0x0  }
0xa4: {  	s25 =	simm.s32 $0x1B8E;
	s24 =	sld [smem:$0x3FFE];
	[sflag:s23] =	ssyncadd.s32 $0xFFFFFFFF  }
0xa5: {  	s26 =	simm.s32 $execute0_lowered;
	[smem:$0x3FD2] =	sst s25  }
0xa6: {  	s4 =	sshll.u32 s26, $0x1;
	_ =	strace $0x80000046;
	[dreg:$0x1] =	wrdreg $0xFFFFFFFF  }
0xa7: {  	s28 =	simm.s32 $_size_execute0_lowered;
	s2 =	sadd.s32 s2, s4;
	[dreg:$0x0] =	wrdreg $0x0  }
0xa8: {  	s4 =	sshll.u32 s28, $0x1;
	[dreg:$0x2] =	wrdreg s2  }
0xa9: {  	[dreg:$0x3] =	wrdreg s4  }
0xaa: {  	[dreg:$0x4] =	wrdreg $0xC0  }
0xab: {  	_ =	task [dreg:s6], $0x5FFFF  }
0xac: {  	[dreg:$0x1] =	wrdreg $0xFFFFFFFF  }
0xad: {  	[dreg:$0x0] =	wrdreg $0x60  }
0xae: {  	[dreg:$0x2] =	wrdreg s24  }
0xaf: {  	[dreg:$0x3] =	wrdreg $0x9  }
0xb0: {  	_ =	task.clear_ibuf [dreg:s6], $0x4FFFF;
	_ =	strace $0x90000046  }
0xb1: {  	s29 =	simm.s32 $0x9;
	_ =	strace $0x80000048  }
0xb2: {  	_ =	swait.ge [sflag:s29], $0x1  }
0xb3: {  	[sflag:s29] =	ssyncadd.s32 $0xFFFFFFFF  }
0xb4: {  	_ =	strace $0x90000048  }
0xb5: {  	_ =	sfence  }
0xb6: {  	s30 =	sld [smem:$0x0];
	_ =	sdelay $0x2  }
0xb7: {  	s31 =	sshll.u32 s1, $0xD;
	s1 =	sshrl.u32 s1, $0x2  }
0xb8: {  	s3 =	sand.u32 $0x4000, s31;
	s1 =	sadd.s32 s1, s30  }
0xb9: {  	s0 =	sor.u32 s3, s0;
	s1 =	sshll.u32 s1, $0x11  }
0xba: {  	s0 =	sor.u32 s1, s0  }
0xbb: {  	s0 =	sadd.s32 $0x8F2B, s0  }
0xbc: {  	[sflag:s0] =	ssyncadd.remote.s32 $0x1  }
0xbd: {  	_ =	sfence.sel $0xFFFF  }
0xbe: {  	[dreg:$0x0] =	wrdreg $0xFFFFFFFF;
	(pc) =	sbr.abs _section_cstart, $3  }
0xbf: {  	[dreg:$0x1] =	wrdreg $0xFFFFFFFF  }
0xc0: {  	_ =	task.clear_ibuf [dreg:s6], $0x2FFFF;
	_ =	strace $0x9FFFFFFF  }
0xc1: {  	(tm) =	ssettm $0x7FFFFFFF  }
tec
execute0_lowered:
.L_overlay_start_1:
0x0: {  	(tag) =	ssettag $0x1  }
0x1: {  	s0 =	srdreg.scid  }
0x2: {  	s1 =	stileid.u32;
	s3 =	rddreg [dreg:$0x0];
	s2 =	simm.s32 $0x0  }
0x3: {  	s31 =	simm.s32 $0x3;
	s7 =	simm.s32 $0x80;
	s8 =	simm.s32 $0xA00  }
0x4: {  	s10 =	simm.s32 $0x4A00;
	s29 =	simm.s32 $0x100;
	s30 =	simm.s32 $0x180  }
0x5: {  	s9 =	simm.s32 $0xCA00;
	s28 =	simm.s32 $0x280;
	p0 =	por $0x0, $0x0  }
0x6: {  	s15 =	simm.s32 $0x700;
	s0 =	sand.u32 $0x1, s0;
	s1 =	sshll.u32 s1, $0x1  }
0x7: {  	s16 =	simm.s32 $0x780;
	s13 =	simm.s32 $0x800;
	s1 =	sor.u32 s0, s1  }
0x8: {  	s14 =	simm.s32 $0x880;
	s11 =	simm.s32 $0x900;
	s4 =	smul.u32 $0x140, s1  }
0x9: {  	s12 =	simm.s32 $0x980;
	[smem:$0x7FF] =	sst s2;
	s5 =	smul.u32 $0xA000, s1  }
0xa: {  	s6 =	sadd.s32 $0x403E00, s3;
	s0 =	ssub.s32 $0x2, s0;
	s1 =	smul.u32 $0x50000, s1  }
0xb: {  	_ =	strace $0x80000047;
	s25 =	sshrl.u32 s0, $0x1;
	s4 =	sadd.s32 s4, s3  }
0xc: {  	s21 =	sadd.s32 s6, s5;
	s1 =	sshrl.u32 s1, $0x3;
	s4 =	sadd.s32 $0x1600, s4  }
0xd: {  	s17 =	sadd.s32 $0x1000, s21;
	s1 =	sadd.s32 s6, s1;
	[dreg:$0x2] =	wrdreg s4  }
0xe: {  	s0 =	ssub.s32 s0, s25;
	[dreg:$0x3] =	wrdreg s17;
	s18 =	sadd.s32 $0x2000, s1  }
0xf: {  	s25 =	simm.s32 $0x380;
	s19 =	sadd.s32 $0x3000, s1;
	[dreg:$0x4] =	wrdreg s18  }
0x10: {  	s0 =	smax.u32 s0, $0x1;
	s20 =	sadd.s32 $0x4000, s1;
	[dreg:$0x5] =	wrdreg s19  }
0x11: {  	s5 =	simm.s32 $0x1;
	s22 =	sadd.s32 $0x5000, s1;
	[dreg:$0x6] =	wrdreg s20  }
0x12: {  	s6 =	simm.s32 $0x8A00;
	s23 =	sadd.s32 $0x6000, s1;
	[dreg:$0x7] =	wrdreg s22  }
0x13: {  	p1 =	sne.s32 s0, $0x1;
	s24 =	sadd.s32 $0x7000, s1;
	[dreg:$0x8] =	wrdreg s23  }
0x14: {  	s26 =	sadd.s32 $0x8000, s1;
	s1 =	sadd.s32 $0x9000, s1;
	[dreg:$0x9] =	wrdreg s24  }
.Ltmp0:
0x15: {  	s4 =	sadd.s32 $0x3E00, s3;
	[dreg:$0xa] =	wrdreg s26;
	(pc) =	sbr.rel @!p1 .LBB2_3-.Ltmp0, $4  }
0x16: {  	s3 =	simm.s32 $0x2;
	s17 =	simm.s32 $0x600;
	[dreg:$0xb] =	wrdreg s1  }
0x17: {  	s26 =	simm.s32 $0x200;
	s24 =	simm.s32 $0x300;
	s22 =	simm.s32 $0x400  }
0x18: {  	s23 =	simm.s32 $0x480;
	s19 =	simm.s32 $0x500;
	s20 =	simm.s32 $0x580  }
0x19: {  	s18 =	simm.s32 $0x680;
	s1 =	sadd.s32 $0xFFFFFFFF, s0;
	s0 =	rddreg [dreg:$0x2]  }
0x1a: {  	[tilespmem:s2], [sflag:$0x3] =	stream.linear.gather [hbm4b:s0+s2], $0xA00, $0x38;
	[tilespmem:$0x10A00] =	vst v63  }
0x1b: {  	_ =	swait.ge [sflag:s31], $0xA00  }
0x1c: {  	[sflag:s31] =	ssyncset.done $0x0  }
0x1d: {  	[sflag:s31] =	ssyncadd.s32 $0xFFFFF600  }
0x1e: {  	[tilespmem:s8], [sflag:$0x1] =	stream.indirect.gather [hbm4b:s4+s7], $0x80, s2, s7, $0xb8;
	[tilespmem:$0x10A00] =	vst v63  }
0x1f: {  	_ = 	snop  }
0x20: {  	[tilespmem:s10], [sflag:$0x1] =	stream.indirect.gather [hbm4b:s4+s7], $0x80, s7, s7, $0xb8;
	[tilespmem:$0x10A00] =	vst v63  }
0x21: {  	_ =	swait.ge [sflag:s5], $0x4000  }
0x22: {  	[sflag:s5] =	ssyncset.done $0x0  }
0x23: {  	[sflag:s5] =	ssyncadd.s32 $0xFFFFC000  }
0x24: {  	_ =	swait.ge [sflag:s5], $0x4000  }
0x25: {  	[sflag:s5] =	ssyncset.done $0x0  }
0x26: {  	[sflag:s5] =	ssyncadd.s32 $0xFFFFC000  }
0x27: {  	[hbm4b:s21+s2] =	stream.linear.scatter [tilespmem:s8], [sflag:$0x2], $0x8000, $0x38;
	[tilespmem:$0x10A00] =	vst v63  }
0x28: {  	_ = 	snop  }
0x29: {  	[tilespmem:s6], [sflag:$0x1] =	stream.indirect.gather [hbm4b:s4+s7], $0x80, s29, s7, $0xb8;
	[tilespmem:$0x10A00] =	vst v63  }
0x2a: {  	_ = 	snop  }
0x2b: {  	[tilespmem:s9], [sflag:$0x1] =	stream.indirect.gather [hbm4b:s4+s7], $0x80, s30, s7, $0xb8;
	[tilespmem:$0x10A00] =	vst v63  }
0x2c: {  	_ =	swait.ge [sflag:s5], $0x4000  }
0x2d: {  	[sflag:s5] =	ssyncset.done $0x0  }
0x2e: {  	[sflag:s5] =	ssyncadd.s32 $0xFFFFC000  }
0x2f: {  	_ =	swait.ge [sflag:s5], $0x4000  }
0x30: {  	[sflag:s5] =	ssyncset.done $0x0  }
0x31: {  	s0 =	rddreg [dreg:$0x3];
	[sflag:s5] =	ssyncadd.s32 $0xFFFFC000  }
0x32: {  	[hbm4b:s0+s2] =	stream.linear.scatter [tilespmem:s6], [sflag:$0x2], $0x8000, $0x38;
	[tilespmem:$0x10A00] =	vst v63  }
0x33: {  	_ =	swait.ge [sflag:s3], $0x8000  }
0x34: {  	[sflag:s3] =	ssyncset.done $0x0  }
0x35: {  	[sflag:s3] =	ssyncadd.s32 $0xFFFF8000  }
0x36: {  	[tilespmem:s8], [sflag:$0x1] =	stream.indirect.gather [hbm4b:s4+s7], $0x80, s26, s7, $0xb8;
	[tilespmem:$0x10A00] =	vst v63  }
0x37: {  	_ = 	snop  }
0x38: {  	[tilespmem:s10], [sflag:$0x1] =	stream.indirect.gather [hbm4b:s4+s7], $0x80, s28, s7, $0xb8;
	[tilespmem:$0x10A00] =	vst v63  }
0x39: {  	_ =	swait.ge [sflag:s5], $0x4000  }
0x3a: {  	[sflag:s5] =	ssyncset.done $0x0  }
0x3b: {  	[sflag:s5] =	ssyncadd.s32 $0xFFFFC000  }
0x3c: {  	_ =	swait.ge [sflag:s5], $0x4000  }
0x3d: {  	[sflag:s5] =	ssyncset.done $0x0  }
0x3e: {  	s0 =	rddreg [dreg:$0x4];
	[sflag:s5] =	ssyncadd.s32 $0xFFFFC000  }
0x3f: {  	[hbm4b:s0+s2] =	stream.linear.scatter [tilespmem:s8], [sflag:$0x2], $0x8000, $0x38;
	[tilespmem:$0x10A00] =	vst v63  }
0x40: {  	_ =	swait.ge [sflag:s3], $0x8000  }
0x41: {  	[sflag:s3] =	ssyncset.done $0x0  }
0x42: {  	[sflag:s3] =	ssyncadd.s32 $0xFFFF8000  }
0x43: {  	[tilespmem:s6], [sflag:$0x1] =	stream.indirect.gather [hbm4b:s4+s7], $0x80, s24, s7, $0xb8;
	[tilespmem:$0x10A00] =	vst v63  }
0x44: {  	_ = 	snop  }
0x45: {  	[tilespmem:s9], [sflag:$0x1] =	stream.indirect.gather [hbm4b:s4+s7], $0x80, s25, s7, $0xb8;
	[tilespmem:$0x10A00] =	vst v63  }
0x46: {  	_ =	swait.ge [sflag:s5], $0x4000  }
0x47: {  	[sflag:s5] =	ssyncset.done $0x0  }
0x48: {  	[sflag:s5] =	ssyncadd.s32 $0xFFFFC000  }
0x49: {  	_ =	swait.ge [sflag:s5], $0x4000  }
0x4a: {  	[sflag:s5] =	ssyncset.done $0x0  }
0x4b: {  	s0 =	rddreg [dreg:$0x5];
	[sflag:s5] =	ssyncadd.s32 $0xFFFFC000  }
0x4c: {  	[hbm4b:s0+s2] =	stream.linear.scatter [tilespmem:s6], [sflag:$0x2], $0x8000, $0x38;
	[tilespmem:$0x10A00] =	vst v63  }
0x4d: {  	_ =	swait.ge [sflag:s3], $0x8000  }
0x4e: {  	[sflag:s3] =	ssyncset.done $0x0  }
0x4f: {  	[sflag:s3] =	ssyncadd.s32 $0xFFFF8000  }
0x50: {  	[tilespmem:s8], [sflag:$0x1] =	stream.indirect.gather [hbm4b:s4+s7], $0x80, s22, s7, $0xb8;
	[tilespmem:$0x10A00] =	vst v63  }
0x51: {  	_ = 	snop  }
0x52: {  	[tilespmem:s10], [sflag:$0x1] =	stream.indirect.gather [hbm4b:s4+s7], $0x80, s23, s7, $0xb8;
	[tilespmem:$0x10A00] =	vst v63  }
0x53: {  	_ =	swait.ge [sflag:s5], $0x4000  }
0x54: {  	[sflag:s5] =	ssyncset.done $0x0  }
0x55: {  	[sflag:s5] =	ssyncadd.s32 $0xFFFFC000  }
0x56: {  	_ =	swait.ge [sflag:s5], $0x4000  }
0x57: {  	[sflag:s5] =	ssyncset.done $0x0  }
0x58: {  	s0 =	rddreg [dreg:$0x6];
	[sflag:s5] =	ssyncadd.s32 $0xFFFFC000  }
0x59: {  	[hbm4b:s0+s2] =	stream.linear.scatter [tilespmem:s8], [sflag:$0x2], $0x8000, $0x38;
	[tilespmem:$0x10A00] =	vst v63  }
0x5a: {  	_ =	swait.ge [sflag:s3], $0x8000  }
0x5b: {  	[sflag:s3] =	ssyncset.done $0x0  }
0x5c: {  	[sflag:s3] =	ssyncadd.s32 $0xFFFF8000  }
0x5d: {  	[tilespmem:s6], [sflag:$0x1] =	stream.indirect.gather [hbm4b:s4+s7], $0x80, s19, s7, $0xb8;
	[tilespmem:$0x10A00] =	vst v63  }
0x5e: {  	_ = 	snop  }
0x5f: {  	[tilespmem:s9], [sflag:$0x1] =	stream.indirect.gather [hbm4b:s4+s7], $0x80, s20, s7, $0xb8;
	[tilespmem:$0x10A00] =	vst v63  }
0x60: {  	_ =	swait.ge [sflag:s5], $0x4000  }
0x61: {  	[sflag:s5] =	ssyncset.done $0x0  }
0x62: {  	[sflag:s5] =	ssyncadd.s32 $0xFFFFC000  }
0x63: {  	_ =	swait.ge [sflag:s5], $0x4000  }
0x64: {  	[sflag:s5] =	ssyncset.done $0x0  }
0x65: {  	s0 =	rddreg [dreg:$0x7];
	[sflag:s5] =	ssyncadd.s32 $0xFFFFC000  }
0x66: {  	[hbm4b:s0+s2] =	stream.linear.scatter [tilespmem:s6], [sflag:$0x2], $0x8000, $0x38;
	[tilespmem:$0x10A00] =	vst v63  }
0x67: {  	_ =	swait.ge [sflag:s3], $0x8000  }
0x68: {  	[sflag:s3] =	ssyncset.done $0x0  }
0x69: {  	[sflag:s3] =	ssyncadd.s32 $0xFFFF8000  }
0x6a: {  	[tilespmem:s8], [sflag:$0x1] =	stream.indirect.gather [hbm4b:s4+s7], $0x80, s17, s7, $0xb8;
	[tilespmem:$0x10A00] =	vst v63  }
0x6b: {  	_ = 	snop  }
0x6c: {  	[tilespmem:s10], [sflag:$0x1] =	stream.indirect.gather [hbm4b:s4+s7], $0x80, s18, s7, $0xb8;
	[tilespmem:$0x10A00] =	vst v63  }
0x6d: {  	_ =	swait.ge [sflag:s5], $0x4000  }
0x6e: {  	[sflag:s5] =	ssyncset.done $0x0  }
0x6f: {  	[sflag:s5] =	ssyncadd.s32 $0xFFFFC000  }
0x70: {  	_ =	swait.ge [sflag:s5], $0x4000  }
0x71: {  	[sflag:s5] =	ssyncset.done $0x0  }
0x72: {  	s0 =	rddreg [dreg:$0x8];
	[sflag:s5] =	ssyncadd.s32 $0xFFFFC000  }
0x73: {  	[hbm4b:s0+s2] =	stream.linear.scatter [tilespmem:s8], [sflag:$0x2], $0x8000, $0x38;
	[tilespmem:$0x10A00] =	vst v63  }
0x74: {  	_ =	swait.ge [sflag:s3], $0x8000  }
0x75: {  	[sflag:s3] =	ssyncset.done $0x0  }
0x76: {  	[sflag:s3] =	ssyncadd.s32 $0xFFFF8000  }
0x77: {  	[tilespmem:s6], [sflag:$0x1] =	stream.indirect.gather [hbm4b:s4+s7], $0x80, s15, s7, $0xb8;
	[tilespmem:$0x10A00] =	vst v63  }
0x78: {  	_ = 	snop  }
0x79: {  	[tilespmem:s9], [sflag:$0x1] =	stream.indirect.gather [hbm4b:s4+s7], $0x80, s16, s7, $0xb8;
	[tilespmem:$0x10A00] =	vst v63  }
0x7a: {  	_ =	swait.ge [sflag:s5], $0x4000  }
0x7b: {  	[sflag:s5] =	ssyncset.done $0x0  }
0x7c: {  	[sflag:s5] =	ssyncadd.s32 $0xFFFFC000  }
0x7d: {  	_ =	swait.ge [sflag:s5], $0x4000  }
0x7e: {  	[sflag:s5] =	ssyncset.done $0x0  }
0x7f: {  	s0 =	rddreg [dreg:$0x9];
	[sflag:s5] =	ssyncadd.s32 $0xFFFFC000  }
0x80: {  	[hbm4b:s0+s2] =	stream.linear.scatter [tilespmem:s6], [sflag:$0x2], $0x8000, $0x38;
	[tilespmem:$0x10A00] =	vst v63  }
0x81: {  	_ =	swait.ge [sflag:s3], $0x8000  }
0x82: {  	[sflag:s3] =	ssyncset.done $0x0  }
0x83: {  	[sflag:s3] =	ssyncadd.s32 $0xFFFF8000  }
0x84: {  	[tilespmem:s8], [sflag:$0x1] =	stream.indirect.gather [hbm4b:s4+s7], $0x80, s13, s7, $0xb8;
	[tilespmem:$0x10A00] =	vst v63  }
0x85: {  	_ = 	snop  }
0x86: {  	[tilespmem:s10], [sflag:$0x1] =	stream.indirect.gather [hbm4b:s4+s7], $0x80, s14, s7, $0xb8;
	[tilespmem:$0x10A00] =	vst v63  }
0x87: {  	_ =	swait.ge [sflag:s5], $0x4000  }
0x88: {  	[sflag:s5] =	ssyncset.done $0x0  }
0x89: {  	[sflag:s5] =	ssyncadd.s32 $0xFFFFC000  }
0x8a: {  	_ =	swait.ge [sflag:s5], $0x4000  }
0x8b: {  	[sflag:s5] =	ssyncset.done $0x0  }
0x8c: {  	s0 =	rddreg [dreg:$0xa];
	[sflag:s5] =	ssyncadd.s32 $0xFFFFC000  }
0x8d: {  	[hbm4b:s0+s2] =	stream.linear.scatter [tilespmem:s8], [sflag:$0x2], $0x8000, $0x38;
	[tilespmem:$0x10A00] =	vst v63  }
0x8e: {  	_ =	swait.ge [sflag:s3], $0x8000  }
0x8f: {  	[sflag:s3] =	ssyncset.done $0x0  }
0x90: {  	[sflag:s3] =	ssyncadd.s32 $0xFFFF8000  }
0x91: {  	[tilespmem:s6], [sflag:$0x1] =	stream.indirect.gather [hbm4b:s4+s7], $0x80, s11, s7, $0xb8;
	[tilespmem:$0x10A00] =	vst v63  }
0x92: {  	_ = 	snop  }
0x93: {  	[tilespmem:s9], [sflag:$0x1] =	stream.indirect.gather [hbm4b:s4+s7], $0x80, s12, s7, $0xb8;
	[tilespmem:$0x10A00] =	vst v63  }
0x94: {  	_ =	swait.ge [sflag:s5], $0x4000  }
0x95: {  	[sflag:s5] =	ssyncset.done $0x0  }
0x96: {  	[sflag:s5] =	ssyncadd.s32 $0xFFFFC000  }
0x97: {  	_ =	swait.ge [sflag:s5], $0x4000  }
0x98: {  	[sflag:s5] =	ssyncset.done $0x0  }
0x99: {  	p1 =	sne.s32 s1, $0x1;
	s0 =	rddreg [dreg:$0xb];
	[sflag:s5] =	ssyncadd.s32 $0xFFFFC000  }
0x9a: {  	[hbm4b:s0+s2] =	stream.linear.scatter [tilespmem:s6], [sflag:$0x2], $0x8000, $0x38;
	[tilespmem:$0x10A00] =	vst v63  }
.Ltmp1:
0x9b: {  	_ =	swait.ge [sflag:s3], $0x8000;
	(pc) =	sbr.rel @!p1 .LBB2_3-.Ltmp1, $4  }
0x9c: {  	[sflag:s3] =	ssyncset.done $0x0  }
0x9d: {  	[sflag:s3] =	ssyncadd.s32 $0xFFFF8000  }
0x9e: {  	s1 =	sadd.s32 $0xFFFFFFFF, s1;
	_ =	swait.ge [sflag:s3], $0x8000  }
0x9f: {  	p0 =	por $0x1, $0x1;
	s0 =	rddreg [dreg:$0x2];
	[sflag:s3] =	ssyncset.done $0x0  }
.LBB2_2:
0xa0: {  	[sflag:s3] =	ssyncadd.s32 $0xFFFF8000  }
0xa1: {  	[tilespmem:s2], [sflag:$0x3] =	stream.linear.gather [hbm4b:s0+s2], $0xA00, $0x38;
	[tilespmem:$0x10A00] =	vst v63  }
0xa2: {  	_ =	swait.ge [sflag:s31], $0xA00  }
0xa3: {  	[sflag:s31] =	ssyncset.done $0x0  }
0xa4: {  	[sflag:s31] =	ssyncadd.s32 $0xFFFFF600  }
0xa5: {  	[tilespmem:s8], [sflag:$0x1] =	stream.indirect.gather [hbm4b:s4+s7], $0x80, s2, s7, $0xb8;
	[tilespmem:$0x10A00] =	vst v63  }
0xa6: {  	_ = 	snop  }
0xa7: {  	[tilespmem:s10], [sflag:$0x1] =	stream.indirect.gather [hbm4b:s4+s7], $0x80, s7, s7, $0xb8;
	[tilespmem:$0x10A00] =	vst v63  }
0xa8: {  	_ =	swait.ge [sflag:s5], $0x4000  }
0xa9: {  	[sflag:s5] =	ssyncset.done $0x0  }
0xaa: {  	[sflag:s5] =	ssyncadd.s32 $0xFFFFC000  }
0xab: {  	_ =	swait.ge [sflag:s5], $0x4000  }
0xac: {  	[sflag:s5] =	ssyncset.done $0x0  }
0xad: {  	[sflag:s5] =	ssyncadd.s32 $0xFFFFC000  }
0xae: {  	[hbm4b:s21+s2] =	stream.linear.scatter [tilespmem:s8], [sflag:$0x2], $0x8000, $0x38;
	[tilespmem:$0x10A00] =	vst v63  }
0xaf: {  	_ = 	snop  }
0xb0: {  	[tilespmem:s6], [sflag:$0x1] =	stream.indirect.gather [hbm4b:s4+s7], $0x80, s29, s7, $0xb8;
	[tilespmem:$0x10A00] =	vst v63  }
0xb1: {  	_ = 	snop  }
0xb2: {  	[tilespmem:s9], [sflag:$0x1] =	stream.indirect.gather [hbm4b:s4+s7], $0x80, s30, s7, $0xb8;
	[tilespmem:$0x10A00] =	vst v63  }
0xb3: {  	_ =	swait.ge [sflag:s5], $0x4000  }
0xb4: {  	[sflag:s5] =	ssyncset.done $0x0  }
0xb5: {  	[sflag:s5] =	ssyncadd.s32 $0xFFFFC000  }
0xb6: {  	_ =	swait.ge [sflag:s5], $0x4000  }
0xb7: {  	[sflag:s5] =	ssyncset.done $0x0  }
0xb8: {  	s0 =	rddreg [dreg:$0x3];
	[sflag:s5] =	ssyncadd.s32 $0xFFFFC000  }
0xb9: {  	[hbm4b:s0+s2] =	stream.linear.scatter [tilespmem:s6], [sflag:$0x2], $0x8000, $0x38;
	[tilespmem:$0x10A00] =	vst v63  }
0xba: {  	_ =	swait.ge [sflag:s3], $0x8000  }
0xbb: {  	[sflag:s3] =	ssyncset.done $0x0  }
0xbc: {  	[sflag:s3] =	ssyncadd.s32 $0xFFFF8000  }
0xbd: {  	[tilespmem:s8], [sflag:$0x1] =	stream.indirect.gather [hbm4b:s4+s7], $0x80, s26, s7, $0xb8;
	[tilespmem:$0x10A00] =	vst v63  }
0xbe: {  	_ = 	snop  }
0xbf: {  	[tilespmem:s10], [sflag:$0x1] =	stream.indirect.gather [hbm4b:s4+s7], $0x80, s28, s7, $0xb8;
	[tilespmem:$0x10A00] =	vst v63  }
0xc0: {  	_ =	swait.ge [sflag:s5], $0x4000  }
0xc1: {  	[sflag:s5] =	ssyncset.done $0x0  }
0xc2: {  	[sflag:s5] =	ssyncadd.s32 $0xFFFFC000  }
0xc3: {  	_ =	swait.ge [sflag:s5], $0x4000  }
0xc4: {  	[sflag:s5] =	ssyncset.done $0x0  }
0xc5: {  	s0 =	rddreg [dreg:$0x4];
	[sflag:s5] =	ssyncadd.s32 $0xFFFFC000  }
0xc6: {  	[hbm4b:s0+s2] =	stream.linear.scatter [tilespmem:s8], [sflag:$0x2], $0x8000, $0x38;
	[tilespmem:$0x10A00] =	vst v63  }
0xc7: {  	_ =	swait.ge [sflag:s3], $0x8000  }
0xc8: {  	[sflag:s3] =	ssyncset.done $0x0  }
0xc9: {  	[sflag:s3] =	ssyncadd.s32 $0xFFFF8000  }
0xca: {  	[tilespmem:s6], [sflag:$0x1] =	stream.indirect.gather [hbm4b:s4+s7], $0x80, s24, s7, $0xb8;
	[tilespmem:$0x10A00] =	vst v63  }
0xcb: {  	_ = 	snop  }
0xcc: {  	[tilespmem:s9], [sflag:$0x1] =	stream.indirect.gather [hbm4b:s4+s7], $0x80, s25, s7, $0xb8;
	[tilespmem:$0x10A00] =	vst v63  }
0xcd: {  	_ =	swait.ge [sflag:s5], $0x4000  }
0xce: {  	[sflag:s5] =	ssyncset.done $0x0  }
0xcf: {  	[sflag:s5] =	ssyncadd.s32 $0xFFFFC000  }
0xd0: {  	_ =	swait.ge [sflag:s5], $0x4000  }
0xd1: {  	[sflag:s5] =	ssyncset.done $0x0  }
0xd2: {  	s0 =	rddreg [dreg:$0x5];
	[sflag:s5] =	ssyncadd.s32 $0xFFFFC000  }
0xd3: {  	[hbm4b:s0+s2] =	stream.linear.scatter [tilespmem:s6], [sflag:$0x2], $0x8000, $0x38;
	[tilespmem:$0x10A00] =	vst v63  }
0xd4: {  	_ =	swait.ge [sflag:s3], $0x8000  }
0xd5: {  	[sflag:s3] =	ssyncset.done $0x0  }
0xd6: {  	[sflag:s3] =	ssyncadd.s32 $0xFFFF8000  }
0xd7: {  	[tilespmem:s8], [sflag:$0x1] =	stream.indirect.gather [hbm4b:s4+s7], $0x80, s22, s7, $0xb8;
	[tilespmem:$0x10A00] =	vst v63  }
0xd8: {  	_ = 	snop  }
0xd9: {  	[tilespmem:s10], [sflag:$0x1] =	stream.indirect.gather [hbm4b:s4+s7], $0x80, s23, s7, $0xb8;
	[tilespmem:$0x10A00] =	vst v63  }
0xda: {  	_ =	swait.ge [sflag:s5], $0x4000  }
0xdb: {  	[sflag:s5] =	ssyncset.done $0x0  }
0xdc: {  	[sflag:s5] =	ssyncadd.s32 $0xFFFFC000  }
0xdd: {  	_ =	swait.ge [sflag:s5], $0x4000  }
0xde: {  	[sflag:s5] =	ssyncset.done $0x0  }
0xdf: {  	s0 =	rddreg [dreg:$0x6];
	[sflag:s5] =	ssyncadd.s32 $0xFFFFC000  }
0xe0: {  	[hbm4b:s0+s2] =	stream.linear.scatter [tilespmem:s8], [sflag:$0x2], $0x8000, $0x38;
	[tilespmem:$0x10A00] =	vst v63  }
0xe1: {  	_ =	swait.ge [sflag:s3], $0x8000  }
0xe2: {  	[sflag:s3] =	ssyncset.done $0x0  }
0xe3: {  	[sflag:s3] =	ssyncadd.s32 $0xFFFF8000  }
0xe4: {  	[tilespmem:s6], [sflag:$0x1] =	stream.indirect.gather [hbm4b:s4+s7], $0x80, s19, s7, $0xb8;
	[tilespmem:$0x10A00] =	vst v63  }
0xe5: {  	_ = 	snop  }
0xe6: {  	[tilespmem:s9], [sflag:$0x1] =	stream.indirect.gather [hbm4b:s4+s7], $0x80, s20, s7, $0xb8;
	[tilespmem:$0x10A00] =	vst v63  }
0xe7: {  	_ =	swait.ge [sflag:s5], $0x4000  }
0xe8: {  	[sflag:s5] =	ssyncset.done $0x0  }
0xe9: {  	[sflag:s5] =	ssyncadd.s32 $0xFFFFC000  }
0xea: {  	_ =	swait.ge [sflag:s5], $0x4000  }
0xeb: {  	[sflag:s5] =	ssyncset.done $0x0  }
0xec: {  	s0 =	rddreg [dreg:$0x7];
	[sflag:s5] =	ssyncadd.s32 $0xFFFFC000  }
0xed: {  	[hbm4b:s0+s2] =	stream.linear.scatter [tilespmem:s6], [sflag:$0x2], $0x8000, $0x38;
	[tilespmem:$0x10A00] =	vst v63  }
0xee: {  	_ =	swait.ge [sflag:s3], $0x8000  }
0xef: {  	[sflag:s3] =	ssyncset.done $0x0  }
0xf0: {  	[sflag:s3] =	ssyncadd.s32 $0xFFFF8000  }
0xf1: {  	[tilespmem:s8], [sflag:$0x1] =	stream.indirect.gather [hbm4b:s4+s7], $0x80, s17, s7, $0xb8;
	[tilespmem:$0x10A00] =	vst v63  }
0xf2: {  	_ = 	snop  }
0xf3: {  	[tilespmem:s10], [sflag:$0x1] =	stream.indirect.gather [hbm4b:s4+s7], $0x80, s18, s7, $0xb8;
	[tilespmem:$0x10A00] =	vst v63  }
0xf4: {  	_ =	swait.ge [sflag:s5], $0x4000  }
0xf5: {  	[sflag:s5] =	ssyncset.done $0x0  }
0xf6: {  	[sflag:s5] =	ssyncadd.s32 $0xFFFFC000  }
0xf7: {  	_ =	swait.ge [sflag:s5], $0x4000  }
0xf8: {  	[sflag:s5] =	ssyncset.done $0x0  }
0xf9: {  	s0 =	rddreg [dreg:$0x8];
	[sflag:s5] =	ssyncadd.s32 $0xFFFFC000  }
0xfa: {  	[hbm4b:s0+s2] =	stream.linear.scatter [tilespmem:s8], [sflag:$0x2], $0x8000, $0x38;
	[tilespmem:$0x10A00] =	vst v63  }
0xfb: {  	_ =	swait.ge [sflag:s3], $0x8000  }
0xfc: {  	[sflag:s3] =	ssyncset.done $0x0  }
0xfd: {  	[sflag:s3] =	ssyncadd.s32 $0xFFFF8000  }
0xfe: {  	[tilespmem:s6], [sflag:$0x1] =	stream.indirect.gather [hbm4b:s4+s7], $0x80, s15, s7, $0xb8;
	[tilespmem:$0x10A00] =	vst v63  }
0xff: {  	_ = 	snop  }
0x100: {  	[tilespmem:s9], [sflag:$0x1] =	stream.indirect.gather [hbm4b:s4+s7], $0x80, s16, s7, $0xb8;
	[tilespmem:$0x10A00] =	vst v63  }
0x101: {  	_ =	swait.ge [sflag:s5], $0x4000  }
0x102: {  	[sflag:s5] =	ssyncset.done $0x0  }
0x103: {  	[sflag:s5] =	ssyncadd.s32 $0xFFFFC000  }
0x104: {  	_ =	swait.ge [sflag:s5], $0x4000  }
0x105: {  	[sflag:s5] =	ssyncset.done $0x0  }
0x106: {  	s0 =	rddreg [dreg:$0x9];
	[sflag:s5] =	ssyncadd.s32 $0xFFFFC000  }
0x107: {  	[hbm4b:s0+s2] =	stream.linear.scatter [tilespmem:s6], [sflag:$0x2], $0x8000, $0x38;
	[tilespmem:$0x10A00] =	vst v63  }
0x108: {  	_ =	swait.ge [sflag:s3], $0x8000  }
0x109: {  	[sflag:s3] =	ssyncset.done $0x0  }
0x10a: {  	[sflag:s3] =	ssyncadd.s32 $0xFFFF8000  }
0x10b: {  	[tilespmem:s8], [sflag:$0x1] =	stream.indirect.gather [hbm4b:s4+s7], $0x80, s13, s7, $0xb8;
	[tilespmem:$0x10A00] =	vst v63  }
0x10c: {  	_ = 	snop  }
0x10d: {  	[tilespmem:s10], [sflag:$0x1] =	stream.indirect.gather [hbm4b:s4+s7], $0x80, s14, s7, $0xb8;
	[tilespmem:$0x10A00] =	vst v63  }
0x10e: {  	_ =	swait.ge [sflag:s5], $0x4000  }
0x10f: {  	[sflag:s5] =	ssyncset.done $0x0  }
0x110: {  	[sflag:s5] =	ssyncadd.s32 $0xFFFFC000  }
0x111: {  	_ =	swait.ge [sflag:s5], $0x4000  }
0x112: {  	[sflag:s5] =	ssyncset.done $0x0  }
0x113: {  	s0 =	rddreg [dreg:$0xa];
	[sflag:s5] =	ssyncadd.s32 $0xFFFFC000  }
0x114: {  	[hbm4b:s0+s2] =	stream.linear.scatter [tilespmem:s8], [sflag:$0x2], $0x8000, $0x38;
	[tilespmem:$0x10A00] =	vst v63  }
0x115: {  	_ =	swait.ge [sflag:s3], $0x8000  }
0x116: {  	[sflag:s3] =	ssyncset.done $0x0  }
0x117: {  	[sflag:s3] =	ssyncadd.s32 $0xFFFF8000  }
0x118: {  	[tilespmem:s6], [sflag:$0x1] =	stream.indirect.gather [hbm4b:s4+s7], $0x80, s11, s7, $0xb8;
	[tilespmem:$0x10A00] =	vst v63  }
0x119: {  	_ = 	snop  }
0x11a: {  	[tilespmem:s9], [sflag:$0x1] =	stream.indirect.gather [hbm4b:s4+s7], $0x80, s12, s7, $0xb8;
	[tilespmem:$0x10A00] =	vst v63  }
0x11b: {  	_ =	swait.ge [sflag:s5], $0x4000  }
0x11c: {  	[sflag:s5] =	ssyncset.done $0x0  }
0x11d: {  	[sflag:s5] =	ssyncadd.s32 $0xFFFFC000  }
0x11e: {  	_ =	swait.ge [sflag:s5], $0x4000  }
0x11f: {  	[sflag:s5] =	ssyncset.done $0x0  }
0x120: {  	p1 =	sne.s32 s1, $0x1;
	s0 =	rddreg [dreg:$0xb];
	[sflag:s5] =	ssyncadd.s32 $0xFFFFC000  }
0x121: {  	[hbm4b:s0+s2] =	stream.linear.scatter [tilespmem:s6], [sflag:$0x2], $0x8000, $0x38;
	[tilespmem:$0x10A00] =	vst v63  }
.Ltmp2:
0x122: {  	_ =	swait.ge [sflag:s3], $0x8000;
	(pc) =	sbr.rel @p1 .LBB2_2-.Ltmp2, $4  }
0x123: {  	[sflag:s3] =	ssyncset.done $0x0  }
0x124: {  	[sflag:s3] =	ssyncadd.s32 $0xFFFF8000  }
0x125: {  	_ =	swait.ge [sflag:s3], $0x8000  }
0x126: {  	s1 =	sadd.s32 $0xFFFFFFFF, s1;
	s0 =	rddreg [dreg:$0x2];
	[sflag:s3] =	ssyncset.done $0x0  }
.LBB2_3:
0x127: {  	[sflag:s3] =	ssyncadd.s32 @p0 $0xFFFF8000  }
0x128: {  	[tilespmem:s2], [sflag:$0x3] =	stream.linear.gather [hbm4b:s0+s2], $0xA00, $0x38;
	[tilespmem:$0x10A00] =	vst v63  }
0x129: {  	_ =	swait.ge [sflag:s31], $0xA00  }
0x12a: {  	[sflag:s31] =	ssyncset.done $0x0  }
0x12b: {  	[sflag:s31] =	ssyncadd.s32 $0xFFFFF600  }
0x12c: {  	[tilespmem:s8], [sflag:$0x1] =	stream.indirect.gather [hbm4b:s4+s7], $0x80, s2, s7, $0xb8;
	[tilespmem:$0x10A00] =	vst v63  }
0x12d: {  	_ = 	snop  }
0x12e: {  	[tilespmem:s10], [sflag:$0x1] =	stream.indirect.gather [hbm4b:s4+s7], $0x80, s7, s7, $0xb8;
	[tilespmem:$0x10A00] =	vst v63  }
0x12f: {  	_ =	swait.ge [sflag:s5], $0x4000  }
0x130: {  	[sflag:s5] =	ssyncset.done $0x0  }
0x131: {  	[sflag:s5] =	ssyncadd.s32 $0xFFFFC000  }
0x132: {  	_ =	swait.ge [sflag:s5], $0x4000  }
0x133: {  	[sflag:s5] =	ssyncset.done $0x0  }
0x134: {  	[sflag:s5] =	ssyncadd.s32 $0xFFFFC000  }
0x135: {  	[hbm4b:s21+s2] =	stream.linear.scatter [tilespmem:s8], [sflag:$0x2], $0x8000, $0x38;
	[tilespmem:$0x10A00] =	vst v63  }
0x136: {  	_ = 	snop  }
0x137: {  	[tilespmem:s6], [sflag:$0x1] =	stream.indirect.gather [hbm4b:s4+s7], $0x80, s29, s7, $0xb8;
	[tilespmem:$0x10A00] =	vst v63  }
0x138: {  	_ = 	snop  }
0x139: {  	[tilespmem:s9], [sflag:$0x1] =	stream.indirect.gather [hbm4b:s4+s7], $0x80, s30, s7, $0xb8;
	[tilespmem:$0x10A00] =	vst v63  }
0x13a: {  	_ =	swait.ge [sflag:s5], $0x4000  }
0x13b: {  	[sflag:s5] =	ssyncset.done $0x0  }
0x13c: {  	[sflag:s5] =	ssyncadd.s32 $0xFFFFC000  }
0x13d: {  	_ =	swait.ge [sflag:s5], $0x4000  }
0x13e: {  	[sflag:s5] =	ssyncset.done $0x0  }
0x13f: {  	s31 =	rddreg [dreg:$0x3];
	[sflag:s5] =	ssyncadd.s32 $0xFFFFC000  }
0x140: {  	[hbm4b:s31+s2] =	stream.linear.scatter [tilespmem:s6], [sflag:$0x2], $0x8000, $0x38;
	[tilespmem:$0x10A00] =	vst v63  }
0x141: {  	_ =	swait.ge [sflag:s3], $0x8000  }
0x142: {  	[sflag:s3] =	ssyncset.done $0x0  }
0x143: {  	[sflag:s3] =	ssyncadd.s32 $0xFFFF8000  }
0x144: {  	[tilespmem:s8], [sflag:$0x1] =	stream.indirect.gather [hbm4b:s4+s7], $0x80, s26, s7, $0xb8;
	[tilespmem:$0x10A00] =	vst v63  }
0x145: {  	_ = 	snop  }
0x146: {  	[tilespmem:s10], [sflag:$0x1] =	stream.indirect.gather [hbm4b:s4+s7], $0x80, s28, s7, $0xb8;
	[tilespmem:$0x10A00] =	vst v63  }
0x147: {  	_ =	swait.ge [sflag:s5], $0x4000  }
0x148: {  	[sflag:s5] =	ssyncset.done $0x0  }
0x149: {  	[sflag:s5] =	ssyncadd.s32 $0xFFFFC000  }
0x14a: {  	_ =	swait.ge [sflag:s5], $0x4000  }
0x14b: {  	[sflag:s5] =	ssyncset.done $0x0  }
0x14c: {  	s1 =	rddreg [dreg:$0x4];
	[sflag:s5] =	ssyncadd.s32 $0xFFFFC000  }
0x14d: {  	[hbm4b:s1+s2] =	stream.linear.scatter [tilespmem:s8], [sflag:$0x2], $0x8000, $0x38;
	[tilespmem:$0x10A00] =	vst v63  }
0x14e: {  	_ =	swait.ge [sflag:s3], $0x8000  }
0x14f: {  	[sflag:s3] =	ssyncset.done $0x0  }
0x150: {  	[sflag:s3] =	ssyncadd.s32 $0xFFFF8000  }
0x151: {  	[tilespmem:s6], [sflag:$0x1] =	stream.indirect.gather [hbm4b:s4+s7], $0x80, s24, s7, $0xb8;
	[tilespmem:$0x10A00] =	vst v63  }
0x152: {  	_ = 	snop  }
0x153: {  	[tilespmem:s9], [sflag:$0x1] =	stream.indirect.gather [hbm4b:s4+s7], $0x80, s25, s7, $0xb8;
	[tilespmem:$0x10A00] =	vst v63  }
0x154: {  	_ =	swait.ge [sflag:s5], $0x4000  }
0x155: {  	[sflag:s5] =	ssyncset.done $0x0  }
0x156: {  	[sflag:s5] =	ssyncadd.s32 $0xFFFFC000  }
0x157: {  	_ =	swait.ge [sflag:s5], $0x4000  }
0x158: {  	[sflag:s5] =	ssyncset.done $0x0  }
0x159: {  	s21 =	rddreg [dreg:$0x5];
	[sflag:s5] =	ssyncadd.s32 $0xFFFFC000  }
0x15a: {  	[hbm4b:s21+s2] =	stream.linear.scatter [tilespmem:s6], [sflag:$0x2], $0x8000, $0x38;
	[tilespmem:$0x10A00] =	vst v63  }
0x15b: {  	_ =	swait.ge [sflag:s3], $0x8000  }
0x15c: {  	[sflag:s3] =	ssyncset.done $0x0  }
0x15d: {  	[sflag:s3] =	ssyncadd.s32 $0xFFFF8000  }
0x15e: {  	[tilespmem:s8], [sflag:$0x1] =	stream.indirect.gather [hbm4b:s4+s7], $0x80, s22, s7, $0xb8;
	[tilespmem:$0x10A00] =	vst v63  }
0x15f: {  	_ = 	snop  }
0x160: {  	[tilespmem:s10], [sflag:$0x1] =	stream.indirect.gather [hbm4b:s4+s7], $0x80, s23, s7, $0xb8;
	[tilespmem:$0x10A00] =	vst v63  }
0x161: {  	_ =	swait.ge [sflag:s5], $0x4000  }
0x162: {  	[sflag:s5] =	ssyncset.done $0x0  }
0x163: {  	[sflag:s5] =	ssyncadd.s32 $0xFFFFC000  }
0x164: {  	_ =	swait.ge [sflag:s5], $0x4000  }
0x165: {  	[sflag:s5] =	ssyncset.done $0x0  }
0x166: {  	s24 =	rddreg [dreg:$0x6];
	[sflag:s5] =	ssyncadd.s32 $0xFFFFC000  }
0x167: {  	[hbm4b:s24+s2] =	stream.linear.scatter [tilespmem:s8], [sflag:$0x2], $0x8000, $0x38;
	[tilespmem:$0x10A00] =	vst v63  }
0x168: {  	_ =	swait.ge [sflag:s3], $0x8000  }
0x169: {  	[sflag:s3] =	ssyncset.done $0x0  }
0x16a: {  	[sflag:s3] =	ssyncadd.s32 $0xFFFF8000  }
0x16b: {  	[tilespmem:s6], [sflag:$0x1] =	stream.indirect.gather [hbm4b:s4+s7], $0x80, s19, s7, $0xb8;
	[tilespmem:$0x10A00] =	vst v63  }
0x16c: {  	_ = 	snop  }
0x16d: {  	[tilespmem:s9], [sflag:$0x1] =	stream.indirect.gather [hbm4b:s4+s7], $0x80, s20, s7, $0xb8;
	[tilespmem:$0x10A00] =	vst v63  }
0x16e: {  	_ =	swait.ge [sflag:s5], $0x4000  }
0x16f: {  	[sflag:s5] =	ssyncset.done $0x0  }
0x170: {  	[sflag:s5] =	ssyncadd.s32 $0xFFFFC000  }
0x171: {  	_ =	swait.ge [sflag:s5], $0x4000  }
0x172: {  	[sflag:s5] =	ssyncset.done $0x0  }
0x173: {  	s25 =	rddreg [dreg:$0x7];
	[sflag:s5] =	ssyncadd.s32 $0xFFFFC000  }
0x174: {  	[hbm4b:s25+s2] =	stream.linear.scatter [tilespmem:s6], [sflag:$0x2], $0x8000, $0x38;
	[tilespmem:$0x10A00] =	vst v63  }
0x175: {  	_ =	swait.ge [sflag:s3], $0x8000  }
0x176: {  	[sflag:s3] =	ssyncset.done $0x0  }
0x177: {  	[sflag:s3] =	ssyncadd.s32 $0xFFFF8000  }
0x178: {  	[tilespmem:s8], [sflag:$0x1] =	stream.indirect.gather [hbm4b:s4+s7], $0x80, s17, s7, $0xb8;
	[tilespmem:$0x10A00] =	vst v63  }
0x179: {  	_ = 	snop  }
0x17a: {  	[tilespmem:s10], [sflag:$0x1] =	stream.indirect.gather [hbm4b:s4+s7], $0x80, s18, s7, $0xb8;
	[tilespmem:$0x10A00] =	vst v63  }
0x17b: {  	_ =	swait.ge [sflag:s5], $0x4000  }
0x17c: {  	[sflag:s5] =	ssyncset.done $0x0  }
0x17d: {  	[sflag:s5] =	ssyncadd.s32 $0xFFFFC000  }
0x17e: {  	_ =	swait.ge [sflag:s5], $0x4000  }
0x17f: {  	[sflag:s5] =	ssyncset.done $0x0  }
0x180: {  	s26 =	rddreg [dreg:$0x8];
	[sflag:s5] =	ssyncadd.s32 $0xFFFFC000  }
0x181: {  	[hbm4b:s26+s2] =	stream.linear.scatter [tilespmem:s8], [sflag:$0x2], $0x8000, $0x38;
	[tilespmem:$0x10A00] =	vst v63  }
0x182: {  	_ =	swait.ge [sflag:s3], $0x8000  }
0x183: {  	[sflag:s3] =	ssyncset.done $0x0  }
0x184: {  	[sflag:s3] =	ssyncadd.s32 $0xFFFF8000  }
0x185: {  	[tilespmem:s6], [sflag:$0x1] =	stream.indirect.gather [hbm4b:s4+s7], $0x80, s15, s7, $0xb8;
	[tilespmem:$0x10A00] =	vst v63  }
0x186: {  	_ = 	snop  }
0x187: {  	[tilespmem:s9], [sflag:$0x1] =	stream.indirect.gather [hbm4b:s4+s7], $0x80, s16, s7, $0xb8;
	[tilespmem:$0x10A00] =	vst v63  }
0x188: {  	_ =	swait.ge [sflag:s5], $0x4000  }
0x189: {  	[sflag:s5] =	ssyncset.done $0x0  }
0x18a: {  	[sflag:s5] =	ssyncadd.s32 $0xFFFFC000  }
0x18b: {  	_ =	swait.ge [sflag:s5], $0x4000  }
0x18c: {  	[sflag:s5] =	ssyncset.done $0x0  }
0x18d: {  	s28 =	rddreg [dreg:$0x9];
	[sflag:s5] =	ssyncadd.s32 $0xFFFFC000  }
0x18e: {  	[hbm4b:s28+s2] =	stream.linear.scatter [tilespmem:s6], [sflag:$0x2], $0x8000, $0x38;
	[tilespmem:$0x10A00] =	vst v63  }
0x18f: {  	_ =	swait.ge [sflag:s3], $0x8000  }
0x190: {  	[sflag:s3] =	ssyncset.done $0x0  }
0x191: {  	[sflag:s3] =	ssyncadd.s32 $0xFFFF8000  }
0x192: {  	[tilespmem:s8], [sflag:$0x1] =	stream.indirect.gather [hbm4b:s4+s7], $0x80, s13, s7, $0xb8;
	[tilespmem:$0x10A00] =	vst v63  }
0x193: {  	_ = 	snop  }
0x194: {  	[tilespmem:s10], [sflag:$0x1] =	stream.indirect.gather [hbm4b:s4+s7], $0x80, s14, s7, $0xb8;
	[tilespmem:$0x10A00] =	vst v63  }
0x195: {  	_ =	swait.ge [sflag:s5], $0x4000  }
0x196: {  	[sflag:s5] =	ssyncset.done $0x0  }
0x197: {  	[sflag:s5] =	ssyncadd.s32 $0xFFFFC000  }
0x198: {  	_ =	swait.ge [sflag:s5], $0x4000  }
0x199: {  	[sflag:s5] =	ssyncset.done $0x0  }
0x19a: {  	s29 =	rddreg [dreg:$0xa];
	[sflag:s5] =	ssyncadd.s32 $0xFFFFC000  }
0x19b: {  	[hbm4b:s29+s2] =	stream.linear.scatter [tilespmem:s8], [sflag:$0x2], $0x8000, $0x38;
	[tilespmem:$0x10A00] =	vst v63  }
0x19c: {  	_ =	swait.ge [sflag:s3], $0x8000  }
0x19d: {  	[sflag:s3] =	ssyncset.done $0x0  }
0x19e: {  	[sflag:s3] =	ssyncadd.s32 $0xFFFF8000  }
0x19f: {  	[tilespmem:s6], [sflag:$0x1] =	stream.indirect.gather [hbm4b:s4+s7], $0x80, s11, s7, $0xb8;
	[tilespmem:$0x10A00] =	vst v63  }
0x1a0: {  	_ = 	snop  }
0x1a1: {  	[tilespmem:s9], [sflag:$0x1] =	stream.indirect.gather [hbm4b:s4+s7], $0x80, s12, s7, $0xb8;
	[tilespmem:$0x10A00] =	vst v63  }
0x1a2: {  	_ =	swait.ge [sflag:s5], $0x4000  }
0x1a3: {  	[sflag:s5] =	ssyncset.done $0x0  }
0x1a4: {  	[sflag:s5] =	ssyncadd.s32 $0xFFFFC000  }
0x1a5: {  	_ =	swait.ge [sflag:s5], $0x4000  }
0x1a6: {  	[sflag:s5] =	ssyncset.done $0x0  }
0x1a7: {  	s30 =	rddreg [dreg:$0xb];
	[sflag:s5] =	ssyncadd.s32 $0xFFFFC000  }
0x1a8: {  	[hbm4b:s30+s2] =	stream.linear.scatter [tilespmem:s6], [sflag:$0x2], $0x8000, $0x38;
	[tilespmem:$0x10A00] =	vst v63  }
0x1a9: {  	_ =	swait.ge [sflag:s3], $0x8000  }
0x1aa: {  	[sflag:s3] =	ssyncset.done $0x0  }
0x1ab: {  	[sflag:s3] =	ssyncadd.s32 $0xFFFF8000  }
0x1ac: {  	_ =	swait.ge [sflag:s3], $0x8000  }
0x1ad: {  	[sflag:s3] =	ssyncset.done $0x0  }
0x1ae: {  	[sflag:s3] =	ssyncadd.s32 $0xFFFF8000  }
0x1af: {  	_ =	sfence.sel $0x180000  }
0x1b0: {  	[bflag:$0x0] =	sbarrier.arrive $0xFFFF  }
0x1b1: {  	_ =	strace $0x90000047  }
0x1b2: {  	s31 =	stileid.u32;
	[bflag:$0x2] =	sbarrier.arrive $0xFFFF  }
0x1b3: {  	p0 =	sne.s32 s31, $0x0;
	s0 =	rddreg [dreg:$0x1]  }
0x1b4: {  	s0 =	sadd.s32 @!p0 $0x100000, s0  }
0x1b5: {  	[sflag:s0] =	ssyncadd.tile.s32 @!p0 $0x1;
	_ =	shalt  }
.Lfunc_end2:
_tile_overlayer_lowered:
.L_overlay_start_2:
0x1b6: {  	(tag) =	ssettag $0x2  }
0x1b7: {  	s0 =	rddreg [dreg:$0x0];
	s2 =	stileid.u32  }
0x1b8: {  	s1 =	rddreg [dreg:$0x1];
	p0 =	sne.s32 s2, $0x0  }
0x1b9: {  	s3 =	rddreg [dreg:$0x2];
	[bflag:$0x3] =	sbarrier.arrive $0xFFFF;
	s2 =	simm.s32 @!p0 $0x1C03  }
0x1ba: {  	[timem:s3], [sflag:s2] =	dma.local @!p0 [hbm:s0], s1  }
0x1bb: {  	s0 =	simm.s32 @!p0 $0x3  }
0x1bc: {  	_ =	swait.ge @!p0 [sflag:s0], s1  }
0x1bd: {  	s1 =	ssub.s32 @!p0 $0x0, s1;
	[sflag:s0] =	ssyncset.done @!p0 $0x0  }
0x1be: {  	[sflag:s0] =	ssyncadd.s32 @!p0 s1  }
0x1bf: {  	[bflag:$0x3] =	sbarrier.arrive $0xFFFF  }
0x1c0: {  	_ =	shalt  }

// kernel: kernel.9.cloned.1.call-start
scs
__scs_entry_jumppad:
0x0: {  	(pc) =	sbr.rel $0x88, $3  }
0x1: {  	(tag) =	ssettag $0x0;
	lr =	simm.s32 $0x1  }
0x2: {  	[smem:$0x3F9B] =	sst lr;
	_ =	strace $0xD0000000  }
0x3: {  	_ = 	snop  }
0x4: {  	_ = 	snop  }
0x5: {  	_ = 	snop  }
0x6: {  	_ = 	snop  }
0x7: {  	_ = 	snop  }
__scs_overlays_trampoline_lowered:
0x8: {  	[smem:$0x3FAA] =	sst s0  }
0x9: {  	[smem:$0x3FAB] =	sst s1  }
0xa: {  	[smem:$0x3FAC] =	sst s2  }
0xb: {  	[smem:$0x3FAD] =	sst s3  }
0xc: {  	[smem:$0x3FAE] =	sst s4  }
0xd: {  	[smem:$0x3FAF] =	sst s5  }
0xe: {  	[smem:$0x3FB0] =	sst s6  }
0xf: {  	[smem:$0x3FB1] =	sst s7  }
0x10: {  	[smem:$0x3FB2] =	sst s8  }
0x11: {  	[smem:$0x3FB3] =	sst s9;
	s0 =	simm.s32 @!p0 $0x0  }
0x12: {  	s1 =	sld [smem:$0x3F99];
	s0 =	simm.s32 @p0 $0x1  }
0x13: {  	[smem:$0x3FB4] =	sst s0;
	s0 =	simm.s32 @!p1 $0x0  }
0x14: {  	s2 =	sld [smem:$0x3F98];
	s0 =	simm.s32 @p1 $0x1  }
0x15: {  	[smem:$0x3FB5] =	sst s0;
	s0 =	simm.s32 @!p2 $0x0  }
0x16: {  	s3 =	sld [smem:$0x3FDB];
	s0 =	simm.s32 @p2 $0x1  }
0x17: {  	s4 =	simm.s32 $0x1BF5;
	[smem:$0x3FB7] =	sst s0  }
0x18: {  	s0 =	sld [smem:$0x3F9A];
	_ =	swait.ge [sflag:s4], $0x0  }
0x19: {  	s7 =	sld [smem:$0x3F9B]  }
0x1a: {  	s8 =	sadd.s32 $0xFFFFE003, lr  }
0x1b: {  	s9 =	sadd.s32 $0xFFFFFEF7, lr;
	s5 =	simm.s32 $0xFFFFFFFF;
	p2 =	slt.u32 s8, $0xFFFFF086  }
0x1c: {  	p1 =	slt.u32 s9, $0xF7A;
	s5 =	simm.s32 @!p2 $0x0  }
0x1d: {  	s5 =	simm.s32 @p1 $0x1;
	p0 =	seq.s32 s7, s2  }
0x1e: {  	s7 =	smul.u32 @!p0 $0xF7A, s2;
	p2 =	seq.s32 @!p0 s5, $0x0  }
0x1f: {  	s9 =	smul.u32 $0xF7A, s1;
	s8 =	simm.s32 @!p0 $0x1BF5;
	p2 =	por !p2, p0  }
0x20: {  	[sflag:s8] =	ssyncset.s32 @!p0 $0xFFFFF086;
	s6 =	sadd.s32 @!p0 s3, s7;
	s7 =	simm.s32 @!p0 $0x108  }
0x21: {  	s3 =	sadd.s32 s3, s9;
	s6 =	sadd.s32 @!p0 $0x88, s6;
	s7 =	simm.s32 @p2 $0x1082  }
0x22: {  	[simem:s7], [sflag:s8] =	dma.local @!p0 [hbm:s6], $0xF7A  }
0x23: {  	s9 =	sor.u32 $0xD0000000, s2;
	s6 =	simm.s32 $0x108;
	_ =	swait.ge @!p0 [sflag:s8], $0x0  }
0x24: {  	s3 =	sadd.s32 $0x88, s3;
	s6 =	simm.s32 @!p1 $0x1082;
	[sflag:s4] =	ssyncset.s32 $0xFFFFF086  }
0x25: {  	[simem:s6], [sflag:s4] =	dma.local [hbm:s3], $0xF7A  }
0x26: {  	[smem:$0x3F9B] =	sst s1;
	(tag) =	ssettag s2;
	_ =	strace s9  }
0x27: {  	s1 =	sld [smem:$0x3FAB]  }
0x28: {  	s2 =	sld [smem:$0x3FAC]  }
0x29: {  	s4 =	sld [smem:$0x3FAE]  }
0x2a: {  	p0 =	seq.s32 s5, $0x0;
	s5 =	sld [smem:$0x3FAF]  }
0x2b: {  	s6 =	sld [smem:$0x3FB0]  }
0x2c: {  	s7 =	sld [smem:$0x3FB1]  }
0x2d: {  	s3 =	simm.s32 $0x108;
	s8 =	sld [smem:$0x3FB2]  }
0x2e: {  	s3 =	simm.s32 @!p0 $0x1082;
	s9 =	sld [smem:$0x3FB3]  }
0x2f: {  	lr =	sadd.s32 s0, s3;
	s0 =	sld [smem:$0x3FAA]  }
0x30: {  	s3 =	sld [smem:$0x3FAD]  }
0x31: {  	[smem:$0x3FB6] =	sst s10  }
0x32: {  	s10 =	sld [smem:$0x3FB4];
	_ =	sdelay $0x3  }
0x33: {  	p0 =	seq.s32 s10, $0x1;
	s10 =	sld [smem:$0x3FB6];
	_ =	sdelay $0x3  }
0x34: {  	[smem:$0x3FB6] =	sst s10  }
0x35: {  	s10 =	sld [smem:$0x3FB5];
	_ =	sdelay $0x3  }
0x36: {  	p1 =	seq.s32 s10, $0x1;
	s10 =	sld [smem:$0x3FB6];
	_ =	sdelay $0x3  }
0x37: {  	[smem:$0x3FB6] =	sst s10  }
0x38: {  	s10 =	sld [smem:$0x3FB7]  }
0x39: {  	_ = 	snop;
	(pc) =	sbr.ind lr, $3  }
0x3a: {  	_ = 	snop  }
0x3b: {  	_ = 	snop  }
0x3c: {  	p2 =	seq.s32 s10, $0x1;
	s10 =	sld [smem:$0x3FB6]  }
0x3d: {  	_ =	shalt  }
0x3e: {  	_ =	shalt  }
0x3f: {  	_ =	shalt  }
0x40: {  	_ =	shalt  }
0x41: {  	_ =	shalt  }
0x42: {  	_ =	shalt  }
0x43: {  	_ =	shalt  }
0x44: {  	_ =	shalt  }
0x45: {  	_ =	shalt  }
0x46: {  	_ =	shalt  }
0x47: {  	_ =	shalt  }
0x48: {  	_ =	shalt  }
0x49: {  	_ =	shalt  }
0x4a: {  	_ =	shalt  }
0x4b: {  	_ =	shalt  }
0x4c: {  	_ =	shalt  }
0x4d: {  	_ =	shalt  }
0x4e: {  	_ =	shalt  }
0x4f: {  	_ =	shalt  }
0x50: {  	_ =	shalt  }
0x51: {  	_ =	shalt  }
0x52: {  	_ =	shalt  }
0x53: {  	_ =	shalt  }
0x54: {  	_ =	shalt  }
0x55: {  	_ =	shalt  }
0x56: {  	_ =	shalt  }
0x57: {  	_ =	shalt  }
0x58: {  	_ =	shalt  }
0x59: {  	_ =	shalt  }
0x5a: {  	_ =	shalt  }
0x5b: {  	_ =	shalt  }
0x5c: {  	_ =	shalt  }
0x5d: {  	_ =	shalt  }
0x5e: {  	_ =	shalt  }
0x5f: {  	_ =	shalt  }
0x60: {  	_ =	shalt  }
0x61: {  	_ =	shalt  }
0x62: {  	_ =	shalt  }
0x63: {  	_ =	shalt  }
0x64: {  	_ =	shalt  }
0x65: {  	_ =	shalt  }
0x66: {  	_ =	shalt  }
0x67: {  	_ =	shalt  }
0x68: {  	_ =	shalt  }
0x69: {  	_ =	shalt  }
0x6a: {  	_ =	shalt  }
0x6b: {  	_ =	shalt  }
0x6c: {  	_ =	shalt  }
0x6d: {  	_ =	shalt  }
0x6e: {  	_ =	shalt  }
0x6f: {  	_ =	shalt  }
0x70: {  	_ =	shalt  }
0x71: {  	_ =	shalt  }
0x72: {  	_ =	shalt  }
0x73: {  	_ =	shalt  }
0x74: {  	_ =	shalt  }
0x75: {  	_ =	shalt  }
0x76: {  	_ =	shalt  }
0x77: {  	_ =	shalt  }
0x78: {  	_ =	shalt  }
0x79: {  	_ =	shalt  }
0x7a: {  	_ =	shalt  }
0x7b: {  	_ =	shalt  }
0x7c: {  	_ =	shalt  }
0x7d: {  	_ =	shalt  }
0x7e: {  	_ =	shalt  }
0x7f: {  	_ =	shalt  }
0x80: {  	_ =	shalt  }
0x81: {  	_ =	shalt  }
0x82: {  	_ =	shalt  }
0x83: {  	_ =	shalt  }
0x84: {  	_ =	shalt  }
0x85: {  	_ =	shalt  }
0x86: {  	_ =	shalt  }
0x87: {  	_ =	shalt  }
.Lfunc_end0:
.L_simem_size_0:
called_computation.1_lowered:
.L_overlay_start_0:
0x88: {  	s2 =	sld [smem:$0x3FD9]  }
0x89: {  	s3 =	sld [smem:$0x3FFE];
	_ =	sdelay $0x1  }
0x8a: {  	s1 =	srdreg.scid  }
0x8b: {  	s0 =	sand.u32 $0x1, s1  }
0x8c: {  	s17 =	sshll.u32 s0, $0xA;
	s2 =	sadd.s32 s3, s2  }
0x8d: {  	s2 =	sadd.s32 s2, s17  }
0x8e: {  	[smem:$0x3FC2] =	sst s2  }
0x8f: {  	_ = 	snop  }
0x90: {  	s2 =	sld [smem:$0x3FD0];
	(tm) =	ssettm $0x1  }
0x91: {  	s18 =	sld [smem:$0x3FFB];
	_ =	sdelay $0x3  }
0x92: {  	_ =	strace s18  }
0x93: {  	s3 =	sld [smem:$0x3FFC];
	_ =	sdelay $0x3  }
0x94: {  	_ =	strace s3  }
0x95: {  	s3 =	sld [smem:$0x3FFD];
	_ =	sdelay $0x3  }
0x96: {  	_ =	strace s3  }
0x97: {  	_ =	strace $0x8FFFFFFF  }
0x98: {  	s19 =	sld [smem:$0x3FDB];
	_ =	sdelay $0x1  }
0x99: {  	s4 =	simm.s32 $_scs_section_size  }
0x9a: {  	s5 =	simm.s32 $_size__tile_overlayer_lowered;
	s6 =	simm.s32 $_tile_overlayer_lowered  }
0x9b: {  	s22 =	simm.s32 $0x1BFF;
	s21 =	sshll.u32 s6, $0x1;
	s3 =	sadd.s32 s4, s19  }
0x9c: {  	s7 =	simm.s32 $0x0;
	s20 =	sshll.u32 s5, $0x1;
	s5 =	sadd.s32 s21, s3  }
0x9d: {  	[timem:s7], [sflag:s22] =	dma.local [hbm:s5], s20  }
0x9e: {  	_ =	swait.ge [sflag:s22], s20  }
0x9f: {  	s4 =	ssub.s32 $0x0, s20;
	[sflag:s22] =	ssyncset.done $0x0  }
0xa0: {  	[sflag:s22] =	ssyncadd.s32 s4;
	_ =	sdelay $0x1  }
0xa1: {  	s23 =	simm.s32 $0x1B8B  }
0xa2: {  	_ =	swait.ge [sflag:s23], $0x1  }
0xa3: {  	[sflag:s23] =	ssyncset.done $0x0  }
0xa4: {  	s25 =	simm.s32 $0x1B8E;
	s24 =	sld [smem:$0x3FFE];
	[sflag:s23] =	ssyncadd.s32 $0xFFFFFFFF  }
0xa5: {  	s26 =	simm.s32 $execute0_lowered;
	[smem:$0x3FD2] =	sst s25  }
0xa6: {  	s5 =	sshll.u32 s26, $0x1;
	_ =	strace $0x80000049;
	[dreg:$0x1] =	wrdreg $0xFFFFFFFF  }
0xa7: {  	s28 =	simm.s32 $_size_execute0_lowered;
	s3 =	sadd.s32 s3, s5;
	[dreg:$0x0] =	wrdreg $0x0  }
0xa8: {  	s5 =	sshll.u32 s28, $0x1;
	[dreg:$0x2] =	wrdreg s3  }
0xa9: {  	[dreg:$0x3] =	wrdreg s5  }
0xaa: {  	[dreg:$0x4] =	wrdreg $0xC0  }
0xab: {  	_ =	task [dreg:s7], $0x5FFFF  }
0xac: {  	[dreg:$0x1] =	wrdreg $0xFFFFFFFF  }
0xad: {  	[dreg:$0x0] =	wrdreg $0x60  }
0xae: {  	[dreg:$0x2] =	wrdreg s24  }
0xaf: {  	[dreg:$0x3] =	wrdreg s2  }
0xb0: {  	[dreg:$0x4] =	wrdreg $0x9  }
0xb1: {  	_ =	task.clear_ibuf [dreg:s7], $0x5FFFF;
	_ =	strace $0x90000049  }
0xb2: {  	s29 =	simm.s32 $0x9;
	_ =	strace $0x8000004B  }
0xb3: {  	_ =	swait.ge [sflag:s29], $0x1  }
0xb4: {  	[sflag:s29] =	ssyncadd.s32 $0xFFFFFFFF  }
0xb5: {  	_ =	strace $0x9000004B  }
0xb6: {  	_ =	sfence  }
0xb7: {  	s30 =	sld [smem:$0x0];
	_ =	sdelay $0x2  }
0xb8: {  	s31 =	sshll.u32 s1, $0xD;
	s1 =	sshrl.u32 s1, $0x2  }
0xb9: {  	s3 =	sand.u32 $0x4000, s31;
	s1 =	sadd.s32 s1, s30  }
0xba: {  	s0 =	sor.u32 s3, s0;
	s1 =	sshll.u32 s1, $0x11  }
0xbb: {  	s0 =	sor.u32 s1, s0  }
0xbc: {  	s0 =	sadd.s32 $0x8F2B, s0  }
0xbd: {  	[sflag:s0] =	ssyncadd.remote.s32 $0x1  }
0xbe: {  	_ =	sfence.sel $0xFFFF  }
0xbf: {  	[dreg:$0x0] =	wrdreg $0xFFFFFFFF;
	(pc) =	sbr.abs _section_cstart, $3  }
0xc0: {  	[dreg:$0x1] =	wrdreg $0xFFFFFFFF  }
0xc1: {  	_ =	task.clear_ibuf [dreg:s7], $0x2FFFF;
	_ =	strace $0x9FFFFFFF  }
0xc2: {  	(tm) =	ssettm $0x7FFFFFFF  }
0xc3: {  	_ =	shalt  }
tec
execute0_lowered:
.L_overlay_start_1:
0x0: {  	(tag) =	ssettag $0x1  }
0x1: {  	s1 =	srdreg.scid;
	s0 =	stileid.u32  }
0x2: {  	s4 =	rddreg [dreg:$0x0];
	s1 =	sand.u32 $0x1, s1;
	s2 =	sshll.u32 s0, $0x1  }
0x3: {  	s5 =	rddreg [dreg:$0x1];
	s3 =	sor.u32 s1, s2;
	s2 =	simm.s32 $0x0  }
0x4: {  	s7 =	simm.s32 $0x2A00;
	[smem:$0x7FF] =	sst s2  }
0x5: {  	s8 =	simm.s32 $0x180;
	_ =	strace $0x8000004A;
	[dreg:$0x7] =	wrdreg s7  }
0x6: {  	s9 =	simm.s32 $0x3A00;
	[dreg:$0x8] =	wrdreg s8  }
0x7: {  	s10 =	simm.s32 $0x200;
	[dreg:$0x9] =	wrdreg s9  }
0x8: {  	s11 =	simm.s32 $0x4A00;
	[dreg:$0xa] =	wrdreg s10  }
0x9: {  	s12 =	simm.s32 $0x280;
	[dreg:$0xb] =	wrdreg s11  }
0xa: {  	s13 =	simm.s32 $0x5A00;
	[dreg:$0xc] =	wrdreg s12  }
0xb: {  	s14 =	simm.s32 $0x300;
	[dreg:$0xd] =	wrdreg s13  }
0xc: {  	s15 =	simm.s32 $0x6A00;
	[dreg:$0xe] =	wrdreg s14  }
0xd: {  	s16 =	simm.s32 $0x380;
	s6 =	smul.u32 $0x2800, s3;
	[dreg:$0xf] =	wrdreg s15  }
0xe: {  	s17 =	simm.s32 $0x7A00;
	s3 =	smul.u32 $0x140, s3;
	[dreg:$0x10] =	wrdreg s16  }
0xf: {  	s19 =	simm.s32 $0x400;
	[dreg:$0x11] =	wrdreg s17  }
0x10: {  	[dreg:$0x12] =	wrdreg s19;
	s3 =	sadd.s32 s5, s3  }
0x11: {  	s6 =	sadd.s32 s6, s4;
	s5 =	simm.s32 $0x1A00;
	[dreg:$0x3] =	wrdreg s3  }
0x12: {  	s0 =	sadd.s32 $0x1600, s6;
	[dreg:$0x5] =	wrdreg s5  }
0x13: {  	s6 =	simm.s32 $0x100;
	[dreg:$0x4] =	wrdreg s0  }
0x14: {  	[dreg:$0x6] =	wrdreg s6  }
0x15: {  	s3 =	simm.s32 $0x2;
	s18 =	rddreg [dreg:$0x3]  }
0x16: {  	[tilespmem:s2], [sflag:$0x2] =	stream.linear.gather [hbm4b:s18+s2], $0xA00, $0x38;
	[tilespmem:$0x14A00] =	vst v63  }
0x17: {  	_ =	swait.ge [sflag:s3], $0xA00  }
0x18: {  	s7 =	rddreg [dreg:$0x11]  }
0x19: {  	s8 =	rddreg [dreg:$0xf]  }
0x1a: {  	s9 =	rddreg [dreg:$0xd]  }
0x1b: {  	s4 =	sadd.s32 $0x403E00, s4;
	s10 =	rddreg [dreg:$0xb]  }
0x1c: {  	s5 =	simm.s32 $0xA00;
	s11 =	rddreg [dreg:$0x6];
	[sflag:s3] =	ssyncset.done $0x0  }
0x1d: {  	s6 =	simm.s32 $0x80;
	s12 =	rddreg [dreg:$0x5];
	[sflag:s3] =	ssyncadd.s32 $0xFFFFF600  }
0x1e: {  	[tilespmem:s5], [sflag:$0x1] =	stream.indirect.gather [hbm4b:s4+s6], $0x20, s2, s6, $0xb8;
	[tilespmem:$0x14A00] =	vst v63  }
0x1f: {  	s13 =	rddreg [dreg:$0x7]  }
0x20: {  	[tilespmem:s12], [sflag:$0x1] =	stream.indirect.gather [hbm4b:s4+s6], $0x20, s6, s6, $0xb8;
	[tilespmem:$0x14A00] =	vst v63  }
0x21: {  	s14 =	rddreg [dreg:$0x9]  }
0x22: {  	[tilespmem:s13], [sflag:$0x1] =	stream.indirect.gather [hbm4b:s4+s6], $0x20, s11, s6, $0xb8;
	[tilespmem:$0x14A00] =	vst v63  }
0x23: {  	s20 =	rddreg [dreg:$0x8]  }
0x24: {  	[tilespmem:s14], [sflag:$0x1] =	stream.indirect.gather [hbm4b:s4+s6], $0x20, s20, s6, $0xb8;
	[tilespmem:$0x14A00] =	vst v63  }
0x25: {  	s21 =	rddreg [dreg:$0xa]  }
0x26: {  	[tilespmem:s10], [sflag:$0x1] =	stream.indirect.gather [hbm4b:s4+s6], $0x20, s21, s6, $0xb8;
	[tilespmem:$0x14A00] =	vst v63  }
0x27: {  	s22 =	rddreg [dreg:$0xc]  }
0x28: {  	[tilespmem:s9], [sflag:$0x1] =	stream.indirect.gather [hbm4b:s4+s6], $0x20, s22, s6, $0xb8;
	[tilespmem:$0x14A00] =	vst v63  }
0x29: {  	s23 =	rddreg [dreg:$0xe]  }
0x2a: {  	[tilespmem:s8], [sflag:$0x1] =	stream.indirect.gather [hbm4b:s4+s6], $0x20, s23, s6, $0xb8;
	[tilespmem:$0x14A00] =	vst v63  }
0x2b: {  	s24 =	rddreg [dreg:$0x10]  }
0x2c: {  	[tilespmem:s7], [sflag:$0x1] =	stream.indirect.gather [hbm4b:s4+s6], $0x20, s24, s6, $0xb8;
	[tilespmem:$0x14A00] =	vst v63  }
0x2d: {  	s26 =	simm.s32 $0x8A00;
	s25 =	rddreg [dreg:$0x12]  }
0x2e: {  	[tilespmem:s26], [sflag:$0x1] =	stream.indirect.gather [hbm4b:s4+s6], $0x20, s25, s6, $0xb8;
	[tilespmem:$0x14A00] =	vst v63  }
0x2f: {  	s8 =	simm.s32 $0x9A00;
	s7 =	simm.s32 $0x480  }
0x30: {  	[tilespmem:s8], [sflag:$0x1] =	stream.indirect.gather [hbm4b:s4+s6], $0x20, s7, s6, $0xb8;
	[tilespmem:$0x14A00] =	vst v63  }
0x31: {  	s10 =	simm.s32 $0xAA00;
	s9 =	simm.s32 $0x500  }
0x32: {  	[tilespmem:s10], [sflag:$0x1] =	stream.indirect.gather [hbm4b:s4+s6], $0x20, s9, s6, $0xb8;
	[tilespmem:$0x14A00] =	vst v63  }
0x33: {  	s12 =	simm.s32 $0xBA00;
	s11 =	simm.s32 $0x580  }
0x34: {  	[tilespmem:s12], [sflag:$0x1] =	stream.indirect.gather [hbm4b:s4+s6], $0x20, s11, s6, $0xb8;
	[tilespmem:$0x14A00] =	vst v63  }
0x35: {  	s15 =	simm.s32 $0xCA00;
	s14 =	simm.s32 $0x600  }
0x36: {  	[tilespmem:s15], [sflag:$0x1] =	stream.indirect.gather [hbm4b:s4+s6], $0x20, s14, s6, $0xb8;
	[tilespmem:$0x14A00] =	vst v63  }
0x37: {  	s16 =	simm.s32 $0x680;
	s17 =	simm.s32 $0xDA00  }
0x38: {  	[tilespmem:s17], [sflag:$0x1] =	stream.indirect.gather [hbm4b:s4+s6], $0x20, s16, s6, $0xb8;
	[tilespmem:$0x14A00] =	vst v63  }
0x39: {  	s19 =	simm.s32 $0xEA00;
	s18 =	simm.s32 $0x700  }
0x3a: {  	[tilespmem:s19], [sflag:$0x1] =	stream.indirect.gather [hbm4b:s4+s6], $0x20, s18, s6, $0xb8;
	[tilespmem:$0x14A00] =	vst v63  }
0x3b: {  	s20 =	simm.s32 $0x780;
	s21 =	simm.s32 $0xFA00  }
0x3c: {  	[tilespmem:s21], [sflag:$0x1] =	stream.indirect.gather [hbm4b:s4+s6], $0x20, s20, s6, $0xb8;
	[tilespmem:$0x14A00] =	vst v63  }
0x3d: {  	s22 =	simm.s32 $0x800;
	s23 =	simm.s32 $0x10A00  }
0x3e: {  	[tilespmem:s23], [sflag:$0x1] =	stream.indirect.gather [hbm4b:s4+s6], $0x20, s22, s6, $0xb8;
	[tilespmem:$0x14A00] =	vst v63  }
0x3f: {  	s24 =	simm.s32 $0x880;
	s25 =	simm.s32 $0x11A00  }
0x40: {  	[tilespmem:s25], [sflag:$0x1] =	stream.indirect.gather [hbm4b:s4+s6], $0x20, s24, s6, $0xb8;
	[tilespmem:$0x14A00] =	vst v63  }
0x41: {  	s28 =	simm.s32 $0x12A00;
	s26 =	simm.s32 $0x900  }
0x42: {  	[tilespmem:s28], [sflag:$0x1] =	stream.indirect.gather [hbm4b:s4+s6], $0x20, s26, s6, $0xb8;
	[tilespmem:$0x14A00] =	vst v63  }
0x43: {  	s30 =	simm.s32 $0x980;
	s31 =	simm.s32 $0x13A00;
	s29 =	simm.s32 $0x1  }
0x44: {  	[tilespmem:s31], [sflag:$0x1] =	stream.indirect.gather [hbm4b:s4+s6], $0x20, s30, s6, $0xb8;
	[tilespmem:$0x14A00] =	vst v63  }
0x45: {  	_ =	swait.ge [sflag:s29], $0x1000  }
0x46: {  	[sflag:s29] =	ssyncset.done $0x0  }
0x47: {  	[sflag:s29] =	ssyncadd.s32 $0xFFFFF000  }
0x48: {  	_ =	swait.ge [sflag:s29], $0x1000  }
0x49: {  	[sflag:s29] =	ssyncset.done $0x0  }
0x4a: {  	[sflag:s29] =	ssyncadd.s32 $0xFFFFF000  }
0x4b: {  	_ =	swait.ge [sflag:s29], $0x1000  }
0x4c: {  	[sflag:s29] =	ssyncset.done $0x0  }
0x4d: {  	[sflag:s29] =	ssyncadd.s32 $0xFFFFF000  }
0x4e: {  	_ =	swait.ge [sflag:s29], $0x1000  }
0x4f: {  	[sflag:s29] =	ssyncset.done $0x0  }
0x50: {  	[sflag:s29] =	ssyncadd.s32 $0xFFFFF000  }
0x51: {  	_ =	swait.ge [sflag:s29], $0x1000  }
0x52: {  	[sflag:s29] =	ssyncset.done $0x0  }
0x53: {  	[sflag:s29] =	ssyncadd.s32 $0xFFFFF000  }
0x54: {  	_ =	swait.ge [sflag:s29], $0x1000  }
0x55: {  	[sflag:s29] =	ssyncset.done $0x0  }
0x56: {  	[sflag:s29] =	ssyncadd.s32 $0xFFFFF000  }
0x57: {  	_ =	swait.ge [sflag:s29], $0x1000  }
0x58: {  	[sflag:s29] =	ssyncset.done $0x0  }
0x59: {  	[sflag:s29] =	ssyncadd.s32 $0xFFFFF000  }
0x5a: {  	_ =	swait.ge [sflag:s29], $0x1000  }
0x5b: {  	[sflag:s29] =	ssyncset.done $0x0  }
0x5c: {  	[sflag:s29] =	ssyncadd.s32 $0xFFFFF000  }
0x5d: {  	_ =	swait.ge [sflag:s29], $0x1000  }
0x5e: {  	[sflag:s29] =	ssyncset.done $0x0  }
0x5f: {  	[sflag:s29] =	ssyncadd.s32 $0xFFFFF000  }
0x60: {  	_ =	swait.ge [sflag:s29], $0x1000  }
0x61: {  	[sflag:s29] =	ssyncset.done $0x0  }
0x62: {  	[sflag:s29] =	ssyncadd.s32 $0xFFFFF000  }
0x63: {  	_ =	swait.ge [sflag:s29], $0x1000  }
0x64: {  	[sflag:s29] =	ssyncset.done $0x0  }
0x65: {  	[sflag:s29] =	ssyncadd.s32 $0xFFFFF000  }
0x66: {  	_ =	swait.ge [sflag:s29], $0x1000  }
0x67: {  	[sflag:s29] =	ssyncset.done $0x0  }
0x68: {  	[sflag:s29] =	ssyncadd.s32 $0xFFFFF000  }
0x69: {  	_ =	swait.ge [sflag:s29], $0x1000  }
0x6a: {  	[sflag:s29] =	ssyncset.done $0x0  }
0x6b: {  	[sflag:s29] =	ssyncadd.s32 $0xFFFFF000  }
0x6c: {  	_ =	swait.ge [sflag:s29], $0x1000  }
0x6d: {  	[sflag:s29] =	ssyncset.done $0x0  }
0x6e: {  	[sflag:s29] =	ssyncadd.s32 $0xFFFFF000  }
0x6f: {  	_ =	swait.ge [sflag:s29], $0x1000  }
0x70: {  	[sflag:s29] =	ssyncset.done $0x0  }
0x71: {  	[sflag:s29] =	ssyncadd.s32 $0xFFFFF000  }
0x72: {  	_ =	swait.ge [sflag:s29], $0x1000  }
0x73: {  	[sflag:s29] =	ssyncset.done $0x0  }
0x74: {  	[sflag:s29] =	ssyncadd.s32 $0xFFFFF000  }
0x75: {  	s1 =	ssub.s32 $0x2, s1;
	_ =	swait.ge [sflag:s29], $0x1000  }
0x76: {  	s13 =	sshrl.u32 s1, $0x1;
	[sflag:s29] =	ssyncset.done $0x0  }
0x77: {  	s0 =	ssub.s32 s1, s13;
	[sflag:s29] =	ssyncadd.s32 $0xFFFFF000  }
0x78: {  	s0 =	smax.u32 s0, $0x1;
	_ =	swait.ge [sflag:s29], $0x1000  }
0x79: {  	p0 =	sne.s32 s0, $0x1;
	[sflag:s29] =	ssyncset.done $0x0  }
.Ltmp0:
0x7a: {  	[sflag:s29] =	ssyncadd.s32 $0xFFFFF000;
	(pc) =	sbr.rel @!p0 .LBB2_2-.Ltmp0, $4  }
0x7b: {  	_ =	swait.ge [sflag:s29], $0x1000  }
0x7c: {  	[sflag:s29] =	ssyncset.done $0x0  }
0x7d: {  	[sflag:s29] =	ssyncadd.s32 $0xFFFFF000  }
0x7e: {  	s1 =	sadd.s32 $0xFFFFFFFF, s0;
	_ =	swait.ge [sflag:s29], $0x1000  }
.LBB2_1:
0x7f: {  	[sflag:s29] =	ssyncset.done $0x0  }
0x80: {  	s0 =	rddreg [dreg:$0x4];
	[sflag:s29] =	ssyncadd.s32 $0xFFFFF000  }
0x81: {  	[hbm4b:s0+s2] =	stream.linear.scatter [tilespmem:s5], [sflag:$0x2], $0x14000, $0x38;
	[tilespmem:$0x14A00] =	vst v63  }
0x82: {  	_ =	swait.ge [sflag:s3], $0x14000  }
0x83: {  	[sflag:s3] =	ssyncset.done $0x0  }
0x84: {  	s11 =	rddreg [dreg:$0x3];
	[sflag:s3] =	ssyncadd.s32 $0xFFFEC000  }
0x85: {  	[tilespmem:s2], [sflag:$0x2] =	stream.linear.gather [hbm4b:s11+s2], $0xA00, $0x38;
	[tilespmem:$0x14A00] =	vst v63  }
0x86: {  	_ =	swait.ge [sflag:s3], $0xA00  }
0x87: {  	s0 =	rddreg [dreg:$0x11]  }
0x88: {  	s7 =	rddreg [dreg:$0xf]  }
0x89: {  	s8 =	rddreg [dreg:$0xd]  }
0x8a: {  	s9 =	rddreg [dreg:$0xb]  }
0x8b: {  	s10 =	rddreg [dreg:$0x6];
	[sflag:s3] =	ssyncset.done $0x0  }
0x8c: {  	s11 =	rddreg [dreg:$0x5];
	[sflag:s3] =	ssyncadd.s32 $0xFFFFF600  }
0x8d: {  	[tilespmem:s5], [sflag:$0x1] =	stream.indirect.gather [hbm4b:s4+s6], $0x20, s2, s6, $0xb8;
	[tilespmem:$0x14A00] =	vst v63  }
0x8e: {  	s12 =	rddreg [dreg:$0x7]  }
0x8f: {  	[tilespmem:s11], [sflag:$0x1] =	stream.indirect.gather [hbm4b:s4+s6], $0x20, s6, s6, $0xb8;
	[tilespmem:$0x14A00] =	vst v63  }
0x90: {  	s13 =	rddreg [dreg:$0x9]  }
0x91: {  	[tilespmem:s12], [sflag:$0x1] =	stream.indirect.gather [hbm4b:s4+s6], $0x20, s10, s6, $0xb8;
	[tilespmem:$0x14A00] =	vst v63  }
0x92: {  	s11 =	rddreg [dreg:$0x8]  }
0x93: {  	[tilespmem:s13], [sflag:$0x1] =	stream.indirect.gather [hbm4b:s4+s6], $0x20, s11, s6, $0xb8;
	[tilespmem:$0x14A00] =	vst v63  }
0x94: {  	s12 =	rddreg [dreg:$0xa]  }
0x95: {  	[tilespmem:s9], [sflag:$0x1] =	stream.indirect.gather [hbm4b:s4+s6], $0x20, s12, s6, $0xb8;
	[tilespmem:$0x14A00] =	vst v63  }
0x96: {  	s13 =	rddreg [dreg:$0xc]  }
0x97: {  	[tilespmem:s8], [sflag:$0x1] =	stream.indirect.gather [hbm4b:s4+s6], $0x20, s13, s6, $0xb8;
	[tilespmem:$0x14A00] =	vst v63  }
0x98: {  	s10 =	rddreg [dreg:$0xe]  }
0x99: {  	[tilespmem:s7], [sflag:$0x1] =	stream.indirect.gather [hbm4b:s4+s6], $0x20, s10, s6, $0xb8;
	[tilespmem:$0x14A00] =	vst v63  }
0x9a: {  	s11 =	rddreg [dreg:$0x10]  }
0x9b: {  	[tilespmem:s0], [sflag:$0x1] =	stream.indirect.gather [hbm4b:s4+s6], $0x20, s11, s6, $0xb8;
	[tilespmem:$0x14A00] =	vst v63  }
0x9c: {  	s12 =	rddreg [dreg:$0x12];
	s13 =	simm.s32 $0x8A00  }
0x9d: {  	[tilespmem:s13], [sflag:$0x1] =	stream.indirect.gather [hbm4b:s4+s6], $0x20, s12, s6, $0xb8;
	[tilespmem:$0x14A00] =	vst v63  }
0x9e: {  	s9 =	simm.s32 $0x9A00;
	s8 =	simm.s32 $0x480  }
0x9f: {  	[tilespmem:s9], [sflag:$0x1] =	stream.indirect.gather [hbm4b:s4+s6], $0x20, s8, s6, $0xb8;
	[tilespmem:$0x14A00] =	vst v63  }
0xa0: {  	s10 =	simm.s32 $0x500;
	s11 =	simm.s32 $0xAA00  }
0xa1: {  	[tilespmem:s11], [sflag:$0x1] =	stream.indirect.gather [hbm4b:s4+s6], $0x20, s10, s6, $0xb8;
	[tilespmem:$0x14A00] =	vst v63  }
0xa2: {  	s12 =	simm.s32 $0x580;
	s13 =	simm.s32 $0xBA00  }
0xa3: {  	[tilespmem:s13], [sflag:$0x1] =	stream.indirect.gather [hbm4b:s4+s6], $0x20, s12, s6, $0xb8;
	[tilespmem:$0x14A00] =	vst v63  }
0xa4: {  	_ = 	snop  }
0xa5: {  	[tilespmem:s15], [sflag:$0x1] =	stream.indirect.gather [hbm4b:s4+s6], $0x20, s14, s6, $0xb8;
	[tilespmem:$0x14A00] =	vst v63  }
0xa6: {  	_ = 	snop  }
0xa7: {  	[tilespmem:s17], [sflag:$0x1] =	stream.indirect.gather [hbm4b:s4+s6], $0x20, s16, s6, $0xb8;
	[tilespmem:$0x14A00] =	vst v63  }
0xa8: {  	_ = 	snop  }
0xa9: {  	[tilespmem:s19], [sflag:$0x1] =	stream.indirect.gather [hbm4b:s4+s6], $0x20, s18, s6, $0xb8;
	[tilespmem:$0x14A00] =	vst v63  }
0xaa: {  	_ = 	snop  }
0xab: {  	[tilespmem:s21], [sflag:$0x1] =	stream.indirect.gather [hbm4b:s4+s6], $0x20, s20, s6, $0xb8;
	[tilespmem:$0x14A00] =	vst v63  }
0xac: {  	_ = 	snop  }
0xad: {  	[tilespmem:s23], [sflag:$0x1] =	stream.indirect.gather [hbm4b:s4+s6], $0x20, s22, s6, $0xb8;
	[tilespmem:$0x14A00] =	vst v63  }
0xae: {  	_ = 	snop  }
0xaf: {  	[tilespmem:s25], [sflag:$0x1] =	stream.indirect.gather [hbm4b:s4+s6], $0x20, s24, s6, $0xb8;
	[tilespmem:$0x14A00] =	vst v63  }
0xb0: {  	_ = 	snop  }
0xb1: {  	[tilespmem:s28], [sflag:$0x1] =	stream.indirect.gather [hbm4b:s4+s6], $0x20, s26, s6, $0xb8;
	[tilespmem:$0x14A00] =	vst v63  }
0xb2: {  	_ = 	snop  }
0xb3: {  	[tilespmem:s31], [sflag:$0x1] =	stream.indirect.gather [hbm4b:s4+s6], $0x20, s30, s6, $0xb8;
	[tilespmem:$0x14A00] =	vst v63  }
0xb4: {  	_ =	swait.ge [sflag:s29], $0x1000  }
0xb5: {  	[sflag:s29] =	ssyncset.done $0x0  }
0xb6: {  	[sflag:s29] =	ssyncadd.s32 $0xFFFFF000  }
0xb7: {  	_ =	swait.ge [sflag:s29], $0x1000  }
0xb8: {  	[sflag:s29] =	ssyncset.done $0x0  }
0xb9: {  	[sflag:s29] =	ssyncadd.s32 $0xFFFFF000  }
0xba: {  	_ =	swait.ge [sflag:s29], $0x1000  }
0xbb: {  	[sflag:s29] =	ssyncset.done $0x0  }
0xbc: {  	[sflag:s29] =	ssyncadd.s32 $0xFFFFF000  }
0xbd: {  	_ =	swait.ge [sflag:s29], $0x1000  }
0xbe: {  	[sflag:s29] =	ssyncset.done $0x0  }
0xbf: {  	[sflag:s29] =	ssyncadd.s32 $0xFFFFF000  }
0xc0: {  	_ =	swait.ge [sflag:s29], $0x1000  }
0xc1: {  	[sflag:s29] =	ssyncset.done $0x0  }
0xc2: {  	[sflag:s29] =	ssyncadd.s32 $0xFFFFF000  }
0xc3: {  	_ =	swait.ge [sflag:s29], $0x1000  }
0xc4: {  	[sflag:s29] =	ssyncset.done $0x0  }
0xc5: {  	[sflag:s29] =	ssyncadd.s32 $0xFFFFF000  }
0xc6: {  	_ =	swait.ge [sflag:s29], $0x1000  }
0xc7: {  	[sflag:s29] =	ssyncset.done $0x0  }
0xc8: {  	[sflag:s29] =	ssyncadd.s32 $0xFFFFF000  }
0xc9: {  	_ =	swait.ge [sflag:s29], $0x1000  }
0xca: {  	[sflag:s29] =	ssyncset.done $0x0  }
0xcb: {  	[sflag:s29] =	ssyncadd.s32 $0xFFFFF000  }
0xcc: {  	_ =	swait.ge [sflag:s29], $0x1000  }
0xcd: {  	[sflag:s29] =	ssyncset.done $0x0  }
0xce: {  	[sflag:s29] =	ssyncadd.s32 $0xFFFFF000  }
0xcf: {  	_ =	swait.ge [sflag:s29], $0x1000  }
0xd0: {  	[sflag:s29] =	ssyncset.done $0x0  }
0xd1: {  	[sflag:s29] =	ssyncadd.s32 $0xFFFFF000  }
0xd2: {  	_ =	swait.ge [sflag:s29], $0x1000  }
0xd3: {  	[sflag:s29] =	ssyncset.done $0x0  }
0xd4: {  	[sflag:s29] =	ssyncadd.s32 $0xFFFFF000  }
0xd5: {  	_ =	swait.ge [sflag:s29], $0x1000  }
0xd6: {  	[sflag:s29] =	ssyncset.done $0x0  }
0xd7: {  	[sflag:s29] =	ssyncadd.s32 $0xFFFFF000  }
0xd8: {  	_ =	swait.ge [sflag:s29], $0x1000  }
0xd9: {  	[sflag:s29] =	ssyncset.done $0x0  }
0xda: {  	[sflag:s29] =	ssyncadd.s32 $0xFFFFF000  }
0xdb: {  	_ =	swait.ge [sflag:s29], $0x1000  }
0xdc: {  	[sflag:s29] =	ssyncset.done $0x0  }
0xdd: {  	[sflag:s29] =	ssyncadd.s32 $0xFFFFF000  }
0xde: {  	_ =	swait.ge [sflag:s29], $0x1000  }
0xdf: {  	[sflag:s29] =	ssyncset.done $0x0  }
0xe0: {  	[sflag:s29] =	ssyncadd.s32 $0xFFFFF000  }
0xe1: {  	_ =	swait.ge [sflag:s29], $0x1000  }
0xe2: {  	[sflag:s29] =	ssyncset.done $0x0  }
0xe3: {  	[sflag:s29] =	ssyncadd.s32 $0xFFFFF000  }
0xe4: {  	_ =	swait.ge [sflag:s29], $0x1000  }
0xe5: {  	[sflag:s29] =	ssyncset.done $0x0  }
0xe6: {  	[sflag:s29] =	ssyncadd.s32 $0xFFFFF000  }
0xe7: {  	_ =	swait.ge [sflag:s29], $0x1000  }
0xe8: {  	p0 =	sne.s32 s1, $0x1;
	[sflag:s29] =	ssyncset.done $0x0  }
.Ltmp1:
0xe9: {  	[sflag:s29] =	ssyncadd.s32 $0xFFFFF000;
	(pc) =	sbr.rel @p0 .LBB2_1-.Ltmp1, $4  }
0xea: {  	_ =	swait.ge [sflag:s29], $0x1000  }
0xeb: {  	[sflag:s29] =	ssyncset.done $0x0  }
0xec: {  	[sflag:s29] =	ssyncadd.s32 $0xFFFFF000  }
0xed: {  	s1 =	sadd.s32 $0xFFFFFFFF, s1;
	_ =	swait.ge [sflag:s29], $0x1000  }
.LBB2_2:
0xee: {  	[sflag:s29] =	ssyncset.done $0x0  }
0xef: {  	s0 =	rddreg [dreg:$0x4];
	[sflag:s29] =	ssyncadd.s32 $0xFFFFF000  }
0xf0: {  	[hbm4b:s0+s2] =	stream.linear.scatter [tilespmem:s5], [sflag:$0x2], $0x14000, $0x38;
	[tilespmem:$0x14A00] =	vst v63  }
0xf1: {  	_ =	swait.ge [sflag:s3], $0x14000  }
0xf2: {  	[sflag:s3] =	ssyncset.done $0x0  }
0xf3: {  	[sflag:s3] =	ssyncadd.s32 $0xFFFEC000  }
0xf4: {  	_ =	sfence.sel $0x180000  }
0xf5: {  	[bflag:$0x0] =	sbarrier.arrive $0xFFFF  }
0xf6: {  	_ =	strace $0x9000004A  }
0xf7: {  	s31 =	stileid.u32;
	[bflag:$0x2] =	sbarrier.arrive $0xFFFF  }
0xf8: {  	p0 =	sne.s32 s31, $0x0;
	s0 =	rddreg [dreg:$0x2]  }
0xf9: {  	s0 =	sadd.s32 @!p0 $0x100000, s0  }
0xfa: {  	[sflag:s0] =	ssyncadd.tile.s32 @!p0 $0x1;
	_ =	shalt  }
.Lfunc_end2:
_tile_overlayer_lowered:
.L_overlay_start_2:
0xfb: {  	(tag) =	ssettag $0x2  }
0xfc: {  	s0 =	rddreg [dreg:$0x0];
	s2 =	stileid.u32  }
0xfd: {  	s1 =	rddreg [dreg:$0x1];
	p0 =	sne.s32 s2, $0x0  }
0xfe: {  	s3 =	rddreg [dreg:$0x2];
	[bflag:$0x3] =	sbarrier.arrive $0xFFFF;
	s2 =	simm.s32 @!p0 $0x1C02  }
0xff: {  	[timem:s3], [sflag:s2] =	dma.local @!p0 [hbm:s0], s1  }
0x100: {  	s0 =	simm.s32 @!p0 $0x2  }
0x101: {  	_ =	swait.ge @!p0 [sflag:s0], s1  }
0x102: {  	s1 =	ssub.s32 @!p0 $0x0, s1;
	[sflag:s0] =	ssyncset.done @!p0 $0x0  }
0x103: {  	[sflag:s0] =	ssyncadd.s32 @!p0 s1  }
0x104: {  	[bflag:$0x3] =	sbarrier.arrive $0xFFFF  }
0x105: {  	_ =	shalt  }

</sc_bundles>
